<compile_context>
chip_gen: v7x
topology: tpu7x:2x2x1
jax: 0.10.2.dev20260603
libtpu: 0.0.44.dev20260713+nightly
codegen_flags: <defaults>
</compile_context>

<pallas_src>
import functools

import jax
import jax.numpy as jnp
from jax import lax
from jax.experimental import pallas as pl
from jax.experimental.pallas import tpu as pltpu
from jax.experimental.pallas import tpu_sc as plsc

N = 10000
E = 320000
D = 128

NC = 2
NS = 16
NW = NC * NS

NP = 10240
RPT = NP // NS
EW = E // NW
CH = 80
NCHUNK = EW // CH
NB = 3

_MESH = plsc.VectorSubcoreMesh(
    core_axis_name="c", subcore_axis_name="s", num_cores=NC, num_subcores=NS)


def _sc_agg_body(with_deg, h, src, dst2, *args):
    if with_deg:
        (out, deg_out, idx_d, s0, s1, s2, r0b, r1b, r2b, ones, zeros1, acc, acc1,
         semd, is0, is1, is2, gs0, gs1, gs2, ss0, ss1, ss2) = args
    else:
        (out, idx_d, s0, s1, s2, r0b, r1b, r2b, acc,
         semd, is0, is1, is2, gs0, gs1, gs2, ss0, ss1, ss2) = args
    cid = lax.axis_index("c")
    sid = lax.axis_index("s")
    wid = sid * NC + cid
    base = wid * EW

    sbufs = [s0, s1, s2]
    rbufs = [r0b, r1b, r2b]
    isem = [is0, is1, is2]
    gsem = [gs0, gs1, gs2]
    ssem = [ss0, ss1, ss2]

    pltpu.async_copy(dst2.at[wid], idx_d, semd)

    zc = D // 16

    def fill_z(i, _):
        r0b[i // zc, pl.ds((i % zc) * 16, 16)] = jnp.zeros((16,), jnp.float32)
        return 0

    lax.fori_loop(0, CH * zc, fill_z, 0)
    row0 = sid * RPT
    for i in range(RPT // CH):
        pltpu.sync_copy(r0b, acc.at[pl.ds(row0 + i * CH, CH)])

    if with_deg:
        def fill_ones(i, _):
            ones[pl.ds(i * 16, 16)] = jnp.ones((16,), jnp.float32)
            return 0

        lax.fori_loop(0, CH // 16, fill_ones, 0)

        def fill_z1(i, _):
            zeros1[pl.ds(i * 16, 16)] = jnp.zeros((16,), jnp.float32)
            return 0

        lax.fori_loop(0, RPT // 16, fill_z1, 0)
        pltpu.sync_copy(zeros1, acc1.at[pl.ds(row0, RPT)])

    pltpu.make_async_copy(dst2.at[wid], idx_d, semd).wait()
    plsc.subcore_barrier()

    def iload(k, b):
        pltpu.async_copy(src.at[pl.ds(base + k * CH, CH)], sbufs[b], isem[b])

    def iload_wait(k, b):
        pltpu.make_async_copy(src.at[pl.ds(base + k * CH, CH)], sbufs[b],
                              isem[b]).wait()

    def gath(b):
        pltpu.async_copy(h.at[sbufs[b]], rbufs[b], gsem[b])

    def gath_wait(b):
        pltpu.make_async_copy(h.at[sbufs[b]], rbufs[b], gsem[b]).wait()

    def scat(k, b):
        pltpu.async_copy(rbufs[b], acc.at[idx_d.at[k]], ssem[b], add=True)
        if with_deg:
            pltpu.async_copy(ones, acc1.at[idx_d.at[k]], semd, add=True)

    def scat_wait(k, b):
        pltpu.make_async_copy(rbufs[b], acc.at[idx_d.at[k]], ssem[b]).wait()

    iload(0, 0)
    iload(1, 1)
    iload_wait(0, 0)
    gath(0)

    def body3(j, _):
        for t in range(NB):
            k = j * NB + t
            b = t
            bp1 = (t + 1) % NB
            bp2 = (t + 2) % NB
            @pl.when(jnp.logical_and(k + 2 < NCHUNK, k >= 1))
            def _():
                scat_wait(k - 1, bp2)

            @pl.when(k + 2 < NCHUNK)
            def _():
                iload(k + 2, bp2)

            @pl.when(k + 1 < NCHUNK)
            def _():
                iload_wait(k + 1, bp1)
                gath(bp1)

            @pl.when(k < NCHUNK)
            def _():
                gath_wait(b)
                scat(k, b)
        return 0

    lax.fori_loop(0, (NCHUNK + NB - 1) // NB, body3, 0)

    for t in range(NB):
        k = NCHUNK - NB + t
        scat_wait(k, k % NB)

    if with_deg:
        def drain_ones(k, _):
            pltpu.make_async_copy(ones, acc1.at[idx_d.at[0]], semd).wait()
            return 0

        lax.fori_loop(0, NCHUNK, drain_ones, 0)
    plsc.subcore_barrier()

    pltpu.sync_copy(acc.at[pl.ds(row0, RPT)], out.at[cid, pl.ds(row0, RPT)])
    if with_deg:
        pltpu.sync_copy(acc1.at[pl.ds(row0, RPT)], deg_out.at[cid, pl.ds(row0, RPT)])


def _sc_agg(h, src, dst2, with_deg):
    out_type = [jax.ShapeDtypeStruct((NC, NP, D), jnp.float32)]
    scratch = [
        pltpu.VMEM((NCHUNK, CH), jnp.int32),
        pltpu.VMEM((CH,), jnp.int32),
        pltpu.VMEM((CH,), jnp.int32),
        pltpu.VMEM((CH,), jnp.int32),
        pltpu.VMEM((CH, D), jnp.float32),
        pltpu.VMEM((CH, D), jnp.float32),
        pltpu.VMEM((CH, D), jnp.float32),
    ]
    nsem = 10
    if with_deg:
        out_type.append(jax.ShapeDtypeStruct((NC, NP), jnp.float32))
        scratch.append(pltpu.VMEM((CH,), jnp.float32))
        scratch.append(pltpu.VMEM((RPT,), jnp.float32))
    scratch.append(pltpu.VMEM_SHARED((NP, D), jnp.float32))
    if with_deg:
        scratch.append(pltpu.VMEM_SHARED((NP,), jnp.float32))
    scratch += [pltpu.SemaphoreType.DMA] * nsem
    kfn = pl.kernel(
        functools.partial(_sc_agg_body, with_deg),
        out_type=out_type,
        mesh=_MESH,
        scratch_types=scratch,
    )
    return kfn(h, src, dst2)


BR = 2000


def _layer_body(relu, h_ref, parts_ref, inv_ref, ws_ref, wn_ref, b_ref, out_ref):
    agg = (parts_ref[0] + parts_ref[1]) * inv_ref[...]
    o = jnp.dot(h_ref[...], ws_ref[...], preferred_element_type=jnp.float32)
    o += jnp.dot(agg, wn_ref[...], preferred_element_type=jnp.float32)
    o += b_ref[...]
    if relu:
        o = jnp.maximum(o, 0.0)
    out_ref[...] = o


def _layer(h, parts, inv, Ws, Wn, b, relu):
    Dout = Ws.shape[1]
    return pl.pallas_call(
        functools.partial(_layer_body, relu),
        grid=(N // BR,),
        in_specs=[
            pl.BlockSpec((BR, D), lambda i: (i, 0)),
            pl.BlockSpec((NC, BR, D), lambda i: (0, i, 0)),
            pl.BlockSpec((BR, 1), lambda i: (i, 0)),
            pl.BlockSpec((D, Dout), lambda i: (0, 0)),
            pl.BlockSpec((D, Dout), lambda i: (0, 0)),
            pl.BlockSpec((1, Dout), lambda i: (0, 0)),
        ],
        out_specs=pl.BlockSpec((BR, Dout), lambda i: (i, 0)),
        out_shape=jax.ShapeDtypeStruct((N, Dout), jnp.float32),
    )(h, parts, inv, Ws, Wn, b.reshape(1, -1))


def kernel(x, edge_index, Ws0, Wn0, b0, Ws1, Wn1, b1, Ws2, Wn2, b2):
    src = edge_index[0]
    dst = edge_index[1]
    dst2 = dst.reshape(NW, NCHUNK, CH)

    h = x
    inv = None
    for l, (Ws, Wn, b) in enumerate([(Ws0, Wn0, b0), (Ws1, Wn1, b1), (Ws2, Wn2, b2)]):
        if l == 0:
            parts, deg_parts = _sc_agg(h, src, dst2, with_deg=True)
            deg = deg_parts[0, :N] + deg_parts[1, :N]
            inv = (1.0 / jnp.clip(deg, 1.0, None)).reshape(N, 1)
        else:
            (parts,) = _sc_agg(h, src, dst2, with_deg=False)
        h = _layer(h, parts, inv, Ws, Wn, b, relu=(l != 2))
    return h

# --- scband reference (transcript-rebuilt; emitter-appended) ---
"""Pipeline reference for scband-dist-sagemodel-76699525972144 (READ-ONLY COPY).

The authoritative reference and input builder live on the scoring server;
editing this copy changes nothing except your own understanding.
"""

import jax, jax.numpy as jnp
import numpy as np

N = 10000
E = 320000
D_IN = 128
D_H = 128
D_OUT = 64


def setup_inputs(seed: int = 0) -> dict:
    key = jax.random.key(seed)
    ks = jax.random.split(key, 12)
    x = jax.random.normal(ks[0], (N, D_IN), dtype=jnp.float32)
    edge_index = jax.random.randint(ks[1], (2, E), 0, N, dtype=jnp.int32)
    s0 = 1.0 / np.sqrt(D_IN)
    s1 = 1.0 / np.sqrt(D_H)
    Ws0 = jax.random.uniform(ks[2], (D_IN, D_H), jnp.float32, -s0, s0)
    Wn0 = jax.random.uniform(ks[3], (D_IN, D_H), jnp.float32, -s0, s0)
    b0 = jnp.zeros((D_H,), jnp.float32)
    Ws1 = jax.random.uniform(ks[4], (D_H, D_H), jnp.float32, -s1, s1)
    Wn1 = jax.random.uniform(ks[5], (D_H, D_H), jnp.float32, -s1, s1)
    b1 = jnp.zeros((D_H,), jnp.float32)
    Ws2 = jax.random.uniform(ks[6], (D_H, D_OUT), jnp.float32, -s1, s1)
    Wn2 = jax.random.uniform(ks[7], (D_H, D_OUT), jnp.float32, -s1, s1)
    b2 = jnp.zeros((D_OUT,), jnp.float32)
    return {"x": x, "edge_index": edge_index, "Ws0": Ws0, "Wn0": Wn0, "b0": b0,
            "Ws1": Ws1, "Wn1": Wn1, "b1": b1, "Ws2": Ws2, "Wn2": Wn2, "b2": b2}


def reference(x, edge_index, Ws0, Wn0, b0, Ws1, Wn1, b1, Ws2, Wn2, b2):
    # GraphSAGE with 'mean' aggregation, 3 layers, relu between layers.
    # Dropout is identity at inference time.
    src = edge_index[0]
    dst = edge_index[1]
    deg = jax.ops.segment_sum(jnp.ones((E,), jnp.float32), dst, num_segments=N)
    deg = jnp.clip(deg, 1.0, None)[:, None]
    params = [(Ws0, Wn0, b0), (Ws1, Wn1, b1), (Ws2, Wn2, b2)]
    h = x
    for l, (Ws, Wn, b) in enumerate(params):
        gathered = jnp.take(h, src, axis=0)            # gather over edges
        agg = jax.ops.segment_sum(gathered, dst, num_segments=N) / deg  # mean aggregation
        h = h @ Ws + agg @ Wn + b
        if l != len(params) - 1:
            h = jax.nn.relu(h)
    return h

if __name__ == "__main__":
    import jax
    _d = setup_inputs()
    print(jax.jit(kernel)(*tuple(_d.values())))

</pallas_src>

<mosaic_0001>
#map = affine_map<(d0, d1) -> (0, 0)>
#map1 = affine_map<(d0, d1) -> (0)>
#map2 = affine_map<(d0, d1) -> (0, 0, 0)>
module attributes {stable_mosaic.version = 14 : i64} {
  func.func @_sc_agg_body(%arg0: i32, %arg1: i32, %arg2: memref<10000x128xf32, #tpu.memory_space<hbm>>, %arg3: memref<320000xi32, #tpu.memory_space<hbm>>, %arg4: memref<32x125x80xi32, #tpu.memory_space<hbm>>, %arg5: memref<2x10240x128xf32, #tpu.memory_space<hbm>>, %arg6: memref<2x10240xf32, #tpu.memory_space<hbm>>, %arg7: memref<125x80xi32, #tpu.memory_space<vmem>>, %arg8: memref<80xi32, #tpu.memory_space<vmem>>, %arg9: memref<80xi32, #tpu.memory_space<vmem>>, %arg10: memref<80xi32, #tpu.memory_space<vmem>>, %arg11: memref<80x128xf32, #tpu.memory_space<vmem>>, %arg12: memref<80x128xf32, #tpu.memory_space<vmem>>, %arg13: memref<80x128xf32, #tpu.memory_space<vmem>>, %arg14: memref<80xf32, #tpu.memory_space<vmem>>, %arg15: memref<640xf32, #tpu.memory_space<vmem>>, %arg16: memref<10240x128xf32, #tpu.memory_space<vmem_shared>>, %arg17: memref<10240xf32, #tpu.memory_space<vmem_shared>>, %arg18: memref<!tpu.dma_semaphore, #tpu.memory_space<semaphore_mem>>, %arg19: memref<!tpu.dma_semaphore, #tpu.memory_space<semaphore_mem>>, %arg20: memref<!tpu.dma_semaphore, #tpu.memory_space<semaphore_mem>>, %arg21: memref<!tpu.dma_semaphore, #tpu.memory_space<semaphore_mem>>, %arg22: memref<!tpu.dma_semaphore, #tpu.memory_space<semaphore_mem>>, %arg23: memref<!tpu.dma_semaphore, #tpu.memory_space<semaphore_mem>>, %arg24: memref<!tpu.dma_semaphore, #tpu.memory_space<semaphore_mem>>, %arg25: memref<!tpu.dma_semaphore, #tpu.memory_space<semaphore_mem>>, %arg26: memref<!tpu.dma_semaphore, #tpu.memory_space<semaphore_mem>>, %arg27: memref<!tpu.dma_semaphore, #tpu.memory_space<semaphore_mem>>) attributes {dimension_semantics = [#tpu.dimension_semantics<core_parallel>, #tpu.dimension_semantics<subcore_parallel>], iteration_bounds = array<i64: 2, 16>, scalar_prefetch = 0 : i64, scratch_operands = 21 : i64, tpu.core_type = #tpu.core_type<sc_vector_subcore>, window_params = [{transform_indices = #map}, {transform_indices = #map1}, {transform_indices = #map2}, {transform_indices = #map2}, {transform_indices = #map}]} {
    %mul3A = arith.constant 2 : i32
    %mul3A_0 = arith.muli %arg1, %mul3A : i32
    %add3A = arith.addi %mul3A_0, %arg0 : i32
    %mul3A_1 = arith.constant 10000 : i32
    %mul3A_2 = arith.muli %add3A, %mul3A_1 : i32
    %dma_start3A = arith.constant 0 : i32
    %dma_start3A_3 = arith.constant 0 : i32
    %dma_start3A_4 = tpu.memref_slice %arg4[%add3A, %dma_start3A, %dma_start3A_3] : memref<32x125x80xi32, #tpu.memory_space<hbm>> -> memref<1x125x80xi32, #tpu.memory_space<hbm>>
    %dma_start3A_5 = tpu.memref_squeeze %dma_start3A_4 : memref<1x125x80xi32, #tpu.memory_space<hbm>> -> memref<125x80xi32, #tpu.memory_space<hbm>>
    %dma_start3A_6 = arith.constant 0 : i32
    %dma_start3A_7 = arith.constant 0 : i32
    %dma_start3A_8 = tpu.memref_slice %arg4[%add3A, %dma_start3A_6, %dma_start3A_7] : memref<32x125x80xi32, #tpu.memory_space<hbm>> -> memref<1x125x80xi32, #tpu.memory_space<hbm>>
    %dma_start3A_9 = tpu.memref_squeeze %dma_start3A_8 : memref<1x125x80xi32, #tpu.memory_space<hbm>> -> memref<125x80xi32, #tpu.memory_space<hbm>>
    tpu.enqueue_dma source(%dma_start3A_9 : memref<125x80xi32, #tpu.memory_space<hbm>>) target(%arg7 : memref<125x80xi32, #tpu.memory_space<vmem>>) target_semaphore(%arg18 : memref<!tpu.dma_semaphore, #tpu.memory_space<semaphore_mem>>)
    %scan3A = arith.constant 0 : i32
    %scan3A_10 = arith.constant 0 : i32
    %scan3A_11 = arith.constant 640 : i32
    %scan3A_12 = arith.addi %scan3A_10, %scan3A_11 : i32
    %scan3A_13 = arith.constant 1 : i32
    %scan3A_14 = scf.for %scan3A_106 = %scan3A_10 to %scan3A_12 step %scan3A_13 iter_args(%scan3A_107 = %scan3A) -> (i32)  : i32 {
      %broadcast_in_dim3A = arith.constant 0.000000e+00 : f32
      %broadcast_in_dim3A_108 = vector.broadcast %broadcast_in_dim3A : f32 to vector<16xf32>
      %jit3A = arith.constant 8 : i32
      %div3A = arith.divsi %scan3A_106, %jit3A : i32
      %sign3A = arith.constant 0 : i32
      %sign3A_109 = arith.cmpi sgt, %scan3A_106, %sign3A : i32
      %sign3A_110 = arith.extui %sign3A_109 : i1 to i32
      %sign3A_111 = arith.constant 0 : i32
      %sign3A_112 = arith.cmpi slt, %scan3A_106, %sign3A_111 : i32
      %sign3A_113 = arith.extui %sign3A_112 : i1 to i32
      %sign3A_114 = arith.subi %sign3A_110, %sign3A_113 : i32
      %sign3A_115 = arith.constant 0 : i32
      %sign3A_116 = arith.cmpi sgt, %jit3A, %sign3A_115 : i32
      %sign3A_117 = arith.extui %sign3A_116 : i1 to i32
      %sign3A_118 = arith.constant 0 : i32
      %sign3A_119 = arith.cmpi slt, %jit3A, %sign3A_118 : i32
      %sign3A_120 = arith.extui %sign3A_119 : i1 to i32
      %sign3A_121 = arith.subi %sign3A_117, %sign3A_120 : i32
      %ne3A = arith.cmpi ne, %sign3A_114, %sign3A_121 : i32
      %rem3A = arith.remsi %scan3A_106, %jit3A : i32
      %ne3A_122 = arith.constant 0 : i32
      %ne3A_123 = arith.cmpi ne, %rem3A, %ne3A_122 : i32
      %and3A = arith.andi %ne3A, %ne3A_123 : i1
      %sub3A = arith.constant 1 : i32
      %sub3A_124 = arith.subi %div3A, %sub3A : i32
      %select_n3A = arith.select %and3A, %sub3A_124, %div3A : i32
      %jit3A_125 = arith.constant 8 : i32
      %eq3A = arith.constant 0 : i32
      %eq3A_126 = arith.cmpi eq, %jit3A_125, %eq3A : i32
      %jit3A_127 = arith.constant 1 : i32
      %select_n3A_128 = arith.select %eq3A_126, %jit3A_127, %jit3A_125 : i32
      %rem3A_129 = arith.remsi %scan3A_106, %select_n3A_128 : i32
      %ne3A_130 = arith.constant 0 : i32
      %ne3A_131 = arith.cmpi ne, %rem3A_129, %ne3A_130 : i32
      %lt3A = arith.constant 0 : i32
      %lt3A_132 = arith.cmpi slt, %rem3A_129, %lt3A : i32
      %lt3A_133 = arith.constant 0 : i32
      %lt3A_134 = arith.cmpi slt, %select_n3A_128, %lt3A_133 : i32
      %ne3A_135 = arith.xori %lt3A_132, %lt3A_134 : i1
      %and3A_136 = arith.andi %ne3A_135, %ne3A_131 : i1
      %add3A_137 = arith.addi %rem3A_129, %select_n3A_128 : i32
      %select_n3A_138 = arith.select %and3A_136, %add3A_137, %rem3A_129 : i32
      %mul3A_139 = arith.constant 16 : i32
      %mul3A_140 = arith.muli %select_n3A_138, %mul3A_139 : i32
      %swap3A = arith.index_cast %select_n3A : i32 to index
      %swap3A_141 = arith.index_cast %mul3A_140 : i32 to index
      %swap3A_142 = tpu.vector_load %arg11[%swap3A, %swap3A_141] {strides = array<i32>} : memref<80x128xf32, #tpu.memory_space<vmem>>, vector<1x16xf32>,
      %swap3A_143 = vector.shape_cast %swap3A_142 : vector<1x16xf32> to vector<16xf32>
      %swap3A_144 = vector.shape_cast %broadcast_in_dim3A_108 : vector<16xf32> to vector<1x16xf32>
      tpu.vector_store %arg11[%swap3A, %swap3A_141], %swap3A_144 {strides = array<i32>} : memref<80x128xf32, #tpu.memory_space<vmem>>, vector<1x16xf32>,
      %scan3A_145 = arith.constant 0 : i32
      scf.yield %scan3A_145 : i32
    }
    %scan3A_15 = arith.constant 640 : i32
    %mul3A_16 = arith.constant 640 : i32
    %mul3A_17 = arith.muli %arg1, %mul3A_16 : i32
    %add3A_18 = arith.constant 0 : i32
    %add3A_19 = arith.addi %mul3A_17, %add3A_18 : i32
    "tpu.region"() ({
      %run_scoped3A = tpu.sem_alloc : memref<!tpu.dma_semaphore, #tpu.memory_space<semaphore_mem>>
      %dma_start3A_106 = arith.constant 0 : i32
      %dma_start3A_107 = tpu.memref_slice %arg16[%add3A_19, %dma_start3A_106] : memref<10240x128xf32, #tpu.memory_space<vmem_shared>> -> memref<80x128xf32, #tpu.memory_space<vmem_shared>>
      %dma_start3A_108 = arith.constant 0 : i32
      %dma_start3A_109 = tpu.memref_slice %arg16[%add3A_19, %dma_start3A_108] : memref<10240x128xf32, #tpu.memory_space<vmem_shared>> -> memref<80x128xf32, #tpu.memory_space<vmem_shared>>
      tpu.enqueue_dma source(%arg11 : memref<80x128xf32, #tpu.memory_space<vmem>>) target(%dma_start3A_109 : memref<80x128xf32, #tpu.memory_space<vmem_shared>>) target_semaphore(%run_scoped3A : memref<!tpu.dma_semaphore, #tpu.memory_space<semaphore_mem>>)
      %dma_wait3A_110 = arith.constant 0 : i32
      %dma_wait3A_111 = tpu.memref_slice %arg16[%add3A_19, %dma_wait3A_110] : memref<10240x128xf32, #tpu.memory_space<vmem_shared>> -> memref<80x128xf32, #tpu.memory_space<vmem_shared>>
      %dma_wait3A_112 = arith.constant 0 : i32
      %dma_wait3A_113 = tpu.memref_slice %arg16[%add3A_19, %dma_wait3A_112] : memref<10240x128xf32, #tpu.memory_space<vmem_shared>> -> memref<80x128xf32, #tpu.memory_space<vmem_shared>>
      tpu.wait_dma2 semaphore(%run_scoped3A : memref<!tpu.dma_semaphore, #tpu.memory_space<semaphore_mem>>) src(%arg11 : memref<80x128xf32, #tpu.memory_space<vmem>>) dst(%dma_wait3A_113 : memref<80x128xf32, #tpu.memory_space<vmem_shared>>)
      tpu.yield
    }) : () -> ()
    %add3A_20 = arith.constant 80 : i32
    %add3A_21 = arith.addi %mul3A_17, %add3A_20 : i32
    "tpu.region"() ({
      %run_scoped3A = tpu.sem_alloc : memref<!tpu.dma_semaphore, #tpu.memory_space<semaphore_mem>>
      %dma_start3A_106 = arith.constant 0 : i32
      %dma_start3A_107 = tpu.memref_slice %arg16[%add3A_21, %dma_start3A_106] : memref<10240x128xf32, #tpu.memory_space<vmem_shared>> -> memref<80x128xf32, #tpu.memory_space<vmem_shared>>
      %dma_start3A_108 = arith.constant 0 : i32
      %dma_start3A_109 = tpu.memref_slice %arg16[%add3A_21, %dma_start3A_108] : memref<10240x128xf32, #tpu.memory_space<vmem_shared>> -> memref<80x128xf32, #tpu.memory_space<vmem_shared>>
      tpu.enqueue_dma source(%arg11 : memref<80x128xf32, #tpu.memory_space<vmem>>) target(%dma_start3A_109 : memref<80x128xf32, #tpu.memory_space<vmem_shared>>) target_semaphore(%run_scoped3A : memref<!tpu.dma_semaphore, #tpu.memory_space<semaphore_mem>>)
      %dma_wait3A_110 = arith.constant 0 : i32
      %dma_wait3A_111 = tpu.memref_slice %arg16[%add3A_21, %dma_wait3A_110] : memref<10240x128xf32, #tpu.memory_space<vmem_shared>> -> memref<80x128xf32, #tpu.memory_space<vmem_shared>>
      %dma_wait3A_112 = arith.constant 0 : i32
      %dma_wait3A_113 = tpu.memref_slice %arg16[%add3A_21, %dma_wait3A_112] : memref<10240x128xf32, #tpu.memory_space<vmem_shared>> -> memref<80x128xf32, #tpu.memory_space<vmem_shared>>
      tpu.wait_dma2 semaphore(%run_scoped3A : memref<!tpu.dma_semaphore, #tpu.memory_space<semaphore_mem>>) src(%arg11 : memref<80x128xf32, #tpu.memory_space<vmem>>) dst(%dma_wait3A_113 : memref<80x128xf32, #tpu.memory_space<vmem_shared>>)
      tpu.yield
    }) : () -> ()
    %add3A_22 = arith.constant 160 : i32
    %add3A_23 = arith.addi %mul3A_17, %add3A_22 : i32
    "tpu.region"() ({
      %run_scoped3A = tpu.sem_alloc : memref<!tpu.dma_semaphore, #tpu.memory_space<semaphore_mem>>
      %dma_start3A_106 = arith.constant 0 : i32
      %dma_start3A_107 = tpu.memref_slice %arg16[%add3A_23, %dma_start3A_106] : memref<10240x128xf32, #tpu.memory_space<vmem_shared>> -> memref<80x128xf32, #tpu.memory_space<vmem_shared>>
      %dma_start3A_108 = arith.constant 0 : i32
      %dma_start3A_109 = tpu.memref_slice %arg16[%add3A_23, %dma_start3A_108] : memref<10240x128xf32, #tpu.memory_space<vmem_shared>> -> memref<80x128xf32, #tpu.memory_space<vmem_shared>>
      tpu.enqueue_dma source(%arg11 : memref<80x128xf32, #tpu.memory_space<vmem>>) target(%dma_start3A_109 : memref<80x128xf32, #tpu.memory_space<vmem_shared>>) target_semaphore(%run_scoped3A : memref<!tpu.dma_semaphore, #tpu.memory_space<semaphore_mem>>)
      %dma_wait3A_110 = arith.constant 0 : i32
      %dma_wait3A_111 = tpu.memref_slice %arg16[%add3A_23, %dma_wait3A_110] : memref<10240x128xf32, #tpu.memory_space<vmem_shared>> -> memref<80x128xf32, #tpu.memory_space<vmem_shared>>
      %dma_wait3A_112 = arith.constant 0 : i32
      %dma_wait3A_113 = tpu.memref_slice %arg16[%add3A_23, %dma_wait3A_112] : memref<10240x128xf32, #tpu.memory_space<vmem_shared>> -> memref<80x128xf32, #tpu.memory_space<vmem_shared>>
      tpu.wait_dma2 semaphore(%run_scoped3A : memref<!tpu.dma_semaphore, #tpu.memory_space<semaphore_mem>>) src(%arg11 : memref<80x128xf32, #tpu.memory_space<vmem>>) dst(%dma_wait3A_113 : memref<80x128xf32, #tpu.memory_space<vmem_shared>>)
      tpu.yield
    }) : () -> ()
    %add3A_24 = arith.constant 240 : i32
    %add3A_25 = arith.addi %mul3A_17, %add3A_24 : i32
    "tpu.region"() ({
      %run_scoped3A = tpu.sem_alloc : memref<!tpu.dma_semaphore, #tpu.memory_space<semaphore_mem>>
      %dma_start3A_106 = arith.constant 0 : i32
      %dma_start3A_107 = tpu.memref_slice %arg16[%add3A_25, %dma_start3A_106] : memref<10240x128xf32, #tpu.memory_space<vmem_shared>> -> memref<80x128xf32, #tpu.memory_space<vmem_shared>>
      %dma_start3A_108 = arith.constant 0 : i32
      %dma_start3A_109 = tpu.memref_slice %arg16[%add3A_25, %dma_start3A_108] : memref<10240x128xf32, #tpu.memory_space<vmem_shared>> -> memref<80x128xf32, #tpu.memory_space<vmem_shared>>
      tpu.enqueue_dma source(%arg11 : memref<80x128xf32, #tpu.memory_space<vmem>>) target(%dma_start3A_109 : memref<80x128xf32, #tpu.memory_space<vmem_shared>>) target_semaphore(%run_scoped3A : memref<!tpu.dma_semaphore, #tpu.memory_space<semaphore_mem>>)
      %dma_wait3A_110 = arith.constant 0 : i32
      %dma_wait3A_111 = tpu.memref_slice %arg16[%add3A_25, %dma_wait3A_110] : memref<10240x128xf32, #tpu.memory_space<vmem_shared>> -> memref<80x128xf32, #tpu.memory_space<vmem_shared>>
      %dma_wait3A_112 = arith.constant 0 : i32
      %dma_wait3A_113 = tpu.memref_slice %arg16[%add3A_25, %dma_wait3A_112] : memref<10240x128xf32, #tpu.memory_space<vmem_shared>> -> memref<80x128xf32, #tpu.memory_space<vmem_shared>>
      tpu.wait_dma2 semaphore(%run_scoped3A : memref<!tpu.dma_semaphore, #tpu.memory_space<semaphore_mem>>) src(%arg11 : memref<80x128xf32, #tpu.memory_space<vmem>>) dst(%dma_wait3A_113 : memref<80x128xf32, #tpu.memory_space<vmem_shared>>)
      tpu.yield
    }) : () -> ()
    %add3A_26 = arith.constant 320 : i32
    %add3A_27 = arith.addi %mul3A_17, %add3A_26 : i32
    "tpu.region"() ({
      %run_scoped3A = tpu.sem_alloc : memref<!tpu.dma_semaphore, #tpu.memory_space<semaphore_mem>>
      %dma_start3A_106 = arith.constant 0 : i32
      %dma_start3A_107 = tpu.memref_slice %arg16[%add3A_27, %dma_start3A_106] : memref<10240x128xf32, #tpu.memory_space<vmem_shared>> -> memref<80x128xf32, #tpu.memory_space<vmem_shared>>
      %dma_start3A_108 = arith.constant 0 : i32
      %dma_start3A_109 = tpu.memref_slice %arg16[%add3A_27, %dma_start3A_108] : memref<10240x128xf32, #tpu.memory_space<vmem_shared>> -> memref<80x128xf32, #tpu.memory_space<vmem_shared>>
      tpu.enqueue_dma source(%arg11 : memref<80x128xf32, #tpu.memory_space<vmem>>) target(%dma_start3A_109 : memref<80x128xf32, #tpu.memory_space<vmem_shared>>) target_semaphore(%run_scoped3A : memref<!tpu.dma_semaphore, #tpu.memory_space<semaphore_mem>>)
      %dma_wait3A_110 = arith.constant 0 : i32
      %dma_wait3A_111 = tpu.memref_slice %arg16[%add3A_27, %dma_wait3A_110] : memref<10240x128xf32, #tpu.memory_space<vmem_shared>> -> memref<80x128xf32, #tpu.memory_space<vmem_shared>>
      %dma_wait3A_112 = arith.constant 0 : i32
      %dma_wait3A_113 = tpu.memref_slice %arg16[%add3A_27, %dma_wait3A_112] : memref<10240x128xf32, #tpu.memory_space<vmem_shared>> -> memref<80x128xf32, #tpu.memory_space<vmem_shared>>
      tpu.wait_dma2 semaphore(%run_scoped3A : memref<!tpu.dma_semaphore, #tpu.memory_space<semaphore_mem>>) src(%arg11 : memref<80x128xf32, #tpu.memory_space<vmem>>) dst(%dma_wait3A_113 : memref<80x128xf32, #tpu.memory_space<vmem_shared>>)
      tpu.yield
    }) : () -> ()
    %add3A_28 = arith.constant 400 : i32
    %add3A_29 = arith.addi %mul3A_17, %add3A_28 : i32
    "tpu.region"() ({
      %run_scoped3A = tpu.sem_alloc : memref<!tpu.dma_semaphore, #tpu.memory_space<semaphore_mem>>
      %dma_start3A_106 = arith.constant 0 : i32
      %dma_start3A_107 = tpu.memref_slice %arg16[%add3A_29, %dma_start3A_106] : memref<10240x128xf32, #tpu.memory_space<vmem_shared>> -> memref<80x128xf32, #tpu.memory_space<vmem_shared>>
      %dma_start3A_108 = arith.constant 0 : i32
      %dma_start3A_109 = tpu.memref_slice %arg16[%add3A_29, %dma_start3A_108] : memref<10240x128xf32, #tpu.memory_space<vmem_shared>> -> memref<80x128xf32, #tpu.memory_space<vmem_shared>>
      tpu.enqueue_dma source(%arg11 : memref<80x128xf32, #tpu.memory_space<vmem>>) target(%dma_start3A_109 : memref<80x128xf32, #tpu.memory_space<vmem_shared>>) target_semaphore(%run_scoped3A : memref<!tpu.dma_semaphore, #tpu.memory_space<semaphore_mem>>)
      %dma_wait3A_110 = arith.constant 0 : i32
      %dma_wait3A_111 = tpu.memref_slice %arg16[%add3A_29, %dma_wait3A_110] : memref<10240x128xf32, #tpu.memory_space<vmem_shared>> -> memref<80x128xf32, #tpu.memory_space<vmem_shared>>
      %dma_wait3A_112 = arith.constant 0 : i32
      %dma_wait3A_113 = tpu.memref_slice %arg16[%add3A_29, %dma_wait3A_112] : memref<10240x128xf32, #tpu.memory_space<vmem_shared>> -> memref<80x128xf32, #tpu.memory_space<vmem_shared>>
      tpu.wait_dma2 semaphore(%run_scoped3A : memref<!tpu.dma_semaphore, #tpu.memory_space<semaphore_mem>>) src(%arg11 : memref<80x128xf32, #tpu.memory_space<vmem>>) dst(%dma_wait3A_113 : memref<80x128xf32, #tpu.memory_space<vmem_shared>>)
      tpu.yield
    }) : () -> ()
    %add3A_30 = arith.constant 480 : i32
    %add3A_31 = arith.addi %mul3A_17, %add3A_30 : i32
    "tpu.region"() ({
      %run_scoped3A = tpu.sem_alloc : memref<!tpu.dma_semaphore, #tpu.memory_space<semaphore_mem>>
      %dma_start3A_106 = arith.constant 0 : i32
      %dma_start3A_107 = tpu.memref_slice %arg16[%add3A_31, %dma_start3A_106] : memref<10240x128xf32, #tpu.memory_space<vmem_shared>> -> memref<80x128xf32, #tpu.memory_space<vmem_shared>>
      %dma_start3A_108 = arith.constant 0 : i32
      %dma_start3A_109 = tpu.memref_slice %arg16[%add3A_31, %dma_start3A_108] : memref<10240x128xf32, #tpu.memory_space<vmem_shared>> -> memref<80x128xf32, #tpu.memory_space<vmem_shared>>
      tpu.enqueue_dma source(%arg11 : memref<80x128xf32, #tpu.memory_space<vmem>>) target(%dma_start3A_109 : memref<80x128xf32, #tpu.memory_space<vmem_shared>>) target_semaphore(%run_scoped3A : memref<!tpu.dma_semaphore, #tpu.memory_space<semaphore_mem>>)
      %dma_wait3A_110 = arith.constant 0 : i32
      %dma_wait3A_111 = tpu.memref_slice %arg16[%add3A_31, %dma_wait3A_110] : memref<10240x128xf32, #tpu.memory_space<vmem_shared>> -> memref<80x128xf32, #tpu.memory_space<vmem_shared>>
      %dma_wait3A_112 = arith.constant 0 : i32
      %dma_wait3A_113 = tpu.memref_slice %arg16[%add3A_31, %dma_wait3A_112] : memref<10240x128xf32, #tpu.memory_space<vmem_shared>> -> memref<80x128xf32, #tpu.memory_space<vmem_shared>>
      tpu.wait_dma2 semaphore(%run_scoped3A : memref<!tpu.dma_semaphore, #tpu.memory_space<semaphore_mem>>) src(%arg11 : memref<80x128xf32, #tpu.memory_space<vmem>>) dst(%dma_wait3A_113 : memref<80x128xf32, #tpu.memory_space<vmem_shared>>)
      tpu.yield
    }) : () -> ()
    %add3A_32 = arith.constant 560 : i32
    %add3A_33 = arith.addi %mul3A_17, %add3A_32 : i32
    "tpu.region"() ({
      %run_scoped3A = tpu.sem_alloc : memref<!tpu.dma_semaphore, #tpu.memory_space<semaphore_mem>>
      %dma_start3A_106 = arith.constant 0 : i32
      %dma_start3A_107 = tpu.memref_slice %arg16[%add3A_33, %dma_start3A_106] : memref<10240x128xf32, #tpu.memory_space<vmem_shared>> -> memref<80x128xf32, #tpu.memory_space<vmem_shared>>
      %dma_start3A_108 = arith.constant 0 : i32
      %dma_start3A_109 = tpu.memref_slice %arg16[%add3A_33, %dma_start3A_108] : memref<10240x128xf32, #tpu.memory_space<vmem_shared>> -> memref<80x128xf32, #tpu.memory_space<vmem_shared>>
      tpu.enqueue_dma source(%arg11 : memref<80x128xf32, #tpu.memory_space<vmem>>) target(%dma_start3A_109 : memref<80x128xf32, #tpu.memory_space<vmem_shared>>) target_semaphore(%run_scoped3A : memref<!tpu.dma_semaphore, #tpu.memory_space<semaphore_mem>>)
      %dma_wait3A_110 = arith.constant 0 : i32
      %dma_wait3A_111 = tpu.memref_slice %arg16[%add3A_33, %dma_wait3A_110] : memref<10240x128xf32, #tpu.memory_space<vmem_shared>> -> memref<80x128xf32, #tpu.memory_space<vmem_shared>>
      %dma_wait3A_112 = arith.constant 0 : i32
      %dma_wait3A_113 = tpu.memref_slice %arg16[%add3A_33, %dma_wait3A_112] : memref<10240x128xf32, #tpu.memory_space<vmem_shared>> -> memref<80x128xf32, #tpu.memory_space<vmem_shared>>
      tpu.wait_dma2 semaphore(%run_scoped3A : memref<!tpu.dma_semaphore, #tpu.memory_space<semaphore_mem>>) src(%arg11 : memref<80x128xf32, #tpu.memory_space<vmem>>) dst(%dma_wait3A_113 : memref<80x128xf32, #tpu.memory_space<vmem_shared>>)
      tpu.yield
    }) : () -> ()
    %scan3A_34 = arith.constant 0 : i32
    %scan3A_35 = arith.constant 0 : i32
    %scan3A_36 = arith.constant 5 : i32
    %scan3A_37 = arith.addi %scan3A_35, %scan3A_36 : i32
    %scan3A_38 = arith.constant 1 : i32
    %scan3A_39 = scf.for %scan3A_106 = %scan3A_35 to %scan3A_37 step %scan3A_38 iter_args(%scan3A_107 = %scan3A_34) -> (i32)  : i32 {
      %broadcast_in_dim3A = arith.constant 1.000000e+00 : f32
      %broadcast_in_dim3A_108 = vector.broadcast %broadcast_in_dim3A : f32 to vector<16xf32>
      %mul3A_109 = arith.constant 16 : i32
      %mul3A_110 = arith.muli %scan3A_106, %mul3A_109 : i32
      %swap3A = arith.index_cast %mul3A_110 : i32 to index
      %swap3A_111 = tpu.vector_load %arg14[%swap3A] {strides = array<i32>} : memref<80xf32, #tpu.memory_space<vmem>>, vector<16xf32>,
      %swap3A_112 = vector.shape_cast %swap3A_111 : vector<16xf32> to vector<16xf32>
      %swap3A_113 = vector.shape_cast %broadcast_in_dim3A_108 : vector<16xf32> to vector<16xf32>
      tpu.vector_store %arg14[%swap3A], %swap3A_113 {strides = array<i32>} : memref<80xf32, #tpu.memory_space<vmem>>, vector<16xf32>,
      %scan3A_114 = arith.constant 0 : i32
      scf.yield %scan3A_114 : i32
    }
    %scan3A_40 = arith.constant 5 : i32
    %scan3A_41 = arith.constant 0 : i32
    %scan3A_42 = arith.constant 0 : i32
    %scan3A_43 = arith.constant 40 : i32
    %scan3A_44 = arith.addi %scan3A_42, %scan3A_43 : i32
    %scan3A_45 = arith.constant 1 : i32
    %scan3A_46 = scf.for %scan3A_106 = %scan3A_42 to %scan3A_44 step %scan3A_45 iter_args(%scan3A_107 = %scan3A_41) -> (i32)  : i32 {
      %broadcast_in_dim3A = arith.constant 0.000000e+00 : f32
      %broadcast_in_dim3A_108 = vector.broadcast %broadcast_in_dim3A : f32 to vector<16xf32>
      %mul3A_109 = arith.constant 16 : i32
      %mul3A_110 = arith.muli %scan3A_106, %mul3A_109 : i32
      %swap3A = arith.index_cast %mul3A_110 : i32 to index
      %swap3A_111 = tpu.vector_load %arg15[%swap3A] {strides = array<i32>} : memref<640xf32, #tpu.memory_space<vmem>>, vector<16xf32>,
      %swap3A_112 = vector.shape_cast %swap3A_111 : vector<16xf32> to vector<16xf32>
      %swap3A_113 = vector.shape_cast %broadcast_in_dim3A_108 : vector<16xf32> to vector<16xf32>
      tpu.vector_store %arg15[%swap3A], %swap3A_113 {strides = array<i32>} : memref<640xf32, #tpu.memory_space<vmem>>, vector<16xf32>,
      %scan3A_114 = arith.constant 0 : i32
      scf.yield %scan3A_114 : i32
    }
    %scan3A_47 = arith.constant 40 : i32
    "tpu.region"() ({
      %run_scoped3A = tpu.sem_alloc : memref<!tpu.dma_semaphore, #tpu.memory_space<semaphore_mem>>
      %dma_start3A_106 = tpu.memref_slice %arg17[%mul3A_17] : memref<10240xf32, #tpu.memory_space<vmem_shared>> -> memref<640xf32, #tpu.memory_space<vmem_shared>>
      %dma_start3A_107 = tpu.memref_slice %arg17[%mul3A_17] : memref<10240xf32, #tpu.memory_space<vmem_shared>> -> memref<640xf32, #tpu.memory_space<vmem_shared>>
      tpu.enqueue_dma source(%arg15 : memref<640xf32, #tpu.memory_space<vmem>>) target(%dma_start3A_107 : memref<640xf32, #tpu.memory_space<vmem_shared>>) target_semaphore(%run_scoped3A : memref<!tpu.dma_semaphore, #tpu.memory_space<semaphore_mem>>)
      %dma_wait3A_108 = tpu.memref_slice %arg17[%mul3A_17] : memref<10240xf32, #tpu.memory_space<vmem_shared>> -> memref<640xf32, #tpu.memory_space<vmem_shared>>
      %dma_wait3A_109 = tpu.memref_slice %arg17[%mul3A_17] : memref<10240xf32, #tpu.memory_space<vmem_shared>> -> memref<640xf32, #tpu.memory_space<vmem_shared>>
      tpu.wait_dma2 semaphore(%run_scoped3A : memref<!tpu.dma_semaphore, #tpu.memory_space<semaphore_mem>>) src(%arg15 : memref<640xf32, #tpu.memory_space<vmem>>) dst(%dma_wait3A_109 : memref<640xf32, #tpu.memory_space<vmem_shared>>)
      tpu.yield
    }) : () -> ()
    %dma_wait3A = arith.constant 0 : i32
    %dma_wait3A_48 = arith.constant 0 : i32
    %dma_wait3A_49 = tpu.memref_slice %arg4[%add3A, %dma_wait3A, %dma_wait3A_48] : memref<32x125x80xi32, #tpu.memory_space<hbm>> -> memref<1x125x80xi32, #tpu.memory_space<hbm>>
    %dma_wait3A_50 = tpu.memref_squeeze %dma_wait3A_49 : memref<1x125x80xi32, #tpu.memory_space<hbm>> -> memref<125x80xi32, #tpu.memory_space<hbm>>
    %dma_wait3A_51 = arith.constant 0 : i32
    %dma_wait3A_52 = arith.constant 0 : i32
    %dma_wait3A_53 = tpu.memref_slice %arg4[%add3A, %dma_wait3A_51, %dma_wait3A_52] : memref<32x125x80xi32, #tpu.memory_space<hbm>> -> memref<1x125x80xi32, #tpu.memory_space<hbm>>
    %dma_wait3A_54 = tpu.memref_squeeze %dma_wait3A_53 : memref<1x125x80xi32, #tpu.memory_space<hbm>> -> memref<125x80xi32, #tpu.memory_space<hbm>>
    tpu.wait_dma2 semaphore(%arg18 : memref<!tpu.dma_semaphore, #tpu.memory_space<semaphore_mem>>) src(%dma_wait3A_54 : memref<125x80xi32, #tpu.memory_space<hbm>>) dst(%arg7 : memref<125x80xi32, #tpu.memory_space<vmem>>)
    %barrier3A = arith.constant 0 : index
    tpu.barrier barrier_id(%barrier3A)
    %add3A_55 = arith.constant 0 : i32
    %add3A_56 = arith.addi %mul3A_2, %add3A_55 : i32
    %dma_start3A_57 = tpu.memref_slice %arg3[%add3A_56] : memref<320000xi32, #tpu.memory_space<hbm>> -> memref<80xi32, #tpu.memory_space<hbm>>
    %dma_start3A_58 = tpu.memref_slice %arg3[%add3A_56] : memref<320000xi32, #tpu.memory_space<hbm>> -> memref<80xi32, #tpu.memory_space<hbm>>
    tpu.enqueue_dma source(%dma_start3A_58 : memref<80xi32, #tpu.memory_space<hbm>>) target(%arg8 : memref<80xi32, #tpu.memory_space<vmem>>) target_semaphore(%arg19 : memref<!tpu.dma_semaphore, #tpu.memory_space<semaphore_mem>>)
    %add3A_59 = arith.constant 80 : i32
    %add3A_60 = arith.addi %mul3A_2, %add3A_59 : i32
    %dma_start3A_61 = tpu.memref_slice %arg3[%add3A_60] : memref<320000xi32, #tpu.memory_space<hbm>> -> memref<80xi32, #tpu.memory_space<hbm>>
    %dma_start3A_62 = tpu.memref_slice %arg3[%add3A_60] : memref<320000xi32, #tpu.memory_space<hbm>> -> memref<80xi32, #tpu.memory_space<hbm>>
    tpu.enqueue_dma source(%dma_start3A_62 : memref<80xi32, #tpu.memory_space<hbm>>) target(%arg9 : memref<80xi32, #tpu.memory_space<vmem>>) target_semaphore(%arg20 : memref<!tpu.dma_semaphore, #tpu.memory_space<semaphore_mem>>)
    %add3A_63 = arith.constant 0 : i32
    %add3A_64 = arith.addi %mul3A_2, %add3A_63 : i32
    %dma_wait3A_65 = tpu.memref_slice %arg3[%add3A_64] : memref<320000xi32, #tpu.memory_space<hbm>> -> memref<80xi32, #tpu.memory_space<hbm>>
    %dma_wait3A_66 = tpu.memref_slice %arg3[%add3A_64] : memref<320000xi32, #tpu.memory_space<hbm>> -> memref<80xi32, #tpu.memory_space<hbm>>
    tpu.wait_dma2 semaphore(%arg19 : memref<!tpu.dma_semaphore, #tpu.memory_space<semaphore_mem>>) src(%dma_wait3A_66 : memref<80xi32, #tpu.memory_space<hbm>>) dst(%arg8 : memref<80xi32, #tpu.memory_space<vmem>>)
    %dma_start3A_67 = arith.constant 0 : i32
    %dma_start3A_68 = arith.constant 0 : i32
    %dma_start3A_69 = tpu.memref_slice %arg2[%dma_start3A_67, %dma_start3A_68] : memref<10000x128xf32, #tpu.memory_space<hbm>> -> memref<10000x128xf32, #tpu.memory_space<hbm>>
    tpu.enqueue_indirect_dma source(%dma_start3A_69 : memref<10000x128xf32, #tpu.memory_space<hbm>>) target(%arg11 : memref<80x128xf32, #tpu.memory_space<vmem>>) offsets(%arg8 : memref<80xi32, #tpu.memory_space<vmem>>) semaphore(%arg22 : memref<!tpu.dma_semaphore, #tpu.memory_space<semaphore_mem>>)
    %scan3A_70 = arith.constant 0 : i32
    %scan3A_71 = arith.constant 0 : i32
    %scan3A_72 = arith.constant 42 : i32
    %scan3A_73 = arith.addi %scan3A_71, %scan3A_72 : i32
    %scan3A_74 = arith.constant 1 : i32
    %scan3A_75 = scf.for %scan3A_106 = %scan3A_71 to %scan3A_73 step %scan3A_74 iter_args(%scan3A_107 = %scan3A_70) -> (i32)  : i32 {
      %mul3A_108 = arith.constant 3 : i32
      %mul3A_109 = arith.muli %scan3A_106, %mul3A_108 : i32
      %add3A_110 = arith.constant 0 : i32
      %add3A_111 = arith.addi %mul3A_109, %add3A_110 : i32
      %add3A_112 = arith.constant 2 : i32
      %add3A_113 = arith.addi %add3A_111, %add3A_112 : i32
      %lt3A = arith.constant 125 : i32
      %lt3A_114 = arith.cmpi slt, %add3A_113, %lt3A : i32
      %ge3A = arith.constant 1 : i32
      %ge3A_115 = arith.cmpi sge, %add3A_111, %ge3A : i32
      %and3A = arith.andi %lt3A_114, %ge3A_115 : i1
      %convert_element_type3A = arith.extui %and3A : i1 to i32
      %cond3A = arith.constant 0 : i32
      %cond3A_116 = arith.cmpi ne, %convert_element_type3A, %cond3A : i32
      scf.if %cond3A_116 {
        %sub3A = arith.constant 1 : i32
        %sub3A_203 = arith.subi %add3A_111, %sub3A : i32
        %dma_wait3A_204 = arith.constant 0 : i32
        %dma_wait3A_205 = tpu.memref_slice %arg7[%sub3A_203, %dma_wait3A_204] : memref<125x80xi32, #tpu.memory_space<vmem>> -> memref<1x80xi32, #tpu.memory_space<vmem>>
        %dma_wait3A_206 = tpu.memref_squeeze %dma_wait3A_205 : memref<1x80xi32, #tpu.memory_space<vmem>> -> memref<80xi32, #tpu.memory_space<vmem>>
        %dma_wait3A_207 = arith.constant 0 : i32
        %dma_wait3A_208 = arith.constant 0 : i32
        %dma_wait3A_209 = tpu.memref_slice %arg16[%dma_wait3A_207, %dma_wait3A_208] : memref<10240x128xf32, #tpu.memory_space<vmem_shared>> -> memref<10240x128xf32, #tpu.memory_space<vmem_shared>>
        tpu.wait_indirect_dma semaphore(%arg27 : memref<!tpu.dma_semaphore, #tpu.memory_space<semaphore_mem>>) src(%arg13 : memref<80x128xf32, #tpu.memory_space<vmem>>) dst(%dma_wait3A_209 : memref<10240x128xf32, #tpu.memory_space<vmem_shared>>)
      } else {
      }
      %add3A_117 = arith.constant 2 : i32
      %add3A_118 = arith.addi %add3A_111, %add3A_117 : i32
      %lt3A_119 = arith.constant 125 : i32
      %lt3A_120 = arith.cmpi slt, %add3A_118, %lt3A_119 : i32
      %convert_element_type3A_121 = arith.extui %lt3A_120 : i1 to i32
      %cond3A_122 = arith.constant 0 : i32
      %cond3A_123 = arith.cmpi ne, %convert_element_type3A_121, %cond3A_122 : i32
      scf.if %cond3A_123 {
        %add3A_203 = arith.constant 2 : i32
        %add3A_204 = arith.addi %add3A_111, %add3A_203 : i32
        %mul3A_205 = arith.constant 80 : i32
        %mul3A_206 = arith.muli %add3A_204, %mul3A_205 : i32
        %add3A_207 = arith.addi %mul3A_2, %mul3A_206 : i32
        %dma_start3A_208 = tpu.memref_slice %arg3[%add3A_207] : memref<320000xi32, #tpu.memory_space<hbm>> -> memref<80xi32, #tpu.memory_space<hbm>>
        %dma_start3A_209 = tpu.memref_slice %arg3[%add3A_207] : memref<320000xi32, #tpu.memory_space<hbm>> -> memref<80xi32, #tpu.memory_space<hbm>>
        tpu.enqueue_dma source(%dma_start3A_209 : memref<80xi32, #tpu.memory_space<hbm>>) target(%arg10 : memref<80xi32, #tpu.memory_space<vmem>>) target_semaphore(%arg21 : memref<!tpu.dma_semaphore, #tpu.memory_space<semaphore_mem>>)
      } else {
      }
      %add3A_124 = arith.constant 1 : i32
      %add3A_125 = arith.addi %add3A_111, %add3A_124 : i32
      %lt3A_126 = arith.constant 125 : i32
      %lt3A_127 = arith.cmpi slt, %add3A_125, %lt3A_126 : i32
      %convert_element_type3A_128 = arith.extui %lt3A_127 : i1 to i32
      %cond3A_129 = arith.constant 0 : i32
      %cond3A_130 = arith.cmpi ne, %convert_element_type3A_128, %cond3A_129 : i32
      scf.if %cond3A_130 {
        %add3A_203 = arith.constant 1 : i32
        %add3A_204 = arith.addi %add3A_111, %add3A_203 : i32
        %mul3A_205 = arith.constant 80 : i32
        %mul3A_206 = arith.muli %add3A_204, %mul3A_205 : i32
        %add3A_207 = arith.addi %mul3A_2, %mul3A_206 : i32
        %dma_wait3A_208 = tpu.memref_slice %arg3[%add3A_207] : memref<320000xi32, #tpu.memory_space<hbm>> -> memref<80xi32, #tpu.memory_space<hbm>>
        %dma_wait3A_209 = tpu.memref_slice %arg3[%add3A_207] : memref<320000xi32, #tpu.memory_space<hbm>> -> memref<80xi32, #tpu.memory_space<hbm>>
        tpu.wait_dma2 semaphore(%arg20 : memref<!tpu.dma_semaphore, #tpu.memory_space<semaphore_mem>>) src(%dma_wait3A_209 : memref<80xi32, #tpu.memory_space<hbm>>) dst(%arg9 : memref<80xi32, #tpu.memory_space<vmem>>)
        %dma_start3A_210 = arith.constant 0 : i32
        %dma_start3A_211 = arith.constant 0 : i32
        %dma_start3A_212 = tpu.memref_slice %arg2[%dma_start3A_210, %dma_start3A_211] : memref<10000x128xf32, #tpu.memory_space<hbm>> -> memref<10000x128xf32, #tpu.memory_space<hbm>>
        tpu.enqueue_indirect_dma source(%dma_start3A_212 : memref<10000x128xf32, #tpu.memory_space<hbm>>) target(%arg12 : memref<80x128xf32, #tpu.memory_space<vmem>>) offsets(%arg9 : memref<80xi32, #tpu.memory_space<vmem>>) semaphore(%arg23 : memref<!tpu.dma_semaphore, #tpu.memory_space<semaphore_mem>>)
      } else {
      }
      %lt3A_131 = arith.constant 125 : i32
      %lt3A_132 = arith.cmpi slt, %add3A_111, %lt3A_131 : i32
      %convert_element_type3A_133 = arith.extui %lt3A_132 : i1 to i32
      %cond3A_134 = arith.constant 0 : i32
      %cond3A_135 = arith.cmpi ne, %convert_element_type3A_133, %cond3A_134 : i32
      scf.if %cond3A_135 {
        %dma_wait3A_203 = arith.constant 0 : i32
        %dma_wait3A_204 = arith.constant 0 : i32
        %dma_wait3A_205 = tpu.memref_slice %arg2[%dma_wait3A_203, %dma_wait3A_204] : memref<10000x128xf32, #tpu.memory_space<hbm>> -> memref<10000x128xf32, #tpu.memory_space<hbm>>
        tpu.wait_indirect_dma semaphore(%arg22 : memref<!tpu.dma_semaphore, #tpu.memory_space<semaphore_mem>>) src(%dma_wait3A_205 : memref<10000x128xf32, #tpu.memory_space<hbm>>) dst(%arg11 : memref<80x128xf32, #tpu.memory_space<vmem>>)
        %dma_start3A_206 = arith.constant 0 : i32
        %dma_start3A_207 = tpu.memref_slice %arg7[%add3A_111, %dma_start3A_206] : memref<125x80xi32, #tpu.memory_space<vmem>> -> memref<1x80xi32, #tpu.memory_space<vmem>>
        %dma_start3A_208 = tpu.memref_squeeze %dma_start3A_207 : memref<1x80xi32, #tpu.memory_space<vmem>> -> memref<80xi32, #tpu.memory_space<vmem>>
        %dma_start3A_209 = arith.constant 0 : i32
        %dma_start3A_210 = arith.constant 0 : i32
        %dma_start3A_211 = tpu.memref_slice %arg16[%dma_start3A_209, %dma_start3A_210] : memref<10240x128xf32, #tpu.memory_space<vmem_shared>> -> memref<10240x128xf32, #tpu.memory_space<vmem_shared>>
        tpu.enqueue_indirect_dma source(%arg11 : memref<80x128xf32, #tpu.memory_space<vmem>>) target(%dma_start3A_211 : memref<10240x128xf32, #tpu.memory_space<vmem_shared>>) offsets(%dma_start3A_208 : memref<80xi32, #tpu.memory_space<vmem>>) semaphore(%arg25 : memref<!tpu.dma_semaphore, #tpu.memory_space<semaphore_mem>>) {add = true}
        %dma_start3A_212 = arith.constant 0 : i32
        %dma_start3A_213 = tpu.memref_slice %arg7[%add3A_111, %dma_start3A_212] : memref<125x80xi32, #tpu.memory_space<vmem>> -> memref<1x80xi32, #tpu.memory_space<vmem>>
        %dma_start3A_214 = tpu.memref_squeeze %dma_start3A_213 : memref<1x80xi32, #tpu.memory_space<vmem>> -> memref<80xi32, #tpu.memory_space<vmem>>
        %dma_start3A_215 = arith.constant 0 : i32
        %dma_start3A_216 = tpu.memref_slice %arg17[%dma_start3A_215] : memref<10240xf32, #tpu.memory_space<vmem_shared>> -> memref<10240xf32, #tpu.memory_space<vmem_shared>>
        tpu.enqueue_indirect_dma source(%arg14 : memref<80xf32, #tpu.memory_space<vmem>>) target(%dma_start3A_216 : memref<10240xf32, #tpu.memory_space<vmem_shared>>) offsets(%dma_start3A_214 : memref<80xi32, #tpu.memory_space<vmem>>) semaphore(%arg18 : memref<!tpu.dma_semaphore, #tpu.memory_space<semaphore_mem>>) {add = true}
      } else {
      }
      %mul3A_136 = arith.constant 3 : i32
      %mul3A_137 = arith.muli %scan3A_106, %mul3A_136 : i32
      %add3A_138 = arith.constant 1 : i32
      %add3A_139 = arith.addi %mul3A_137, %add3A_138 : i32
      %add3A_140 = arith.constant 2 : i32
      %add3A_141 = arith.addi %add3A_139, %add3A_140 : i32
      %lt3A_142 = arith.constant 125 : i32
      %lt3A_143 = arith.cmpi slt, %add3A_141, %lt3A_142 : i32
      %ge3A_144 = arith.constant 1 : i32
      %ge3A_145 = arith.cmpi sge, %add3A_139, %ge3A_144 : i32
      %and3A_146 = arith.andi %lt3A_143, %ge3A_145 : i1
      %convert_element_type3A_147 = arith.extui %and3A_146 : i1 to i32
      %cond3A_148 = arith.constant 0 : i32
      %cond3A_149 = arith.cmpi ne, %convert_element_type3A_147, %cond3A_148 : i32
      scf.if %cond3A_149 {
        %sub3A = arith.constant 1 : i32
        %sub3A_203 = arith.subi %add3A_139, %sub3A : i32
        %dma_wait3A_204 = arith.constant 0 : i32
        %dma_wait3A_205 = tpu.memref_slice %arg7[%sub3A_203, %dma_wait3A_204] : memref<125x80xi32, #tpu.memory_space<vmem>> -> memref<1x80xi32, #tpu.memory_space<vmem>>
        %dma_wait3A_206 = tpu.memref_squeeze %dma_wait3A_205 : memref<1x80xi32, #tpu.memory_space<vmem>> -> memref<80xi32, #tpu.memory_space<vmem>>
        %dma_wait3A_207 = arith.constant 0 : i32
        %dma_wait3A_208 = arith.constant 0 : i32
        %dma_wait3A_209 = tpu.memref_slice %arg16[%dma_wait3A_207, %dma_wait3A_208] : memref<10240x128xf32, #tpu.memory_space<vmem_shared>> -> memref<10240x128xf32, #tpu.memory_space<vmem_shared>>
        tpu.wait_indirect_dma semaphore(%arg25 : memref<!tpu.dma_semaphore, #tpu.memory_space<semaphore_mem>>) src(%arg11 : memref<80x128xf32, #tpu.memory_space<vmem>>) dst(%dma_wait3A_209 : memref<10240x128xf32, #tpu.memory_space<vmem_shared>>)
      } else {
      }
      %add3A_150 = arith.constant 2 : i32
      %add3A_151 = arith.addi %add3A_139, %add3A_150 : i32
      %lt3A_152 = arith.constant 125 : i32
      %lt3A_153 = arith.cmpi slt, %add3A_151, %lt3A_152 : i32
      %convert_element_type3A_154 = arith.extui %lt3A_153 : i1 to i32
      %cond3A_155 = arith.constant 0 : i32
      %cond3A_156 = arith.cmpi ne, %convert_element_type3A_154, %cond3A_155 : i32
      scf.if %cond3A_156 {
        %add3A_203 = arith.constant 2 : i32
        %add3A_204 = arith.addi %add3A_139, %add3A_203 : i32
        %mul3A_205 = arith.constant 80 : i32
        %mul3A_206 = arith.muli %add3A_204, %mul3A_205 : i32
        %add3A_207 = arith.addi %mul3A_2, %mul3A_206 : i32
        %dma_start3A_208 = tpu.memref_slice %arg3[%add3A_207] : memref<320000xi32, #tpu.memory_space<hbm>> -> memref<80xi32, #tpu.memory_space<hbm>>
        %dma_start3A_209 = tpu.memref_slice %arg3[%add3A_207] : memref<320000xi32, #tpu.memory_space<hbm>> -> memref<80xi32, #tpu.memory_space<hbm>>
        tpu.enqueue_dma source(%dma_start3A_209 : memref<80xi32, #tpu.memory_space<hbm>>) target(%arg8 : memref<80xi32, #tpu.memory_space<vmem>>) target_semaphore(%arg19 : memref<!tpu.dma_semaphore, #tpu.memory_space<semaphore_mem>>)
      } else {
      }
      %add3A_157 = arith.constant 1 : i32
      %add3A_158 = arith.addi %add3A_139, %add3A_157 : i32
      %lt3A_159 = arith.constant 125 : i32
      %lt3A_160 = arith.cmpi slt, %add3A_158, %lt3A_159 : i32
      %convert_element_type3A_161 = arith.extui %lt3A_160 : i1 to i32
      %cond3A_162 = arith.constant 0 : i32
      %cond3A_163 = arith.cmpi ne, %convert_element_type3A_161, %cond3A_162 : i32
      scf.if %cond3A_163 {
        %add3A_203 = arith.constant 1 : i32
        %add3A_204 = arith.addi %add3A_139, %add3A_203 : i32
        %mul3A_205 = arith.constant 80 : i32
        %mul3A_206 = arith.muli %add3A_204, %mul3A_205 : i32
        %add3A_207 = arith.addi %mul3A_2, %mul3A_206 : i32
        %dma_wait3A_208 = tpu.memref_slice %arg3[%add3A_207] : memref<320000xi32, #tpu.memory_space<hbm>> -> memref<80xi32, #tpu.memory_space<hbm>>
        %dma_wait3A_209 = tpu.memref_slice %arg3[%add3A_207] : memref<320000xi32, #tpu.memory_space<hbm>> -> memref<80xi32, #tpu.memory_space<hbm>>
        tpu.wait_dma2 semaphore(%arg21 : memref<!tpu.dma_semaphore, #tpu.memory_space<semaphore_mem>>) src(%dma_wait3A_209 : memref<80xi32, #tpu.memory_space<hbm>>) dst(%arg10 : memref<80xi32, #tpu.memory_space<vmem>>)
        %dma_start3A_210 = arith.constant 0 : i32
        %dma_start3A_211 = arith.constant 0 : i32
        %dma_start3A_212 = tpu.memref_slice %arg2[%dma_start3A_210, %dma_start3A_211] : memref<10000x128xf32, #tpu.memory_space<hbm>> -> memref<10000x128xf32, #tpu.memory_space<hbm>>
        tpu.enqueue_indirect_dma source(%dma_start3A_212 : memref<10000x128xf32, #tpu.memory_space<hbm>>) target(%arg13 : memref<80x128xf32, #tpu.memory_space<vmem>>) offsets(%arg10 : memref<80xi32, #tpu.memory_space<vmem>>) semaphore(%arg24 : memref<!tpu.dma_semaphore, #tpu.memory_space<semaphore_mem>>)
      } else {
      }
      %lt3A_164 = arith.constant 125 : i32
      %lt3A_165 = arith.cmpi slt, %add3A_139, %lt3A_164 : i32
      %convert_element_type3A_166 = arith.extui %lt3A_165 : i1 to i32
      %cond3A_167 = arith.constant 0 : i32
      %cond3A_168 = arith.cmpi ne, %convert_element_type3A_166, %cond3A_167 : i32
      scf.if %cond3A_168 {
        %dma_wait3A_203 = arith.constant 0 : i32
        %dma_wait3A_204 = arith.constant 0 : i32
        %dma_wait3A_205 = tpu.memref_slice %arg2[%dma_wait3A_203, %dma_wait3A_204] : memref<10000x128xf32, #tpu.memory_space<hbm>> -> memref<10000x128xf32, #tpu.memory_space<hbm>>
        tpu.wait_indirect_dma semaphore(%arg23 : memref<!tpu.dma_semaphore, #tpu.memory_space<semaphore_mem>>) src(%dma_wait3A_205 : memref<10000x128xf32, #tpu.memory_space<hbm>>) dst(%arg12 : memref<80x128xf32, #tpu.memory_space<vmem>>)
        %dma_start3A_206 = arith.constant 0 : i32
        %dma_start3A_207 = tpu.memref_slice %arg7[%add3A_139, %dma_start3A_206] : memref<125x80xi32, #tpu.memory_space<vmem>> -> memref<1x80xi32, #tpu.memory_space<vmem>>
        %dma_start3A_208 = tpu.memref_squeeze %dma_start3A_207 : memref<1x80xi32, #tpu.memory_space<vmem>> -> memref<80xi32, #tpu.memory_space<vmem>>
        %dma_start3A_209 = arith.constant 0 : i32
        %dma_start3A_210 = arith.constant 0 : i32
        %dma_start3A_211 = tpu.memref_slice %arg16[%dma_start3A_209, %dma_start3A_210] : memref<10240x128xf32, #tpu.memory_space<vmem_shared>> -> memref<10240x128xf32, #tpu.memory_space<vmem_shared>>
        tpu.enqueue_indirect_dma source(%arg12 : memref<80x128xf32, #tpu.memory_space<vmem>>) target(%dma_start3A_211 : memref<10240x128xf32, #tpu.memory_space<vmem_shared>>) offsets(%dma_start3A_208 : memref<80xi32, #tpu.memory_space<vmem>>) semaphore(%arg26 : memref<!tpu.dma_semaphore, #tpu.memory_space<semaphore_mem>>) {add = true}
        %dma_start3A_212 = arith.constant 0 : i32
        %dma_start3A_213 = tpu.memref_slice %arg7[%add3A_139, %dma_start3A_212] : memref<125x80xi32, #tpu.memory_space<vmem>> -> memref<1x80xi32, #tpu.memory_space<vmem>>
        %dma_start3A_214 = tpu.memref_squeeze %dma_start3A_213 : memref<1x80xi32, #tpu.memory_space<vmem>> -> memref<80xi32, #tpu.memory_space<vmem>>
        %dma_start3A_215 = arith.constant 0 : i32
        %dma_start3A_216 = tpu.memref_slice %arg17[%dma_start3A_215] : memref<10240xf32, #tpu.memory_space<vmem_shared>> -> memref<10240xf32, #tpu.memory_space<vmem_shared>>
        tpu.enqueue_indirect_dma source(%arg14 : memref<80xf32, #tpu.memory_space<vmem>>) target(%dma_start3A_216 : memref<10240xf32, #tpu.memory_space<vmem_shared>>) offsets(%dma_start3A_214 : memref<80xi32, #tpu.memory_space<vmem>>) semaphore(%arg18 : memref<!tpu.dma_semaphore, #tpu.memory_space<semaphore_mem>>) {add = true}
      } else {
      }
      %mul3A_169 = arith.constant 3 : i32
      %mul3A_170 = arith.muli %scan3A_106, %mul3A_169 : i32
      %add3A_171 = arith.constant 2 : i32
      %add3A_172 = arith.addi %mul3A_170, %add3A_171 : i32
      %add3A_173 = arith.constant 2 : i32
      %add3A_174 = arith.addi %add3A_172, %add3A_173 : i32
      %lt3A_175 = arith.constant 125 : i32
      %lt3A_176 = arith.cmpi slt, %add3A_174, %lt3A_175 : i32
      %ge3A_177 = arith.constant 1 : i32
      %ge3A_178 = arith.cmpi sge, %add3A_172, %ge3A_177 : i32
      %and3A_179 = arith.andi %lt3A_176, %ge3A_178 : i1
      %convert_element_type3A_180 = arith.extui %and3A_179 : i1 to i32
      %cond3A_181 = arith.constant 0 : i32
      %cond3A_182 = arith.cmpi ne, %convert_element_type3A_180, %cond3A_181 : i32
      scf.if %cond3A_182 {
        %sub3A = arith.constant 1 : i32
        %sub3A_203 = arith.subi %add3A_172, %sub3A : i32
        %dma_wait3A_204 = arith.constant 0 : i32
        %dma_wait3A_205 = tpu.memref_slice %arg7[%sub3A_203, %dma_wait3A_204] : memref<125x80xi32, #tpu.memory_space<vmem>> -> memref<1x80xi32, #tpu.memory_space<vmem>>
        %dma_wait3A_206 = tpu.memref_squeeze %dma_wait3A_205 : memref<1x80xi32, #tpu.memory_space<vmem>> -> memref<80xi32, #tpu.memory_space<vmem>>
        %dma_wait3A_207 = arith.constant 0 : i32
        %dma_wait3A_208 = arith.constant 0 : i32
        %dma_wait3A_209 = tpu.memref_slice %arg16[%dma_wait3A_207, %dma_wait3A_208] : memref<10240x128xf32, #tpu.memory_space<vmem_shared>> -> memref<10240x128xf32, #tpu.memory_space<vmem_shared>>
        tpu.wait_indirect_dma semaphore(%arg26 : memref<!tpu.dma_semaphore, #tpu.memory_space<semaphore_mem>>) src(%arg12 : memref<80x128xf32, #tpu.memory_space<vmem>>) dst(%dma_wait3A_209 : memref<10240x128xf32, #tpu.memory_space<vmem_shared>>)
      } else {
      }
      %add3A_183 = arith.constant 2 : i32
      %add3A_184 = arith.addi %add3A_172, %add3A_183 : i32
      %lt3A_185 = arith.constant 125 : i32
      %lt3A_186 = arith.cmpi slt, %add3A_184, %lt3A_185 : i32
      %convert_element_type3A_187 = arith.extui %lt3A_186 : i1 to i32
      %cond3A_188 = arith.constant 0 : i32
      %cond3A_189 = arith.cmpi ne, %convert_element_type3A_187, %cond3A_188 : i32
      scf.if %cond3A_189 {
        %add3A_203 = arith.constant 2 : i32
        %add3A_204 = arith.addi %add3A_172, %add3A_203 : i32
        %mul3A_205 = arith.constant 80 : i32
        %mul3A_206 = arith.muli %add3A_204, %mul3A_205 : i32
        %add3A_207 = arith.addi %mul3A_2, %mul3A_206 : i32
        %dma_start3A_208 = tpu.memref_slice %arg3[%add3A_207] : memref<320000xi32, #tpu.memory_space<hbm>> -> memref<80xi32, #tpu.memory_space<hbm>>
        %dma_start3A_209 = tpu.memref_slice %arg3[%add3A_207] : memref<320000xi32, #tpu.memory_space<hbm>> -> memref<80xi32, #tpu.memory_space<hbm>>
        tpu.enqueue_dma source(%dma_start3A_209 : memref<80xi32, #tpu.memory_space<hbm>>) target(%arg9 : memref<80xi32, #tpu.memory_space<vmem>>) target_semaphore(%arg20 : memref<!tpu.dma_semaphore, #tpu.memory_space<semaphore_mem>>)
      } else {
      }
      %add3A_190 = arith.constant 1 : i32
      %add3A_191 = arith.addi %add3A_172, %add3A_190 : i32
      %lt3A_192 = arith.constant 125 : i32
      %lt3A_193 = arith.cmpi slt, %add3A_191, %lt3A_192 : i32
      %convert_element_type3A_194 = arith.extui %lt3A_193 : i1 to i32
      %cond3A_195 = arith.constant 0 : i32
      %cond3A_196 = arith.cmpi ne, %convert_element_type3A_194, %cond3A_195 : i32
      scf.if %cond3A_196 {
        %add3A_203 = arith.constant 1 : i32
        %add3A_204 = arith.addi %add3A_172, %add3A_203 : i32
        %mul3A_205 = arith.constant 80 : i32
        %mul3A_206 = arith.muli %add3A_204, %mul3A_205 : i32
        %add3A_207 = arith.addi %mul3A_2, %mul3A_206 : i32
        %dma_wait3A_208 = tpu.memref_slice %arg3[%add3A_207] : memref<320000xi32, #tpu.memory_space<hbm>> -> memref<80xi32, #tpu.memory_space<hbm>>
        %dma_wait3A_209 = tpu.memref_slice %arg3[%add3A_207] : memref<320000xi32, #tpu.memory_space<hbm>> -> memref<80xi32, #tpu.memory_space<hbm>>
        tpu.wait_dma2 semaphore(%arg19 : memref<!tpu.dma_semaphore, #tpu.memory_space<semaphore_mem>>) src(%dma_wait3A_209 : memref<80xi32, #tpu.memory_space<hbm>>) dst(%arg8 : memref<80xi32, #tpu.memory_space<vmem>>)
        %dma_start3A_210 = arith.constant 0 : i32
        %dma_start3A_211 = arith.constant 0 : i32
        %dma_start3A_212 = tpu.memref_slice %arg2[%dma_start3A_210, %dma_start3A_211] : memref<10000x128xf32, #tpu.memory_space<hbm>> -> memref<10000x128xf32, #tpu.memory_space<hbm>>
        tpu.enqueue_indirect_dma source(%dma_start3A_212 : memref<10000x128xf32, #tpu.memory_space<hbm>>) target(%arg11 : memref<80x128xf32, #tpu.memory_space<vmem>>) offsets(%arg8 : memref<80xi32, #tpu.memory_space<vmem>>) semaphore(%arg22 : memref<!tpu.dma_semaphore, #tpu.memory_space<semaphore_mem>>)
      } else {
      }
      %lt3A_197 = arith.constant 125 : i32
      %lt3A_198 = arith.cmpi slt, %add3A_172, %lt3A_197 : i32
      %convert_element_type3A_199 = arith.extui %lt3A_198 : i1 to i32
      %cond3A_200 = arith.constant 0 : i32
      %cond3A_201 = arith.cmpi ne, %convert_element_type3A_199, %cond3A_200 : i32
      scf.if %cond3A_201 {
        %dma_wait3A_203 = arith.constant 0 : i32
        %dma_wait3A_204 = arith.constant 0 : i32
        %dma_wait3A_205 = tpu.memref_slice %arg2[%dma_wait3A_203, %dma_wait3A_204] : memref<10000x128xf32, #tpu.memory_space<hbm>> -> memref<10000x128xf32, #tpu.memory_space<hbm>>
        tpu.wait_indirect_dma semaphore(%arg24 : memref<!tpu.dma_semaphore, #tpu.memory_space<semaphore_mem>>) src(%dma_wait3A_205 : memref<10000x128xf32, #tpu.memory_space<hbm>>) dst(%arg13 : memref<80x128xf32, #tpu.memory_space<vmem>>)
        %dma_start3A_206 = arith.constant 0 : i32
        %dma_start3A_207 = tpu.memref_slice %arg7[%add3A_172, %dma_start3A_206] : memref<125x80xi32, #tpu.memory_space<vmem>> -> memref<1x80xi32, #tpu.memory_space<vmem>>
        %dma_start3A_208 = tpu.memref_squeeze %dma_start3A_207 : memref<1x80xi32, #tpu.memory_space<vmem>> -> memref<80xi32, #tpu.memory_space<vmem>>
        %dma_start3A_209 = arith.constant 0 : i32
        %dma_start3A_210 = arith.constant 0 : i32
        %dma_start3A_211 = tpu.memref_slice %arg16[%dma_start3A_209, %dma_start3A_210] : memref<10240x128xf32, #tpu.memory_space<vmem_shared>> -> memref<10240x128xf32, #tpu.memory_space<vmem_shared>>
        tpu.enqueue_indirect_dma source(%arg13 : memref<80x128xf32, #tpu.memory_space<vmem>>) target(%dma_start3A_211 : memref<10240x128xf32, #tpu.memory_space<vmem_shared>>) offsets(%dma_start3A_208 : memref<80xi32, #tpu.memory_space<vmem>>) semaphore(%arg27 : memref<!tpu.dma_semaphore, #tpu.memory_space<semaphore_mem>>) {add = true}
        %dma_start3A_212 = arith.constant 0 : i32
        %dma_start3A_213 = tpu.memref_slice %arg7[%add3A_172, %dma_start3A_212] : memref<125x80xi32, #tpu.memory_space<vmem>> -> memref<1x80xi32, #tpu.memory_space<vmem>>
        %dma_start3A_214 = tpu.memref_squeeze %dma_start3A_213 : memref<1x80xi32, #tpu.memory_space<vmem>> -> memref<80xi32, #tpu.memory_space<vmem>>
        %dma_start3A_215 = arith.constant 0 : i32
        %dma_start3A_216 = tpu.memref_slice %arg17[%dma_start3A_215] : memref<10240xf32, #tpu.memory_space<vmem_shared>> -> memref<10240xf32, #tpu.memory_space<vmem_shared>>
        tpu.enqueue_indirect_dma source(%arg14 : memref<80xf32, #tpu.memory_space<vmem>>) target(%dma_start3A_216 : memref<10240xf32, #tpu.memory_space<vmem_shared>>) offsets(%dma_start3A_214 : memref<80xi32, #tpu.memory_space<vmem>>) semaphore(%arg18 : memref<!tpu.dma_semaphore, #tpu.memory_space<semaphore_mem>>) {add = true}
      } else {
      }
      %scan3A_202 = arith.constant 0 : i32
      scf.yield %scan3A_202 : i32
    }
    %scan3A_76 = arith.constant 42 : i32
    %dma_wait3A_77 = arith.constant 122 : i32
    %dma_wait3A_78 = arith.constant 0 : i32
    %dma_wait3A_79 = tpu.memref_slice %arg7[%dma_wait3A_77, %dma_wait3A_78] : memref<125x80xi32, #tpu.memory_space<vmem>> -> memref<1x80xi32, #tpu.memory_space<vmem>>
    %dma_wait3A_80 = tpu.memref_squeeze %dma_wait3A_79 : memref<1x80xi32, #tpu.memory_space<vmem>> -> memref<80xi32, #tpu.memory_space<vmem>>
    %dma_wait3A_81 = arith.constant 0 : i32
    %dma_wait3A_82 = arith.constant 0 : i32
    %dma_wait3A_83 = tpu.memref_slice %arg16[%dma_wait3A_81, %dma_wait3A_82] : memref<10240x128xf32, #tpu.memory_space<vmem_shared>> -> memref<10240x128xf32, #tpu.memory_space<vmem_shared>>
    tpu.wait_indirect_dma semaphore(%arg27 : memref<!tpu.dma_semaphore, #tpu.memory_space<semaphore_mem>>) src(%arg13 : memref<80x128xf32, #tpu.memory_space<vmem>>) dst(%dma_wait3A_83 : memref<10240x128xf32, #tpu.memory_space<vmem_shared>>)
    %dma_wait3A_84 = arith.constant 123 : i32
    %dma_wait3A_85 = arith.constant 0 : i32
    %dma_wait3A_86 = tpu.memref_slice %arg7[%dma_wait3A_84, %dma_wait3A_85] : memref<125x80xi32, #tpu.memory_space<vmem>> -> memref<1x80xi32, #tpu.memory_space<vmem>>
    %dma_wait3A_87 = tpu.memref_squeeze %dma_wait3A_86 : memref<1x80xi32, #tpu.memory_space<vmem>> -> memref<80xi32, #tpu.memory_space<vmem>>
    %dma_wait3A_88 = arith.constant 0 : i32
    %dma_wait3A_89 = arith.constant 0 : i32
    %dma_wait3A_90 = tpu.memref_slice %arg16[%dma_wait3A_88, %dma_wait3A_89] : memref<10240x128xf32, #tpu.memory_space<vmem_shared>> -> memref<10240x128xf32, #tpu.memory_space<vmem_shared>>
    tpu.wait_indirect_dma semaphore(%arg25 : memref<!tpu.dma_semaphore, #tpu.memory_space<semaphore_mem>>) src(%arg11 : memref<80x128xf32, #tpu.memory_space<vmem>>) dst(%dma_wait3A_90 : memref<10240x128xf32, #tpu.memory_space<vmem_shared>>)
    %dma_wait3A_91 = arith.constant 124 : i32
    %dma_wait3A_92 = arith.constant 0 : i32
    %dma_wait3A_93 = tpu.memref_slice %arg7[%dma_wait3A_91, %dma_wait3A_92] : memref<125x80xi32, #tpu.memory_space<vmem>> -> memref<1x80xi32, #tpu.memory_space<vmem>>
    %dma_wait3A_94 = tpu.memref_squeeze %dma_wait3A_93 : memref<1x80xi32, #tpu.memory_space<vmem>> -> memref<80xi32, #tpu.memory_space<vmem>>
    %dma_wait3A_95 = arith.constant 0 : i32
    %dma_wait3A_96 = arith.constant 0 : i32
    %dma_wait3A_97 = tpu.memref_slice %arg16[%dma_wait3A_95, %dma_wait3A_96] : memref<10240x128xf32, #tpu.memory_space<vmem_shared>> -> memref<10240x128xf32, #tpu.memory_space<vmem_shared>>
    tpu.wait_indirect_dma semaphore(%arg26 : memref<!tpu.dma_semaphore, #tpu.memory_space<semaphore_mem>>) src(%arg12 : memref<80x128xf32, #tpu.memory_space<vmem>>) dst(%dma_wait3A_97 : memref<10240x128xf32, #tpu.memory_space<vmem_shared>>)
    %scan3A_98 = arith.constant 0 : i32
    %scan3A_99 = arith.constant 0 : i32
    %scan3A_100 = arith.constant 125 : i32
    %scan3A_101 = arith.addi %scan3A_99, %scan3A_100 : i32
    %scan3A_102 = arith.constant 1 : i32
    %scan3A_103 = scf.for %scan3A_106 = %scan3A_99 to %scan3A_101 step %scan3A_102 iter_args(%scan3A_107 = %scan3A_98) -> (i32)  : i32 {
      %dma_wait3A_108 = arith.constant 0 : i32
      %dma_wait3A_109 = arith.constant 0 : i32
      %dma_wait3A_110 = tpu.memref_slice %arg7[%dma_wait3A_108, %dma_wait3A_109] : memref<125x80xi32, #tpu.memory_space<vmem>> -> memref<1x80xi32, #tpu.memory_space<vmem>>
      %dma_wait3A_111 = tpu.memref_squeeze %dma_wait3A_110 : memref<1x80xi32, #tpu.memory_space<vmem>> -> memref<80xi32, #tpu.memory_space<vmem>>
      %dma_wait3A_112 = arith.constant 0 : i32
      %dma_wait3A_113 = tpu.memref_slice %arg17[%dma_wait3A_112] : memref<10240xf32, #tpu.memory_space<vmem_shared>> -> memref<10240xf32, #tpu.memory_space<vmem_shared>>
      tpu.wait_indirect_dma semaphore(%arg18 : memref<!tpu.dma_semaphore, #tpu.memory_space<semaphore_mem>>) src(%arg14 : memref<80xf32, #tpu.memory_space<vmem>>) dst(%dma_wait3A_113 : memref<10240xf32, #tpu.memory_space<vmem_shared>>)
      %scan3A_114 = arith.constant 0 : i32
      scf.yield %scan3A_114 : i32
    }
    %scan3A_104 = arith.constant 125 : i32
    %barrier3A_105 = arith.constant 0 : index
    tpu.barrier barrier_id(%barrier3A_105)
    "tpu.region"() ({
      %run_scoped3A = tpu.sem_alloc : memref<!tpu.dma_semaphore, #tpu.memory_space<semaphore_mem>>
      %dma_start3A_106 = arith.constant 0 : i32
      %dma_start3A_107 = tpu.memref_slice %arg5[%arg0, %mul3A_17, %dma_start3A_106] : memref<2x10240x128xf32, #tpu.memory_space<hbm>> -> memref<1x640x128xf32, #tpu.memory_space<hbm>>
      %dma_start3A_108 = tpu.memref_squeeze %dma_start3A_107 : memref<1x640x128xf32, #tpu.memory_space<hbm>> -> memref<640x128xf32, #tpu.memory_space<hbm>>
      %dma_start3A_109 = arith.constant 0 : i32
      %dma_start3A_110 = tpu.memref_slice %arg16[%mul3A_17, %dma_start3A_109] : memref<10240x128xf32, #tpu.memory_space<vmem_shared>> -> memref<640x128xf32, #tpu.memory_space<vmem_shared>>
      tpu.enqueue_dma source(%dma_start3A_110 : memref<640x128xf32, #tpu.memory_space<vmem_shared>>) target(%dma_start3A_108 : memref<640x128xf32, #tpu.memory_space<hbm>>) target_semaphore(%run_scoped3A : memref<!tpu.dma_semaphore, #tpu.memory_space<semaphore_mem>>)
      %dma_wait3A_111 = arith.constant 0 : i32
      %dma_wait3A_112 = tpu.memref_slice %arg5[%arg0, %mul3A_17, %dma_wait3A_111] : memref<2x10240x128xf32, #tpu.memory_space<hbm>> -> memref<1x640x128xf32, #tpu.memory_space<hbm>>
      %dma_wait3A_113 = tpu.memref_squeeze %dma_wait3A_112 : memref<1x640x128xf32, #tpu.memory_space<hbm>> -> memref<640x128xf32, #tpu.memory_space<hbm>>
      %dma_wait3A_114 = arith.constant 0 : i32
      %dma_wait3A_115 = tpu.memref_slice %arg16[%mul3A_17, %dma_wait3A_114] : memref<10240x128xf32, #tpu.memory_space<vmem_shared>> -> memref<640x128xf32, #tpu.memory_space<vmem_shared>>
      tpu.wait_dma2 semaphore(%run_scoped3A : memref<!tpu.dma_semaphore, #tpu.memory_space<semaphore_mem>>) src(%dma_wait3A_115 : memref<640x128xf32, #tpu.memory_space<vmem_shared>>) dst(%dma_wait3A_113 : memref<640x128xf32, #tpu.memory_space<hbm>>)
      tpu.yield
    }) : () -> ()
    "tpu.region"() ({
      %run_scoped3A = tpu.sem_alloc : memref<!tpu.dma_semaphore, #tpu.memory_space<semaphore_mem>>
      %dma_start3A_106 = tpu.memref_slice %arg6[%arg0, %mul3A_17] : memref<2x10240xf32, #tpu.memory_space<hbm>> -> memref<1x640xf32, #tpu.memory_space<hbm>>
      %dma_start3A_107 = tpu.memref_squeeze %dma_start3A_106 : memref<1x640xf32, #tpu.memory_space<hbm>> -> memref<640xf32, #tpu.memory_space<hbm>>
      %dma_start3A_108 = tpu.memref_slice %arg17[%mul3A_17] : memref<10240xf32, #tpu.memory_space<vmem_shared>> -> memref<640xf32, #tpu.memory_space<vmem_shared>>
      tpu.enqueue_dma source(%dma_start3A_108 : memref<640xf32, #tpu.memory_space<vmem_shared>>) target(%dma_start3A_107 : memref<640xf32, #tpu.memory_space<hbm>>) target_semaphore(%run_scoped3A : memref<!tpu.dma_semaphore, #tpu.memory_space<semaphore_mem>>)
      %dma_wait3A_109 = tpu.memref_slice %arg6[%arg0, %mul3A_17] : memref<2x10240xf32, #tpu.memory_space<hbm>> -> memref<1x640xf32, #tpu.memory_space<hbm>>
      %dma_wait3A_110 = tpu.memref_squeeze %dma_wait3A_109 : memref<1x640xf32, #tpu.memory_space<hbm>> -> memref<640xf32, #tpu.memory_space<hbm>>
      %dma_wait3A_111 = tpu.memref_slice %arg17[%mul3A_17] : memref<10240xf32, #tpu.memory_space<vmem_shared>> -> memref<640xf32, #tpu.memory_space<vmem_shared>>
      tpu.wait_dma2 semaphore(%run_scoped3A : memref<!tpu.dma_semaphore, #tpu.memory_space<semaphore_mem>>) src(%dma_wait3A_111 : memref<640xf32, #tpu.memory_space<vmem_shared>>) dst(%dma_wait3A_110 : memref<640xf32, #tpu.memory_space<hbm>>)
      tpu.yield
    }) : () -> ()
    return
  }
}

#map = affine_map<(d0, d1) -> (0, 0)>
#map1 = affine_map<(d0, d1) -> (0)>
#map2 = affine_map<(d0, d1) -> (0, 0, 0)>
module attributes {stable_mosaic.version = 14 : i64} {
  func.func @_sc_agg_body(%arg0: i32, %arg1: i32, %arg2: memref<10000x128xf32, #tpu.memory_space<hbm>>, %arg3: memref<320000xi32, #tpu.memory_space<hbm>>, %arg4: memref<32x125x80xi32, #tpu.memory_space<hbm>>, %arg5: memref<2x10240x128xf32, #tpu.memory_space<hbm>>, %arg6: memref<125x80xi32, #tpu.memory_space<vmem>>, %arg7: memref<80xi32, #tpu.memory_space<vmem>>, %arg8: memref<80xi32, #tpu.memory_space<vmem>>, %arg9: memref<80xi32, #tpu.memory_space<vmem>>, %arg10: memref<80x128xf32, #tpu.memory_space<vmem>>, %arg11: memref<80x128xf32, #tpu.memory_space<vmem>>, %arg12: memref<80x128xf32, #tpu.memory_space<vmem>>, %arg13: memref<10240x128xf32, #tpu.memory_space<vmem_shared>>, %arg14: memref<!tpu.dma_semaphore, #tpu.memory_space<semaphore_mem>>, %arg15: memref<!tpu.dma_semaphore, #tpu.memory_space<semaphore_mem>>, %arg16: memref<!tpu.dma_semaphore, #tpu.memory_space<semaphore_mem>>, %arg17: memref<!tpu.dma_semaphore, #tpu.memory_space<semaphore_mem>>, %arg18: memref<!tpu.dma_semaphore, #tpu.memory_space<semaphore_mem>>, %arg19: memref<!tpu.dma_semaphore, #tpu.memory_space<semaphore_mem>>, %arg20: memref<!tpu.dma_semaphore, #tpu.memory_space<semaphore_mem>>, %arg21: memref<!tpu.dma_semaphore, #tpu.memory_space<semaphore_mem>>, %arg22: memref<!tpu.dma_semaphore, #tpu.memory_space<semaphore_mem>>, %arg23: memref<!tpu.dma_semaphore, #tpu.memory_space<semaphore_mem>>) attributes {dimension_semantics = [#tpu.dimension_semantics<core_parallel>, #tpu.dimension_semantics<subcore_parallel>], iteration_bounds = array<i64: 2, 16>, scalar_prefetch = 0 : i64, scratch_operands = 18 : i64, tpu.core_type = #tpu.core_type<sc_vector_subcore>, window_params = [{transform_indices = #map}, {transform_indices = #map1}, {transform_indices = #map2}, {transform_indices = #map2}]} {
    %mul3A = arith.constant 2 : i32
    %mul3A_0 = arith.muli %arg1, %mul3A : i32
    %add3A = arith.addi %mul3A_0, %arg0 : i32
    %mul3A_1 = arith.constant 10000 : i32
    %mul3A_2 = arith.muli %add3A, %mul3A_1 : i32
    %dma_start3A = arith.constant 0 : i32
    %dma_start3A_3 = arith.constant 0 : i32
    %dma_start3A_4 = tpu.memref_slice %arg4[%add3A, %dma_start3A, %dma_start3A_3] : memref<32x125x80xi32, #tpu.memory_space<hbm>> -> memref<1x125x80xi32, #tpu.memory_space<hbm>>
    %dma_start3A_5 = tpu.memref_squeeze %dma_start3A_4 : memref<1x125x80xi32, #tpu.memory_space<hbm>> -> memref<125x80xi32, #tpu.memory_space<hbm>>
    %dma_start3A_6 = arith.constant 0 : i32
    %dma_start3A_7 = arith.constant 0 : i32
    %dma_start3A_8 = tpu.memref_slice %arg4[%add3A, %dma_start3A_6, %dma_start3A_7] : memref<32x125x80xi32, #tpu.memory_space<hbm>> -> memref<1x125x80xi32, #tpu.memory_space<hbm>>
    %dma_start3A_9 = tpu.memref_squeeze %dma_start3A_8 : memref<1x125x80xi32, #tpu.memory_space<hbm>> -> memref<125x80xi32, #tpu.memory_space<hbm>>
    tpu.enqueue_dma source(%dma_start3A_9 : memref<125x80xi32, #tpu.memory_space<hbm>>) target(%arg6 : memref<125x80xi32, #tpu.memory_space<vmem>>) target_semaphore(%arg14 : memref<!tpu.dma_semaphore, #tpu.memory_space<semaphore_mem>>)
    %scan3A = arith.constant 0 : i32
    %scan3A_10 = arith.constant 0 : i32
    %scan3A_11 = arith.constant 640 : i32
    %scan3A_12 = arith.addi %scan3A_10, %scan3A_11 : i32
    %scan3A_13 = arith.constant 1 : i32
    %scan3A_14 = scf.for %scan3A_85 = %scan3A_10 to %scan3A_12 step %scan3A_13 iter_args(%scan3A_86 = %scan3A) -> (i32)  : i32 {
      %broadcast_in_dim3A = arith.constant 0.000000e+00 : f32
      %broadcast_in_dim3A_87 = vector.broadcast %broadcast_in_dim3A : f32 to vector<16xf32>
      %jit3A = arith.constant 8 : i32
      %div3A = arith.divsi %scan3A_85, %jit3A : i32
      %sign3A = arith.constant 0 : i32
      %sign3A_88 = arith.cmpi sgt, %scan3A_85, %sign3A : i32
      %sign3A_89 = arith.extui %sign3A_88 : i1 to i32
      %sign3A_90 = arith.constant 0 : i32
      %sign3A_91 = arith.cmpi slt, %scan3A_85, %sign3A_90 : i32
      %sign3A_92 = arith.extui %sign3A_91 : i1 to i32
      %sign3A_93 = arith.subi %sign3A_89, %sign3A_92 : i32
      %sign3A_94 = arith.constant 0 : i32
      %sign3A_95 = arith.cmpi sgt, %jit3A, %sign3A_94 : i32
      %sign3A_96 = arith.extui %sign3A_95 : i1 to i32
      %sign3A_97 = arith.constant 0 : i32
      %sign3A_98 = arith.cmpi slt, %jit3A, %sign3A_97 : i32
      %sign3A_99 = arith.extui %sign3A_98 : i1 to i32
      %sign3A_100 = arith.subi %sign3A_96, %sign3A_99 : i32
      %ne3A = arith.cmpi ne, %sign3A_93, %sign3A_100 : i32
      %rem3A = arith.remsi %scan3A_85, %jit3A : i32
      %ne3A_101 = arith.constant 0 : i32
      %ne3A_102 = arith.cmpi ne, %rem3A, %ne3A_101 : i32
      %and3A = arith.andi %ne3A, %ne3A_102 : i1
      %sub3A = arith.constant 1 : i32
      %sub3A_103 = arith.subi %div3A, %sub3A : i32
      %select_n3A = arith.select %and3A, %sub3A_103, %div3A : i32
      %jit3A_104 = arith.constant 8 : i32
      %eq3A = arith.constant 0 : i32
      %eq3A_105 = arith.cmpi eq, %jit3A_104, %eq3A : i32
      %jit3A_106 = arith.constant 1 : i32
      %select_n3A_107 = arith.select %eq3A_105, %jit3A_106, %jit3A_104 : i32
      %rem3A_108 = arith.remsi %scan3A_85, %select_n3A_107 : i32
      %ne3A_109 = arith.constant 0 : i32
      %ne3A_110 = arith.cmpi ne, %rem3A_108, %ne3A_109 : i32
      %lt3A = arith.constant 0 : i32
      %lt3A_111 = arith.cmpi slt, %rem3A_108, %lt3A : i32
      %lt3A_112 = arith.constant 0 : i32
      %lt3A_113 = arith.cmpi slt, %select_n3A_107, %lt3A_112 : i32
      %ne3A_114 = arith.xori %lt3A_111, %lt3A_113 : i1
      %and3A_115 = arith.andi %ne3A_114, %ne3A_110 : i1
      %add3A_116 = arith.addi %rem3A_108, %select_n3A_107 : i32
      %select_n3A_117 = arith.select %and3A_115, %add3A_116, %rem3A_108 : i32
      %mul3A_118 = arith.constant 16 : i32
      %mul3A_119 = arith.muli %select_n3A_117, %mul3A_118 : i32
      %swap3A = arith.index_cast %select_n3A : i32 to index
      %swap3A_120 = arith.index_cast %mul3A_119 : i32 to index
      %swap3A_121 = tpu.vector_load %arg10[%swap3A, %swap3A_120] {strides = array<i32>} : memref<80x128xf32, #tpu.memory_space<vmem>>, vector<1x16xf32>,
      %swap3A_122 = vector.shape_cast %swap3A_121 : vector<1x16xf32> to vector<16xf32>
      %swap3A_123 = vector.shape_cast %broadcast_in_dim3A_87 : vector<16xf32> to vector<1x16xf32>
      tpu.vector_store %arg10[%swap3A, %swap3A_120], %swap3A_123 {strides = array<i32>} : memref<80x128xf32, #tpu.memory_space<vmem>>, vector<1x16xf32>,
      %scan3A_124 = arith.constant 0 : i32
      scf.yield %scan3A_124 : i32
    }
    %scan3A_15 = arith.constant 640 : i32
    %mul3A_16 = arith.constant 640 : i32
    %mul3A_17 = arith.muli %arg1, %mul3A_16 : i32
    %add3A_18 = arith.constant 0 : i32
    %add3A_19 = arith.addi %mul3A_17, %add3A_18 : i32
    "tpu.region"() ({
      %run_scoped3A = tpu.sem_alloc : memref<!tpu.dma_semaphore, #tpu.memory_space<semaphore_mem>>
      %dma_start3A_85 = arith.constant 0 : i32
      %dma_start3A_86 = tpu.memref_slice %arg13[%add3A_19, %dma_start3A_85] : memref<10240x128xf32, #tpu.memory_space<vmem_shared>> -> memref<80x128xf32, #tpu.memory_space<vmem_shared>>
      %dma_start3A_87 = arith.constant 0 : i32
      %dma_start3A_88 = tpu.memref_slice %arg13[%add3A_19, %dma_start3A_87] : memref<10240x128xf32, #tpu.memory_space<vmem_shared>> -> memref<80x128xf32, #tpu.memory_space<vmem_shared>>
      tpu.enqueue_dma source(%arg10 : memref<80x128xf32, #tpu.memory_space<vmem>>) target(%dma_start3A_88 : memref<80x128xf32, #tpu.memory_space<vmem_shared>>) target_semaphore(%run_scoped3A : memref<!tpu.dma_semaphore, #tpu.memory_space<semaphore_mem>>)
      %dma_wait3A_89 = arith.constant 0 : i32
      %dma_wait3A_90 = tpu.memref_slice %arg13[%add3A_19, %dma_wait3A_89] : memref<10240x128xf32, #tpu.memory_space<vmem_shared>> -> memref<80x128xf32, #tpu.memory_space<vmem_shared>>
      %dma_wait3A_91 = arith.constant 0 : i32
      %dma_wait3A_92 = tpu.memref_slice %arg13[%add3A_19, %dma_wait3A_91] : memref<10240x128xf32, #tpu.memory_space<vmem_shared>> -> memref<80x128xf32, #tpu.memory_space<vmem_shared>>
      tpu.wait_dma2 semaphore(%run_scoped3A : memref<!tpu.dma_semaphore, #tpu.memory_space<semaphore_mem>>) src(%arg10 : memref<80x128xf32, #tpu.memory_space<vmem>>) dst(%dma_wait3A_92 : memref<80x128xf32, #tpu.memory_space<vmem_shared>>)
      tpu.yield
    }) : () -> ()
    %add3A_20 = arith.constant 80 : i32
    %add3A_21 = arith.addi %mul3A_17, %add3A_20 : i32
    "tpu.region"() ({
      %run_scoped3A = tpu.sem_alloc : memref<!tpu.dma_semaphore, #tpu.memory_space<semaphore_mem>>
      %dma_start3A_85 = arith.constant 0 : i32
      %dma_start3A_86 = tpu.memref_slice %arg13[%add3A_21, %dma_start3A_85] : memref<10240x128xf32, #tpu.memory_space<vmem_shared>> -> memref<80x128xf32, #tpu.memory_space<vmem_shared>>
      %dma_start3A_87 = arith.constant 0 : i32
      %dma_start3A_88 = tpu.memref_slice %arg13[%add3A_21, %dma_start3A_87] : memref<10240x128xf32, #tpu.memory_space<vmem_shared>> -> memref<80x128xf32, #tpu.memory_space<vmem_shared>>
      tpu.enqueue_dma source(%arg10 : memref<80x128xf32, #tpu.memory_space<vmem>>) target(%dma_start3A_88 : memref<80x128xf32, #tpu.memory_space<vmem_shared>>) target_semaphore(%run_scoped3A : memref<!tpu.dma_semaphore, #tpu.memory_space<semaphore_mem>>)
      %dma_wait3A_89 = arith.constant 0 : i32
      %dma_wait3A_90 = tpu.memref_slice %arg13[%add3A_21, %dma_wait3A_89] : memref<10240x128xf32, #tpu.memory_space<vmem_shared>> -> memref<80x128xf32, #tpu.memory_space<vmem_shared>>
      %dma_wait3A_91 = arith.constant 0 : i32
      %dma_wait3A_92 = tpu.memref_slice %arg13[%add3A_21, %dma_wait3A_91] : memref<10240x128xf32, #tpu.memory_space<vmem_shared>> -> memref<80x128xf32, #tpu.memory_space<vmem_shared>>
      tpu.wait_dma2 semaphore(%run_scoped3A : memref<!tpu.dma_semaphore, #tpu.memory_space<semaphore_mem>>) src(%arg10 : memref<80x128xf32, #tpu.memory_space<vmem>>) dst(%dma_wait3A_92 : memref<80x128xf32, #tpu.memory_space<vmem_shared>>)
      tpu.yield
    }) : () -> ()
    %add3A_22 = arith.constant 160 : i32
    %add3A_23 = arith.addi %mul3A_17, %add3A_22 : i32
    "tpu.region"() ({
      %run_scoped3A = tpu.sem_alloc : memref<!tpu.dma_semaphore, #tpu.memory_space<semaphore_mem>>
      %dma_start3A_85 = arith.constant 0 : i32
      %dma_start3A_86 = tpu.memref_slice %arg13[%add3A_23, %dma_start3A_85] : memref<10240x128xf32, #tpu.memory_space<vmem_shared>> -> memref<80x128xf32, #tpu.memory_space<vmem_shared>>
      %dma_start3A_87 = arith.constant 0 : i32
      %dma_start3A_88 = tpu.memref_slice %arg13[%add3A_23, %dma_start3A_87] : memref<10240x128xf32, #tpu.memory_space<vmem_shared>> -> memref<80x128xf32, #tpu.memory_space<vmem_shared>>
      tpu.enqueue_dma source(%arg10 : memref<80x128xf32, #tpu.memory_space<vmem>>) target(%dma_start3A_88 : memref<80x128xf32, #tpu.memory_space<vmem_shared>>) target_semaphore(%run_scoped3A : memref<!tpu.dma_semaphore, #tpu.memory_space<semaphore_mem>>)
      %dma_wait3A_89 = arith.constant 0 : i32
      %dma_wait3A_90 = tpu.memref_slice %arg13[%add3A_23, %dma_wait3A_89] : memref<10240x128xf32, #tpu.memory_space<vmem_shared>> -> memref<80x128xf32, #tpu.memory_space<vmem_shared>>
      %dma_wait3A_91 = arith.constant 0 : i32
      %dma_wait3A_92 = tpu.memref_slice %arg13[%add3A_23, %dma_wait3A_91] : memref<10240x128xf32, #tpu.memory_space<vmem_shared>> -> memref<80x128xf32, #tpu.memory_space<vmem_shared>>
      tpu.wait_dma2 semaphore(%run_scoped3A : memref<!tpu.dma_semaphore, #tpu.memory_space<semaphore_mem>>) src(%arg10 : memref<80x128xf32, #tpu.memory_space<vmem>>) dst(%dma_wait3A_92 : memref<80x128xf32, #tpu.memory_space<vmem_shared>>)
      tpu.yield
    }) : () -> ()
    %add3A_24 = arith.constant 240 : i32
    %add3A_25 = arith.addi %mul3A_17, %add3A_24 : i32
    "tpu.region"() ({
      %run_scoped3A = tpu.sem_alloc : memref<!tpu.dma_semaphore, #tpu.memory_space<semaphore_mem>>
      %dma_start3A_85 = arith.constant 0 : i32
      %dma_start3A_86 = tpu.memref_slice %arg13[%add3A_25, %dma_start3A_85] : memref<10240x128xf32, #tpu.memory_space<vmem_shared>> -> memref<80x128xf32, #tpu.memory_space<vmem_shared>>
      %dma_start3A_87 = arith.constant 0 : i32
      %dma_start3A_88 = tpu.memref_slice %arg13[%add3A_25, %dma_start3A_87] : memref<10240x128xf32, #tpu.memory_space<vmem_shared>> -> memref<80x128xf32, #tpu.memory_space<vmem_shared>>
      tpu.enqueue_dma source(%arg10 : memref<80x128xf32, #tpu.memory_space<vmem>>) target(%dma_start3A_88 : memref<80x128xf32, #tpu.memory_space<vmem_shared>>) target_semaphore(%run_scoped3A : memref<!tpu.dma_semaphore, #tpu.memory_space<semaphore_mem>>)
      %dma_wait3A_89 = arith.constant 0 : i32
      %dma_wait3A_90 = tpu.memref_slice %arg13[%add3A_25, %dma_wait3A_89] : memref<10240x128xf32, #tpu.memory_space<vmem_shared>> -> memref<80x128xf32, #tpu.memory_space<vmem_shared>>
      %dma_wait3A_91 = arith.constant 0 : i32
      %dma_wait3A_92 = tpu.memref_slice %arg13[%add3A_25, %dma_wait3A_91] : memref<10240x128xf32, #tpu.memory_space<vmem_shared>> -> memref<80x128xf32, #tpu.memory_space<vmem_shared>>
      tpu.wait_dma2 semaphore(%run_scoped3A : memref<!tpu.dma_semaphore, #tpu.memory_space<semaphore_mem>>) src(%arg10 : memref<80x128xf32, #tpu.memory_space<vmem>>) dst(%dma_wait3A_92 : memref<80x128xf32, #tpu.memory_space<vmem_shared>>)
      tpu.yield
    }) : () -> ()
    %add3A_26 = arith.constant 320 : i32
    %add3A_27 = arith.addi %mul3A_17, %add3A_26 : i32
    "tpu.region"() ({
      %run_scoped3A = tpu.sem_alloc : memref<!tpu.dma_semaphore, #tpu.memory_space<semaphore_mem>>
      %dma_start3A_85 = arith.constant 0 : i32
      %dma_start3A_86 = tpu.memref_slice %arg13[%add3A_27, %dma_start3A_85] : memref<10240x128xf32, #tpu.memory_space<vmem_shared>> -> memref<80x128xf32, #tpu.memory_space<vmem_shared>>
      %dma_start3A_87 = arith.constant 0 : i32
      %dma_start3A_88 = tpu.memref_slice %arg13[%add3A_27, %dma_start3A_87] : memref<10240x128xf32, #tpu.memory_space<vmem_shared>> -> memref<80x128xf32, #tpu.memory_space<vmem_shared>>
      tpu.enqueue_dma source(%arg10 : memref<80x128xf32, #tpu.memory_space<vmem>>) target(%dma_start3A_88 : memref<80x128xf32, #tpu.memory_space<vmem_shared>>) target_semaphore(%run_scoped3A : memref<!tpu.dma_semaphore, #tpu.memory_space<semaphore_mem>>)
      %dma_wait3A_89 = arith.constant 0 : i32
      %dma_wait3A_90 = tpu.memref_slice %arg13[%add3A_27, %dma_wait3A_89] : memref<10240x128xf32, #tpu.memory_space<vmem_shared>> -> memref<80x128xf32, #tpu.memory_space<vmem_shared>>
      %dma_wait3A_91 = arith.constant 0 : i32
      %dma_wait3A_92 = tpu.memref_slice %arg13[%add3A_27, %dma_wait3A_91] : memref<10240x128xf32, #tpu.memory_space<vmem_shared>> -> memref<80x128xf32, #tpu.memory_space<vmem_shared>>
      tpu.wait_dma2 semaphore(%run_scoped3A : memref<!tpu.dma_semaphore, #tpu.memory_space<semaphore_mem>>) src(%arg10 : memref<80x128xf32, #tpu.memory_space<vmem>>) dst(%dma_wait3A_92 : memref<80x128xf32, #tpu.memory_space<vmem_shared>>)
      tpu.yield
    }) : () -> ()
    %add3A_28 = arith.constant 400 : i32
    %add3A_29 = arith.addi %mul3A_17, %add3A_28 : i32
    "tpu.region"() ({
      %run_scoped3A = tpu.sem_alloc : memref<!tpu.dma_semaphore, #tpu.memory_space<semaphore_mem>>
      %dma_start3A_85 = arith.constant 0 : i32
      %dma_start3A_86 = tpu.memref_slice %arg13[%add3A_29, %dma_start3A_85] : memref<10240x128xf32, #tpu.memory_space<vmem_shared>> -> memref<80x128xf32, #tpu.memory_space<vmem_shared>>
      %dma_start3A_87 = arith.constant 0 : i32
      %dma_start3A_88 = tpu.memref_slice %arg13[%add3A_29, %dma_start3A_87] : memref<10240x128xf32, #tpu.memory_space<vmem_shared>> -> memref<80x128xf32, #tpu.memory_space<vmem_shared>>
      tpu.enqueue_dma source(%arg10 : memref<80x128xf32, #tpu.memory_space<vmem>>) target(%dma_start3A_88 : memref<80x128xf32, #tpu.memory_space<vmem_shared>>) target_semaphore(%run_scoped3A : memref<!tpu.dma_semaphore, #tpu.memory_space<semaphore_mem>>)
      %dma_wait3A_89 = arith.constant 0 : i32
      %dma_wait3A_90 = tpu.memref_slice %arg13[%add3A_29, %dma_wait3A_89] : memref<10240x128xf32, #tpu.memory_space<vmem_shared>> -> memref<80x128xf32, #tpu.memory_space<vmem_shared>>
      %dma_wait3A_91 = arith.constant 0 : i32
      %dma_wait3A_92 = tpu.memref_slice %arg13[%add3A_29, %dma_wait3A_91] : memref<10240x128xf32, #tpu.memory_space<vmem_shared>> -> memref<80x128xf32, #tpu.memory_space<vmem_shared>>
      tpu.wait_dma2 semaphore(%run_scoped3A : memref<!tpu.dma_semaphore, #tpu.memory_space<semaphore_mem>>) src(%arg10 : memref<80x128xf32, #tpu.memory_space<vmem>>) dst(%dma_wait3A_92 : memref<80x128xf32, #tpu.memory_space<vmem_shared>>)
      tpu.yield
    }) : () -> ()
    %add3A_30 = arith.constant 480 : i32
    %add3A_31 = arith.addi %mul3A_17, %add3A_30 : i32
    "tpu.region"() ({
      %run_scoped3A = tpu.sem_alloc : memref<!tpu.dma_semaphore, #tpu.memory_space<semaphore_mem>>
      %dma_start3A_85 = arith.constant 0 : i32
      %dma_start3A_86 = tpu.memref_slice %arg13[%add3A_31, %dma_start3A_85] : memref<10240x128xf32, #tpu.memory_space<vmem_shared>> -> memref<80x128xf32, #tpu.memory_space<vmem_shared>>
      %dma_start3A_87 = arith.constant 0 : i32
      %dma_start3A_88 = tpu.memref_slice %arg13[%add3A_31, %dma_start3A_87] : memref<10240x128xf32, #tpu.memory_space<vmem_shared>> -> memref<80x128xf32, #tpu.memory_space<vmem_shared>>
      tpu.enqueue_dma source(%arg10 : memref<80x128xf32, #tpu.memory_space<vmem>>) target(%dma_start3A_88 : memref<80x128xf32, #tpu.memory_space<vmem_shared>>) target_semaphore(%run_scoped3A : memref<!tpu.dma_semaphore, #tpu.memory_space<semaphore_mem>>)
      %dma_wait3A_89 = arith.constant 0 : i32
      %dma_wait3A_90 = tpu.memref_slice %arg13[%add3A_31, %dma_wait3A_89] : memref<10240x128xf32, #tpu.memory_space<vmem_shared>> -> memref<80x128xf32, #tpu.memory_space<vmem_shared>>
      %dma_wait3A_91 = arith.constant 0 : i32
      %dma_wait3A_92 = tpu.memref_slice %arg13[%add3A_31, %dma_wait3A_91] : memref<10240x128xf32, #tpu.memory_space<vmem_shared>> -> memref<80x128xf32, #tpu.memory_space<vmem_shared>>
      tpu.wait_dma2 semaphore(%run_scoped3A : memref<!tpu.dma_semaphore, #tpu.memory_space<semaphore_mem>>) src(%arg10 : memref<80x128xf32, #tpu.memory_space<vmem>>) dst(%dma_wait3A_92 : memref<80x128xf32, #tpu.memory_space<vmem_shared>>)
      tpu.yield
    }) : () -> ()
    %add3A_32 = arith.constant 560 : i32
    %add3A_33 = arith.addi %mul3A_17, %add3A_32 : i32
    "tpu.region"() ({
      %run_scoped3A = tpu.sem_alloc : memref<!tpu.dma_semaphore, #tpu.memory_space<semaphore_mem>>
      %dma_start3A_85 = arith.constant 0 : i32
      %dma_start3A_86 = tpu.memref_slice %arg13[%add3A_33, %dma_start3A_85] : memref<10240x128xf32, #tpu.memory_space<vmem_shared>> -> memref<80x128xf32, #tpu.memory_space<vmem_shared>>
      %dma_start3A_87 = arith.constant 0 : i32
      %dma_start3A_88 = tpu.memref_slice %arg13[%add3A_33, %dma_start3A_87] : memref<10240x128xf32, #tpu.memory_space<vmem_shared>> -> memref<80x128xf32, #tpu.memory_space<vmem_shared>>
      tpu.enqueue_dma source(%arg10 : memref<80x128xf32, #tpu.memory_space<vmem>>) target(%dma_start3A_88 : memref<80x128xf32, #tpu.memory_space<vmem_shared>>) target_semaphore(%run_scoped3A : memref<!tpu.dma_semaphore, #tpu.memory_space<semaphore_mem>>)
      %dma_wait3A_89 = arith.constant 0 : i32
      %dma_wait3A_90 = tpu.memref_slice %arg13[%add3A_33, %dma_wait3A_89] : memref<10240x128xf32, #tpu.memory_space<vmem_shared>> -> memref<80x128xf32, #tpu.memory_space<vmem_shared>>
      %dma_wait3A_91 = arith.constant 0 : i32
      %dma_wait3A_92 = tpu.memref_slice %arg13[%add3A_33, %dma_wait3A_91] : memref<10240x128xf32, #tpu.memory_space<vmem_shared>> -> memref<80x128xf32, #tpu.memory_space<vmem_shared>>
      tpu.wait_dma2 semaphore(%run_scoped3A : memref<!tpu.dma_semaphore, #tpu.memory_space<semaphore_mem>>) src(%arg10 : memref<80x128xf32, #tpu.memory_space<vmem>>) dst(%dma_wait3A_92 : memref<80x128xf32, #tpu.memory_space<vmem_shared>>)
      tpu.yield
    }) : () -> ()
    %dma_wait3A = arith.constant 0 : i32
    %dma_wait3A_34 = arith.constant 0 : i32
    %dma_wait3A_35 = tpu.memref_slice %arg4[%add3A, %dma_wait3A, %dma_wait3A_34] : memref<32x125x80xi32, #tpu.memory_space<hbm>> -> memref<1x125x80xi32, #tpu.memory_space<hbm>>
    %dma_wait3A_36 = tpu.memref_squeeze %dma_wait3A_35 : memref<1x125x80xi32, #tpu.memory_space<hbm>> -> memref<125x80xi32, #tpu.memory_space<hbm>>
    %dma_wait3A_37 = arith.constant 0 : i32
    %dma_wait3A_38 = arith.constant 0 : i32
    %dma_wait3A_39 = tpu.memref_slice %arg4[%add3A, %dma_wait3A_37, %dma_wait3A_38] : memref<32x125x80xi32, #tpu.memory_space<hbm>> -> memref<1x125x80xi32, #tpu.memory_space<hbm>>
    %dma_wait3A_40 = tpu.memref_squeeze %dma_wait3A_39 : memref<1x125x80xi32, #tpu.memory_space<hbm>> -> memref<125x80xi32, #tpu.memory_space<hbm>>
    tpu.wait_dma2 semaphore(%arg14 : memref<!tpu.dma_semaphore, #tpu.memory_space<semaphore_mem>>) src(%dma_wait3A_40 : memref<125x80xi32, #tpu.memory_space<hbm>>) dst(%arg6 : memref<125x80xi32, #tpu.memory_space<vmem>>)
    %barrier3A = arith.constant 0 : index
    tpu.barrier barrier_id(%barrier3A)
    %add3A_41 = arith.constant 0 : i32
    %add3A_42 = arith.addi %mul3A_2, %add3A_41 : i32
    %dma_start3A_43 = tpu.memref_slice %arg3[%add3A_42] : memref<320000xi32, #tpu.memory_space<hbm>> -> memref<80xi32, #tpu.memory_space<hbm>>
    %dma_start3A_44 = tpu.memref_slice %arg3[%add3A_42] : memref<320000xi32, #tpu.memory_space<hbm>> -> memref<80xi32, #tpu.memory_space<hbm>>
    tpu.enqueue_dma source(%dma_start3A_44 : memref<80xi32, #tpu.memory_space<hbm>>) target(%arg7 : memref<80xi32, #tpu.memory_space<vmem>>) target_semaphore(%arg15 : memref<!tpu.dma_semaphore, #tpu.memory_space<semaphore_mem>>)
    %add3A_45 = arith.constant 80 : i32
    %add3A_46 = arith.addi %mul3A_2, %add3A_45 : i32
    %dma_start3A_47 = tpu.memref_slice %arg3[%add3A_46] : memref<320000xi32, #tpu.memory_space<hbm>> -> memref<80xi32, #tpu.memory_space<hbm>>
    %dma_start3A_48 = tpu.memref_slice %arg3[%add3A_46] : memref<320000xi32, #tpu.memory_space<hbm>> -> memref<80xi32, #tpu.memory_space<hbm>>
    tpu.enqueue_dma source(%dma_start3A_48 : memref<80xi32, #tpu.memory_space<hbm>>) target(%arg8 : memref<80xi32, #tpu.memory_space<vmem>>) target_semaphore(%arg16 : memref<!tpu.dma_semaphore, #tpu.memory_space<semaphore_mem>>)
    %add3A_49 = arith.constant 0 : i32
    %add3A_50 = arith.addi %mul3A_2, %add3A_49 : i32
    %dma_wait3A_51 = tpu.memref_slice %arg3[%add3A_50] : memref<320000xi32, #tpu.memory_space<hbm>> -> memref<80xi32, #tpu.memory_space<hbm>>
    %dma_wait3A_52 = tpu.memref_slice %arg3[%add3A_50] : memref<320000xi32, #tpu.memory_space<hbm>> -> memref<80xi32, #tpu.memory_space<hbm>>
    tpu.wait_dma2 semaphore(%arg15 : memref<!tpu.dma_semaphore, #tpu.memory_space<semaphore_mem>>) src(%dma_wait3A_52 : memref<80xi32, #tpu.memory_space<hbm>>) dst(%arg7 : memref<80xi32, #tpu.memory_space<vmem>>)
    %dma_start3A_53 = arith.constant 0 : i32
    %dma_start3A_54 = arith.constant 0 : i32
    %dma_start3A_55 = tpu.memref_slice %arg2[%dma_start3A_53, %dma_start3A_54] : memref<10000x128xf32, #tpu.memory_space<hbm>> -> memref<10000x128xf32, #tpu.memory_space<hbm>>
    tpu.enqueue_indirect_dma source(%dma_start3A_55 : memref<10000x128xf32, #tpu.memory_space<hbm>>) target(%arg10 : memref<80x128xf32, #tpu.memory_space<vmem>>) offsets(%arg7 : memref<80xi32, #tpu.memory_space<vmem>>) semaphore(%arg18 : memref<!tpu.dma_semaphore, #tpu.memory_space<semaphore_mem>>)
    %scan3A_56 = arith.constant 0 : i32
    %scan3A_57 = arith.constant 0 : i32
    %scan3A_58 = arith.constant 42 : i32
    %scan3A_59 = arith.addi %scan3A_57, %scan3A_58 : i32
    %scan3A_60 = arith.constant 1 : i32
    %scan3A_61 = scf.for %scan3A_85 = %scan3A_57 to %scan3A_59 step %scan3A_60 iter_args(%scan3A_86 = %scan3A_56) -> (i32)  : i32 {
      %mul3A_87 = arith.constant 3 : i32
      %mul3A_88 = arith.muli %scan3A_85, %mul3A_87 : i32
      %add3A_89 = arith.constant 0 : i32
      %add3A_90 = arith.addi %mul3A_88, %add3A_89 : i32
      %add3A_91 = arith.constant 2 : i32
      %add3A_92 = arith.addi %add3A_90, %add3A_91 : i32
      %lt3A = arith.constant 125 : i32
      %lt3A_93 = arith.cmpi slt, %add3A_92, %lt3A : i32
      %ge3A = arith.constant 1 : i32
      %ge3A_94 = arith.cmpi sge, %add3A_90, %ge3A : i32
      %and3A = arith.andi %lt3A_93, %ge3A_94 : i1
      %convert_element_type3A = arith.extui %and3A : i1 to i32
      %cond3A = arith.constant 0 : i32
      %cond3A_95 = arith.cmpi ne, %convert_element_type3A, %cond3A : i32
      scf.if %cond3A_95 {
        %sub3A = arith.constant 1 : i32
        %sub3A_182 = arith.subi %add3A_90, %sub3A : i32
        %dma_wait3A_183 = arith.constant 0 : i32
        %dma_wait3A_184 = tpu.memref_slice %arg6[%sub3A_182, %dma_wait3A_183] : memref<125x80xi32, #tpu.memory_space<vmem>> -> memref<1x80xi32, #tpu.memory_space<vmem>>
        %dma_wait3A_185 = tpu.memref_squeeze %dma_wait3A_184 : memref<1x80xi32, #tpu.memory_space<vmem>> -> memref<80xi32, #tpu.memory_space<vmem>>
        %dma_wait3A_186 = arith.constant 0 : i32
        %dma_wait3A_187 = arith.constant 0 : i32
        %dma_wait3A_188 = tpu.memref_slice %arg13[%dma_wait3A_186, %dma_wait3A_187] : memref<10240x128xf32, #tpu.memory_space<vmem_shared>> -> memref<10240x128xf32, #tpu.memory_space<vmem_shared>>
        tpu.wait_indirect_dma semaphore(%arg23 : memref<!tpu.dma_semaphore, #tpu.memory_space<semaphore_mem>>) src(%arg12 : memref<80x128xf32, #tpu.memory_space<vmem>>) dst(%dma_wait3A_188 : memref<10240x128xf32, #tpu.memory_space<vmem_shared>>)
      } else {
      }
      %add3A_96 = arith.constant 2 : i32
      %add3A_97 = arith.addi %add3A_90, %add3A_96 : i32
      %lt3A_98 = arith.constant 125 : i32
      %lt3A_99 = arith.cmpi slt, %add3A_97, %lt3A_98 : i32
      %convert_element_type3A_100 = arith.extui %lt3A_99 : i1 to i32
      %cond3A_101 = arith.constant 0 : i32
      %cond3A_102 = arith.cmpi ne, %convert_element_type3A_100, %cond3A_101 : i32
      scf.if %cond3A_102 {
        %add3A_182 = arith.constant 2 : i32
        %add3A_183 = arith.addi %add3A_90, %add3A_182 : i32
        %mul3A_184 = arith.constant 80 : i32
        %mul3A_185 = arith.muli %add3A_183, %mul3A_184 : i32
        %add3A_186 = arith.addi %mul3A_2, %mul3A_185 : i32
        %dma_start3A_187 = tpu.memref_slice %arg3[%add3A_186] : memref<320000xi32, #tpu.memory_space<hbm>> -> memref<80xi32, #tpu.memory_space<hbm>>
        %dma_start3A_188 = tpu.memref_slice %arg3[%add3A_186] : memref<320000xi32, #tpu.memory_space<hbm>> -> memref<80xi32, #tpu.memory_space<hbm>>
        tpu.enqueue_dma source(%dma_start3A_188 : memref<80xi32, #tpu.memory_space<hbm>>) target(%arg9 : memref<80xi32, #tpu.memory_space<vmem>>) target_semaphore(%arg17 : memref<!tpu.dma_semaphore, #tpu.memory_space<semaphore_mem>>)
      } else {
      }
      %add3A_103 = arith.constant 1 : i32
      %add3A_104 = arith.addi %add3A_90, %add3A_103 : i32
      %lt3A_105 = arith.constant 125 : i32
      %lt3A_106 = arith.cmpi slt, %add3A_104, %lt3A_105 : i32
      %convert_element_type3A_107 = arith.extui %lt3A_106 : i1 to i32
      %cond3A_108 = arith.constant 0 : i32
      %cond3A_109 = arith.cmpi ne, %convert_element_type3A_107, %cond3A_108 : i32
      scf.if %cond3A_109 {
        %add3A_182 = arith.constant 1 : i32
        %add3A_183 = arith.addi %add3A_90, %add3A_182 : i32
        %mul3A_184 = arith.constant 80 : i32
        %mul3A_185 = arith.muli %add3A_183, %mul3A_184 : i32
        %add3A_186 = arith.addi %mul3A_2, %mul3A_185 : i32
        %dma_wait3A_187 = tpu.memref_slice %arg3[%add3A_186] : memref<320000xi32, #tpu.memory_space<hbm>> -> memref<80xi32, #tpu.memory_space<hbm>>
        %dma_wait3A_188 = tpu.memref_slice %arg3[%add3A_186] : memref<320000xi32, #tpu.memory_space<hbm>> -> memref<80xi32, #tpu.memory_space<hbm>>
        tpu.wait_dma2 semaphore(%arg16 : memref<!tpu.dma_semaphore, #tpu.memory_space<semaphore_mem>>) src(%dma_wait3A_188 : memref<80xi32, #tpu.memory_space<hbm>>) dst(%arg8 : memref<80xi32, #tpu.memory_space<vmem>>)
        %dma_start3A_189 = arith.constant 0 : i32
        %dma_start3A_190 = arith.constant 0 : i32
        %dma_start3A_191 = tpu.memref_slice %arg2[%dma_start3A_189, %dma_start3A_190] : memref<10000x128xf32, #tpu.memory_space<hbm>> -> memref<10000x128xf32, #tpu.memory_space<hbm>>
        tpu.enqueue_indirect_dma source(%dma_start3A_191 : memref<10000x128xf32, #tpu.memory_space<hbm>>) target(%arg11 : memref<80x128xf32, #tpu.memory_space<vmem>>) offsets(%arg8 : memref<80xi32, #tpu.memory_space<vmem>>) semaphore(%arg19 : memref<!tpu.dma_semaphore, #tpu.memory_space<semaphore_mem>>)
      } else {
      }
      %lt3A_110 = arith.constant 125 : i32
      %lt3A_111 = arith.cmpi slt, %add3A_90, %lt3A_110 : i32
      %convert_element_type3A_112 = arith.extui %lt3A_111 : i1 to i32
      %cond3A_113 = arith.constant 0 : i32
      %cond3A_114 = arith.cmpi ne, %convert_element_type3A_112, %cond3A_113 : i32
      scf.if %cond3A_114 {
        %dma_wait3A_182 = arith.constant 0 : i32
        %dma_wait3A_183 = arith.constant 0 : i32
        %dma_wait3A_184 = tpu.memref_slice %arg2[%dma_wait3A_182, %dma_wait3A_183] : memref<10000x128xf32, #tpu.memory_space<hbm>> -> memref<10000x128xf32, #tpu.memory_space<hbm>>
        tpu.wait_indirect_dma semaphore(%arg18 : memref<!tpu.dma_semaphore, #tpu.memory_space<semaphore_mem>>) src(%dma_wait3A_184 : memref<10000x128xf32, #tpu.memory_space<hbm>>) dst(%arg10 : memref<80x128xf32, #tpu.memory_space<vmem>>)
        %dma_start3A_185 = arith.constant 0 : i32
        %dma_start3A_186 = tpu.memref_slice %arg6[%add3A_90, %dma_start3A_185] : memref<125x80xi32, #tpu.memory_space<vmem>> -> memref<1x80xi32, #tpu.memory_space<vmem>>
        %dma_start3A_187 = tpu.memref_squeeze %dma_start3A_186 : memref<1x80xi32, #tpu.memory_space<vmem>> -> memref<80xi32, #tpu.memory_space<vmem>>
        %dma_start3A_188 = arith.constant 0 : i32
        %dma_start3A_189 = arith.constant 0 : i32
        %dma_start3A_190 = tpu.memref_slice %arg13[%dma_start3A_188, %dma_start3A_189] : memref<10240x128xf32, #tpu.memory_space<vmem_shared>> -> memref<10240x128xf32, #tpu.memory_space<vmem_shared>>
        tpu.enqueue_indirect_dma source(%arg10 : memref<80x128xf32, #tpu.memory_space<vmem>>) target(%dma_start3A_190 : memref<10240x128xf32, #tpu.memory_space<vmem_shared>>) offsets(%dma_start3A_187 : memref<80xi32, #tpu.memory_space<vmem>>) semaphore(%arg21 : memref<!tpu.dma_semaphore, #tpu.memory_space<semaphore_mem>>) {add = true}
      } else {
      }
      %mul3A_115 = arith.constant 3 : i32
      %mul3A_116 = arith.muli %scan3A_85, %mul3A_115 : i32
      %add3A_117 = arith.constant 1 : i32
      %add3A_118 = arith.addi %mul3A_116, %add3A_117 : i32
      %add3A_119 = arith.constant 2 : i32
      %add3A_120 = arith.addi %add3A_118, %add3A_119 : i32
      %lt3A_121 = arith.constant 125 : i32
      %lt3A_122 = arith.cmpi slt, %add3A_120, %lt3A_121 : i32
      %ge3A_123 = arith.constant 1 : i32
      %ge3A_124 = arith.cmpi sge, %add3A_118, %ge3A_123 : i32
      %and3A_125 = arith.andi %lt3A_122, %ge3A_124 : i1
      %convert_element_type3A_126 = arith.extui %and3A_125 : i1 to i32
      %cond3A_127 = arith.constant 0 : i32
      %cond3A_128 = arith.cmpi ne, %convert_element_type3A_126, %cond3A_127 : i32
      scf.if %cond3A_128 {
        %sub3A = arith.constant 1 : i32
        %sub3A_182 = arith.subi %add3A_118, %sub3A : i32
        %dma_wait3A_183 = arith.constant 0 : i32
        %dma_wait3A_184 = tpu.memref_slice %arg6[%sub3A_182, %dma_wait3A_183] : memref<125x80xi32, #tpu.memory_space<vmem>> -> memref<1x80xi32, #tpu.memory_space<vmem>>
        %dma_wait3A_185 = tpu.memref_squeeze %dma_wait3A_184 : memref<1x80xi32, #tpu.memory_space<vmem>> -> memref<80xi32, #tpu.memory_space<vmem>>
        %dma_wait3A_186 = arith.constant 0 : i32
        %dma_wait3A_187 = arith.constant 0 : i32
        %dma_wait3A_188 = tpu.memref_slice %arg13[%dma_wait3A_186, %dma_wait3A_187] : memref<10240x128xf32, #tpu.memory_space<vmem_shared>> -> memref<10240x128xf32, #tpu.memory_space<vmem_shared>>
        tpu.wait_indirect_dma semaphore(%arg21 : memref<!tpu.dma_semaphore, #tpu.memory_space<semaphore_mem>>) src(%arg10 : memref<80x128xf32, #tpu.memory_space<vmem>>) dst(%dma_wait3A_188 : memref<10240x128xf32, #tpu.memory_space<vmem_shared>>)
      } else {
      }
      %add3A_129 = arith.constant 2 : i32
      %add3A_130 = arith.addi %add3A_118, %add3A_129 : i32
      %lt3A_131 = arith.constant 125 : i32
      %lt3A_132 = arith.cmpi slt, %add3A_130, %lt3A_131 : i32
      %convert_element_type3A_133 = arith.extui %lt3A_132 : i1 to i32
      %cond3A_134 = arith.constant 0 : i32
      %cond3A_135 = arith.cmpi ne, %convert_element_type3A_133, %cond3A_134 : i32
      scf.if %cond3A_135 {
        %add3A_182 = arith.constant 2 : i32
        %add3A_183 = arith.addi %add3A_118, %add3A_182 : i32
        %mul3A_184 = arith.constant 80 : i32
        %mul3A_185 = arith.muli %add3A_183, %mul3A_184 : i32
        %add3A_186 = arith.addi %mul3A_2, %mul3A_185 : i32
        %dma_start3A_187 = tpu.memref_slice %arg3[%add3A_186] : memref<320000xi32, #tpu.memory_space<hbm>> -> memref<80xi32, #tpu.memory_space<hbm>>
        %dma_start3A_188 = tpu.memref_slice %arg3[%add3A_186] : memref<320000xi32, #tpu.memory_space<hbm>> -> memref<80xi32, #tpu.memory_space<hbm>>
        tpu.enqueue_dma source(%dma_start3A_188 : memref<80xi32, #tpu.memory_space<hbm>>) target(%arg7 : memref<80xi32, #tpu.memory_space<vmem>>) target_semaphore(%arg15 : memref<!tpu.dma_semaphore, #tpu.memory_space<semaphore_mem>>)
      } else {
      }
      %add3A_136 = arith.constant 1 : i32
      %add3A_137 = arith.addi %add3A_118, %add3A_136 : i32
      %lt3A_138 = arith.constant 125 : i32
      %lt3A_139 = arith.cmpi slt, %add3A_137, %lt3A_138 : i32
      %convert_element_type3A_140 = arith.extui %lt3A_139 : i1 to i32
      %cond3A_141 = arith.constant 0 : i32
      %cond3A_142 = arith.cmpi ne, %convert_element_type3A_140, %cond3A_141 : i32
      scf.if %cond3A_142 {
        %add3A_182 = arith.constant 1 : i32
        %add3A_183 = arith.addi %add3A_118, %add3A_182 : i32
        %mul3A_184 = arith.constant 80 : i32
        %mul3A_185 = arith.muli %add3A_183, %mul3A_184 : i32
        %add3A_186 = arith.addi %mul3A_2, %mul3A_185 : i32
        %dma_wait3A_187 = tpu.memref_slice %arg3[%add3A_186] : memref<320000xi32, #tpu.memory_space<hbm>> -> memref<80xi32, #tpu.memory_space<hbm>>
        %dma_wait3A_188 = tpu.memref_slice %arg3[%add3A_186] : memref<320000xi32, #tpu.memory_space<hbm>> -> memref<80xi32, #tpu.memory_space<hbm>>
        tpu.wait_dma2 semaphore(%arg17 : memref<!tpu.dma_semaphore, #tpu.memory_space<semaphore_mem>>) src(%dma_wait3A_188 : memref<80xi32, #tpu.memory_space<hbm>>) dst(%arg9 : memref<80xi32, #tpu.memory_space<vmem>>)
        %dma_start3A_189 = arith.constant 0 : i32
        %dma_start3A_190 = arith.constant 0 : i32
        %dma_start3A_191 = tpu.memref_slice %arg2[%dma_start3A_189, %dma_start3A_190] : memref<10000x128xf32, #tpu.memory_space<hbm>> -> memref<10000x128xf32, #tpu.memory_space<hbm>>
        tpu.enqueue_indirect_dma source(%dma_start3A_191 : memref<10000x128xf32, #tpu.memory_space<hbm>>) target(%arg12 : memref<80x128xf32, #tpu.memory_space<vmem>>) offsets(%arg9 : memref<80xi32, #tpu.memory_space<vmem>>) semaphore(%arg20 : memref<!tpu.dma_semaphore, #tpu.memory_space<semaphore_mem>>)
      } else {
      }
      %lt3A_143 = arith.constant 125 : i32
      %lt3A_144 = arith.cmpi slt, %add3A_118, %lt3A_143 : i32
      %convert_element_type3A_145 = arith.extui %lt3A_144 : i1 to i32
      %cond3A_146 = arith.constant 0 : i32
      %cond3A_147 = arith.cmpi ne, %convert_element_type3A_145, %cond3A_146 : i32
      scf.if %cond3A_147 {
        %dma_wait3A_182 = arith.constant 0 : i32
        %dma_wait3A_183 = arith.constant 0 : i32
        %dma_wait3A_184 = tpu.memref_slice %arg2[%dma_wait3A_182, %dma_wait3A_183] : memref<10000x128xf32, #tpu.memory_space<hbm>> -> memref<10000x128xf32, #tpu.memory_space<hbm>>
        tpu.wait_indirect_dma semaphore(%arg19 : memref<!tpu.dma_semaphore, #tpu.memory_space<semaphore_mem>>) src(%dma_wait3A_184 : memref<10000x128xf32, #tpu.memory_space<hbm>>) dst(%arg11 : memref<80x128xf32, #tpu.memory_space<vmem>>)
        %dma_start3A_185 = arith.constant 0 : i32
        %dma_start3A_186 = tpu.memref_slice %arg6[%add3A_118, %dma_start3A_185] : memref<125x80xi32, #tpu.memory_space<vmem>> -> memref<1x80xi32, #tpu.memory_space<vmem>>
        %dma_start3A_187 = tpu.memref_squeeze %dma_start3A_186 : memref<1x80xi32, #tpu.memory_space<vmem>> -> memref<80xi32, #tpu.memory_space<vmem>>
        %dma_start3A_188 = arith.constant 0 : i32
        %dma_start3A_189 = arith.constant 0 : i32
        %dma_start3A_190 = tpu.memref_slice %arg13[%dma_start3A_188, %dma_start3A_189] : memref<10240x128xf32, #tpu.memory_space<vmem_shared>> -> memref<10240x128xf32, #tpu.memory_space<vmem_shared>>
        tpu.enqueue_indirect_dma source(%arg11 : memref<80x128xf32, #tpu.memory_space<vmem>>) target(%dma_start3A_190 : memref<10240x128xf32, #tpu.memory_space<vmem_shared>>) offsets(%dma_start3A_187 : memref<80xi32, #tpu.memory_space<vmem>>) semaphore(%arg22 : memref<!tpu.dma_semaphore, #tpu.memory_space<semaphore_mem>>) {add = true}
      } else {
      }
      %mul3A_148 = arith.constant 3 : i32
      %mul3A_149 = arith.muli %scan3A_85, %mul3A_148 : i32
      %add3A_150 = arith.constant 2 : i32
      %add3A_151 = arith.addi %mul3A_149, %add3A_150 : i32
      %add3A_152 = arith.constant 2 : i32
      %add3A_153 = arith.addi %add3A_151, %add3A_152 : i32
      %lt3A_154 = arith.constant 125 : i32
      %lt3A_155 = arith.cmpi slt, %add3A_153, %lt3A_154 : i32
      %ge3A_156 = arith.constant 1 : i32
      %ge3A_157 = arith.cmpi sge, %add3A_151, %ge3A_156 : i32
      %and3A_158 = arith.andi %lt3A_155, %ge3A_157 : i1
      %convert_element_type3A_159 = arith.extui %and3A_158 : i1 to i32
      %cond3A_160 = arith.constant 0 : i32
      %cond3A_161 = arith.cmpi ne, %convert_element_type3A_159, %cond3A_160 : i32
      scf.if %cond3A_161 {
        %sub3A = arith.constant 1 : i32
        %sub3A_182 = arith.subi %add3A_151, %sub3A : i32
        %dma_wait3A_183 = arith.constant 0 : i32
        %dma_wait3A_184 = tpu.memref_slice %arg6[%sub3A_182, %dma_wait3A_183] : memref<125x80xi32, #tpu.memory_space<vmem>> -> memref<1x80xi32, #tpu.memory_space<vmem>>
        %dma_wait3A_185 = tpu.memref_squeeze %dma_wait3A_184 : memref<1x80xi32, #tpu.memory_space<vmem>> -> memref<80xi32, #tpu.memory_space<vmem>>
        %dma_wait3A_186 = arith.constant 0 : i32
        %dma_wait3A_187 = arith.constant 0 : i32
        %dma_wait3A_188 = tpu.memref_slice %arg13[%dma_wait3A_186, %dma_wait3A_187] : memref<10240x128xf32, #tpu.memory_space<vmem_shared>> -> memref<10240x128xf32, #tpu.memory_space<vmem_shared>>
        tpu.wait_indirect_dma semaphore(%arg22 : memref<!tpu.dma_semaphore, #tpu.memory_space<semaphore_mem>>) src(%arg11 : memref<80x128xf32, #tpu.memory_space<vmem>>) dst(%dma_wait3A_188 : memref<10240x128xf32, #tpu.memory_space<vmem_shared>>)
      } else {
      }
      %add3A_162 = arith.constant 2 : i32
      %add3A_163 = arith.addi %add3A_151, %add3A_162 : i32
      %lt3A_164 = arith.constant 125 : i32
      %lt3A_165 = arith.cmpi slt, %add3A_163, %lt3A_164 : i32
      %convert_element_type3A_166 = arith.extui %lt3A_165 : i1 to i32
      %cond3A_167 = arith.constant 0 : i32
      %cond3A_168 = arith.cmpi ne, %convert_element_type3A_166, %cond3A_167 : i32
      scf.if %cond3A_168 {
        %add3A_182 = arith.constant 2 : i32
        %add3A_183 = arith.addi %add3A_151, %add3A_182 : i32
        %mul3A_184 = arith.constant 80 : i32
        %mul3A_185 = arith.muli %add3A_183, %mul3A_184 : i32
        %add3A_186 = arith.addi %mul3A_2, %mul3A_185 : i32
        %dma_start3A_187 = tpu.memref_slice %arg3[%add3A_186] : memref<320000xi32, #tpu.memory_space<hbm>> -> memref<80xi32, #tpu.memory_space<hbm>>
        %dma_start3A_188 = tpu.memref_slice %arg3[%add3A_186] : memref<320000xi32, #tpu.memory_space<hbm>> -> memref<80xi32, #tpu.memory_space<hbm>>
        tpu.enqueue_dma source(%dma_start3A_188 : memref<80xi32, #tpu.memory_space<hbm>>) target(%arg8 : memref<80xi32, #tpu.memory_space<vmem>>) target_semaphore(%arg16 : memref<!tpu.dma_semaphore, #tpu.memory_space<semaphore_mem>>)
      } else {
      }
      %add3A_169 = arith.constant 1 : i32
      %add3A_170 = arith.addi %add3A_151, %add3A_169 : i32
      %lt3A_171 = arith.constant 125 : i32
      %lt3A_172 = arith.cmpi slt, %add3A_170, %lt3A_171 : i32
      %convert_element_type3A_173 = arith.extui %lt3A_172 : i1 to i32
      %cond3A_174 = arith.constant 0 : i32
      %cond3A_175 = arith.cmpi ne, %convert_element_type3A_173, %cond3A_174 : i32
      scf.if %cond3A_175 {
        %add3A_182 = arith.constant 1 : i32
        %add3A_183 = arith.addi %add3A_151, %add3A_182 : i32
        %mul3A_184 = arith.constant 80 : i32
        %mul3A_185 = arith.muli %add3A_183, %mul3A_184 : i32
        %add3A_186 = arith.addi %mul3A_2, %mul3A_185 : i32
        %dma_wait3A_187 = tpu.memref_slice %arg3[%add3A_186] : memref<320000xi32, #tpu.memory_space<hbm>> -> memref<80xi32, #tpu.memory_space<hbm>>
        %dma_wait3A_188 = tpu.memref_slice %arg3[%add3A_186] : memref<320000xi32, #tpu.memory_space<hbm>> -> memref<80xi32, #tpu.memory_space<hbm>>
        tpu.wait_dma2 semaphore(%arg15 : memref<!tpu.dma_semaphore, #tpu.memory_space<semaphore_mem>>) src(%dma_wait3A_188 : memref<80xi32, #tpu.memory_space<hbm>>) dst(%arg7 : memref<80xi32, #tpu.memory_space<vmem>>)
        %dma_start3A_189 = arith.constant 0 : i32
        %dma_start3A_190 = arith.constant 0 : i32
        %dma_start3A_191 = tpu.memref_slice %arg2[%dma_start3A_189, %dma_start3A_190] : memref<10000x128xf32, #tpu.memory_space<hbm>> -> memref<10000x128xf32, #tpu.memory_space<hbm>>
        tpu.enqueue_indirect_dma source(%dma_start3A_191 : memref<10000x128xf32, #tpu.memory_space<hbm>>) target(%arg10 : memref<80x128xf32, #tpu.memory_space<vmem>>) offsets(%arg7 : memref<80xi32, #tpu.memory_space<vmem>>) semaphore(%arg18 : memref<!tpu.dma_semaphore, #tpu.memory_space<semaphore_mem>>)
      } else {
      }
      %lt3A_176 = arith.constant 125 : i32
      %lt3A_177 = arith.cmpi slt, %add3A_151, %lt3A_176 : i32
      %convert_element_type3A_178 = arith.extui %lt3A_177 : i1 to i32
      %cond3A_179 = arith.constant 0 : i32
      %cond3A_180 = arith.cmpi ne, %convert_element_type3A_178, %cond3A_179 : i32
      scf.if %cond3A_180 {
        %dma_wait3A_182 = arith.constant 0 : i32
        %dma_wait3A_183 = arith.constant 0 : i32
        %dma_wait3A_184 = tpu.memref_slice %arg2[%dma_wait3A_182, %dma_wait3A_183] : memref<10000x128xf32, #tpu.memory_space<hbm>> -> memref<10000x128xf32, #tpu.memory_space<hbm>>
        tpu.wait_indirect_dma semaphore(%arg20 : memref<!tpu.dma_semaphore, #tpu.memory_space<semaphore_mem>>) src(%dma_wait3A_184 : memref<10000x128xf32, #tpu.memory_space<hbm>>) dst(%arg12 : memref<80x128xf32, #tpu.memory_space<vmem>>)
        %dma_start3A_185 = arith.constant 0 : i32
        %dma_start3A_186 = tpu.memref_slice %arg6[%add3A_151, %dma_start3A_185] : memref<125x80xi32, #tpu.memory_space<vmem>> -> memref<1x80xi32, #tpu.memory_space<vmem>>
        %dma_start3A_187 = tpu.memref_squeeze %dma_start3A_186 : memref<1x80xi32, #tpu.memory_space<vmem>> -> memref<80xi32, #tpu.memory_space<vmem>>
        %dma_start3A_188 = arith.constant 0 : i32
        %dma_start3A_189 = arith.constant 0 : i32
        %dma_start3A_190 = tpu.memref_slice %arg13[%dma_start3A_188, %dma_start3A_189] : memref<10240x128xf32, #tpu.memory_space<vmem_shared>> -> memref<10240x128xf32, #tpu.memory_space<vmem_shared>>
        tpu.enqueue_indirect_dma source(%arg12 : memref<80x128xf32, #tpu.memory_space<vmem>>) target(%dma_start3A_190 : memref<10240x128xf32, #tpu.memory_space<vmem_shared>>) offsets(%dma_start3A_187 : memref<80xi32, #tpu.memory_space<vmem>>) semaphore(%arg23 : memref<!tpu.dma_semaphore, #tpu.memory_space<semaphore_mem>>) {add = true}
      } else {
      }
      %scan3A_181 = arith.constant 0 : i32
      scf.yield %scan3A_181 : i32
    }
    %scan3A_62 = arith.constant 42 : i32
    %dma_wait3A_63 = arith.constant 122 : i32
    %dma_wait3A_64 = arith.constant 0 : i32
    %dma_wait3A_65 = tpu.memref_slice %arg6[%dma_wait3A_63, %dma_wait3A_64] : memref<125x80xi32, #tpu.memory_space<vmem>> -> memref<1x80xi32, #tpu.memory_space<vmem>>
    %dma_wait3A_66 = tpu.memref_squeeze %dma_wait3A_65 : memref<1x80xi32, #tpu.memory_space<vmem>> -> memref<80xi32, #tpu.memory_space<vmem>>
    %dma_wait3A_67 = arith.constant 0 : i32
    %dma_wait3A_68 = arith.constant 0 : i32
    %dma_wait3A_69 = tpu.memref_slice %arg13[%dma_wait3A_67, %dma_wait3A_68] : memref<10240x128xf32, #tpu.memory_space<vmem_shared>> -> memref<10240x128xf32, #tpu.memory_space<vmem_shared>>
    tpu.wait_indirect_dma semaphore(%arg23 : memref<!tpu.dma_semaphore, #tpu.memory_space<semaphore_mem>>) src(%arg12 : memref<80x128xf32, #tpu.memory_space<vmem>>) dst(%dma_wait3A_69 : memref<10240x128xf32, #tpu.memory_space<vmem_shared>>)
    %dma_wait3A_70 = arith.constant 123 : i32
    %dma_wait3A_71 = arith.constant 0 : i32
    %dma_wait3A_72 = tpu.memref_slice %arg6[%dma_wait3A_70, %dma_wait3A_71] : memref<125x80xi32, #tpu.memory_space<vmem>> -> memref<1x80xi32, #tpu.memory_space<vmem>>
    %dma_wait3A_73 = tpu.memref_squeeze %dma_wait3A_72 : memref<1x80xi32, #tpu.memory_space<vmem>> -> memref<80xi32, #tpu.memory_space<vmem>>
    %dma_wait3A_74 = arith.constant 0 : i32
    %dma_wait3A_75 = arith.constant 0 : i32
    %dma_wait3A_76 = tpu.memref_slice %arg13[%dma_wait3A_74, %dma_wait3A_75] : memref<10240x128xf32, #tpu.memory_space<vmem_shared>> -> memref<10240x128xf32, #tpu.memory_space<vmem_shared>>
    tpu.wait_indirect_dma semaphore(%arg21 : memref<!tpu.dma_semaphore, #tpu.memory_space<semaphore_mem>>) src(%arg10 : memref<80x128xf32, #tpu.memory_space<vmem>>) dst(%dma_wait3A_76 : memref<10240x128xf32, #tpu.memory_space<vmem_shared>>)
    %dma_wait3A_77 = arith.constant 124 : i32
    %dma_wait3A_78 = arith.constant 0 : i32
    %dma_wait3A_79 = tpu.memref_slice %arg6[%dma_wait3A_77, %dma_wait3A_78] : memref<125x80xi32, #tpu.memory_space<vmem>> -> memref<1x80xi32, #tpu.memory_space<vmem>>
    %dma_wait3A_80 = tpu.memref_squeeze %dma_wait3A_79 : memref<1x80xi32, #tpu.memory_space<vmem>> -> memref<80xi32, #tpu.memory_space<vmem>>
    %dma_wait3A_81 = arith.constant 0 : i32
    %dma_wait3A_82 = arith.constant 0 : i32
    %dma_wait3A_83 = tpu.memref_slice %arg13[%dma_wait3A_81, %dma_wait3A_82] : memref<10240x128xf32, #tpu.memory_space<vmem_shared>> -> memref<10240x128xf32, #tpu.memory_space<vmem_shared>>
    tpu.wait_indirect_dma semaphore(%arg22 : memref<!tpu.dma_semaphore, #tpu.memory_space<semaphore_mem>>) src(%arg11 : memref<80x128xf32, #tpu.memory_space<vmem>>) dst(%dma_wait3A_83 : memref<10240x128xf32, #tpu.memory_space<vmem_shared>>)
    %barrier3A_84 = arith.constant 0 : index
    tpu.barrier barrier_id(%barrier3A_84)
    "tpu.region"() ({
      %run_scoped3A = tpu.sem_alloc : memref<!tpu.dma_semaphore, #tpu.memory_space<semaphore_mem>>
      %dma_start3A_85 = arith.constant 0 : i32
      %dma_start3A_86 = tpu.memref_slice %arg5[%arg0, %mul3A_17, %dma_start3A_85] : memref<2x10240x128xf32, #tpu.memory_space<hbm>> -> memref<1x640x128xf32, #tpu.memory_space<hbm>>
      %dma_start3A_87 = tpu.memref_squeeze %dma_start3A_86 : memref<1x640x128xf32, #tpu.memory_space<hbm>> -> memref<640x128xf32, #tpu.memory_space<hbm>>
      %dma_start3A_88 = arith.constant 0 : i32
      %dma_start3A_89 = tpu.memref_slice %arg13[%mul3A_17, %dma_start3A_88] : memref<10240x128xf32, #tpu.memory_space<vmem_shared>> -> memref<640x128xf32, #tpu.memory_space<vmem_shared>>
      tpu.enqueue_dma source(%dma_start3A_89 : memref<640x128xf32, #tpu.memory_space<vmem_shared>>) target(%dma_start3A_87 : memref<640x128xf32, #tpu.memory_space<hbm>>) target_semaphore(%run_scoped3A : memref<!tpu.dma_semaphore, #tpu.memory_space<semaphore_mem>>)
      %dma_wait3A_90 = arith.constant 0 : i32
      %dma_wait3A_91 = tpu.memref_slice %arg5[%arg0, %mul3A_17, %dma_wait3A_90] : memref<2x10240x128xf32, #tpu.memory_space<hbm>> -> memref<1x640x128xf32, #tpu.memory_space<hbm>>
      %dma_wait3A_92 = tpu.memref_squeeze %dma_wait3A_91 : memref<1x640x128xf32, #tpu.memory_space<hbm>> -> memref<640x128xf32, #tpu.memory_space<hbm>>
      %dma_wait3A_93 = arith.constant 0 : i32
      %dma_wait3A_94 = tpu.memref_slice %arg13[%mul3A_17, %dma_wait3A_93] : memref<10240x128xf32, #tpu.memory_space<vmem_shared>> -> memref<640x128xf32, #tpu.memory_space<vmem_shared>>
      tpu.wait_dma2 semaphore(%run_scoped3A : memref<!tpu.dma_semaphore, #tpu.memory_space<semaphore_mem>>) src(%dma_wait3A_94 : memref<640x128xf32, #tpu.memory_space<vmem_shared>>) dst(%dma_wait3A_92 : memref<640x128xf32, #tpu.memory_space<hbm>>)
      tpu.yield
    }) : () -> ()
    return
  }
}

#map = affine_map<(d0, d1) -> (0, 0)>
#map1 = affine_map<(d0, d1) -> (0)>
#map2 = affine_map<(d0, d1) -> (0, 0, 0)>
module attributes {stable_mosaic.version = 14 : i64} {
  func.func @_sc_agg_body(%arg0: i32, %arg1: i32, %arg2: memref<10000x128xf32, #tpu.memory_space<hbm>>, %arg3: memref<320000xi32, #tpu.memory_space<hbm>>, %arg4: memref<32x125x80xi32, #tpu.memory_space<hbm>>, %arg5: memref<2x10240x128xf32, #tpu.memory_space<hbm>>, %arg6: memref<125x80xi32, #tpu.memory_space<vmem>>, %arg7: memref<80xi32, #tpu.memory_space<vmem>>, %arg8: memref<80xi32, #tpu.memory_space<vmem>>, %arg9: memref<80xi32, #tpu.memory_space<vmem>>, %arg10: memref<80x128xf32, #tpu.memory_space<vmem>>, %arg11: memref<80x128xf32, #tpu.memory_space<vmem>>, %arg12: memref<80x128xf32, #tpu.memory_space<vmem>>, %arg13: memref<10240x128xf32, #tpu.memory_space<vmem_shared>>, %arg14: memref<!tpu.dma_semaphore, #tpu.memory_space<semaphore_mem>>, %arg15: memref<!tpu.dma_semaphore, #tpu.memory_space<semaphore_mem>>, %arg16: memref<!tpu.dma_semaphore, #tpu.memory_space<semaphore_mem>>, %arg17: memref<!tpu.dma_semaphore, #tpu.memory_space<semaphore_mem>>, %arg18: memref<!tpu.dma_semaphore, #tpu.memory_space<semaphore_mem>>, %arg19: memref<!tpu.dma_semaphore, #tpu.memory_space<semaphore_mem>>, %arg20: memref<!tpu.dma_semaphore, #tpu.memory_space<semaphore_mem>>, %arg21: memref<!tpu.dma_semaphore, #tpu.memory_space<semaphore_mem>>, %arg22: memref<!tpu.dma_semaphore, #tpu.memory_space<semaphore_mem>>, %arg23: memref<!tpu.dma_semaphore, #tpu.memory_space<semaphore_mem>>) attributes {dimension_semantics = [#tpu.dimension_semantics<core_parallel>, #tpu.dimension_semantics<subcore_parallel>], iteration_bounds = array<i64: 2, 16>, scalar_prefetch = 0 : i64, scratch_operands = 18 : i64, tpu.core_type = #tpu.core_type<sc_vector_subcore>, window_params = [{transform_indices = #map}, {transform_indices = #map1}, {transform_indices = #map2}, {transform_indices = #map2}]} {
    %mul3A = arith.constant 2 : i32
    %mul3A_0 = arith.muli %arg1, %mul3A : i32
    %add3A = arith.addi %mul3A_0, %arg0 : i32
    %mul3A_1 = arith.constant 10000 : i32
    %mul3A_2 = arith.muli %add3A, %mul3A_1 : i32
    %dma_start3A = arith.constant 0 : i32
    %dma_start3A_3 = arith.constant 0 : i32
    %dma_start3A_4 = tpu.memref_slice %arg4[%add3A, %dma_start3A, %dma_start3A_3] : memref<32x125x80xi32, #tpu.memory_space<hbm>> -> memref<1x125x80xi32, #tpu.memory_space<hbm>>
    %dma_start3A_5 = tpu.memref_squeeze %dma_start3A_4 : memref<1x125x80xi32, #tpu.memory_space<hbm>> -> memref<125x80xi32, #tpu.memory_space<hbm>>
    %dma_start3A_6 = arith.constant 0 : i32
    %dma_start3A_7 = arith.constant 0 : i32
    %dma_start3A_8 = tpu.memref_slice %arg4[%add3A, %dma_start3A_6, %dma_start3A_7] : memref<32x125x80xi32, #tpu.memory_space<hbm>> -> memref<1x125x80xi32, #tpu.memory_space<hbm>>
    %dma_start3A_9 = tpu.memref_squeeze %dma_start3A_8 : memref<1x125x80xi32, #tpu.memory_space<hbm>> -> memref<125x80xi32, #tpu.memory_space<hbm>>
    tpu.enqueue_dma source(%dma_start3A_9 : memref<125x80xi32, #tpu.memory_space<hbm>>) target(%arg6 : memref<125x80xi32, #tpu.memory_space<vmem>>) target_semaphore(%arg14 : memref<!tpu.dma_semaphore, #tpu.memory_space<semaphore_mem>>)
    %scan3A = arith.constant 0 : i32
    %scan3A_10 = arith.constant 0 : i32
    %scan3A_11 = arith.constant 640 : i32
    %scan3A_12 = arith.addi %scan3A_10, %scan3A_11 : i32
    %scan3A_13 = arith.constant 1 : i32
    %scan3A_14 = scf.for %scan3A_85 = %scan3A_10 to %scan3A_12 step %scan3A_13 iter_args(%scan3A_86 = %scan3A) -> (i32)  : i32 {
      %broadcast_in_dim3A = arith.constant 0.000000e+00 : f32
      %broadcast_in_dim3A_87 = vector.broadcast %broadcast_in_dim3A : f32 to vector<16xf32>
      %jit3A = arith.constant 8 : i32
      %div3A = arith.divsi %scan3A_85, %jit3A : i32
      %sign3A = arith.constant 0 : i32
      %sign3A_88 = arith.cmpi sgt, %scan3A_85, %sign3A : i32
      %sign3A_89 = arith.extui %sign3A_88 : i1 to i32
      %sign3A_90 = arith.constant 0 : i32
      %sign3A_91 = arith.cmpi slt, %scan3A_85, %sign3A_90 : i32
      %sign3A_92 = arith.extui %sign3A_91 : i1 to i32
      %sign3A_93 = arith.subi %sign3A_89, %sign3A_92 : i32
      %sign3A_94 = arith.constant 0 : i32
      %sign3A_95 = arith.cmpi sgt, %jit3A, %sign3A_94 : i32
      %sign3A_96 = arith.extui %sign3A_95 : i1 to i32
      %sign3A_97 = arith.constant 0 : i32
      %sign3A_98 = arith.cmpi slt, %jit3A, %sign3A_97 : i32
      %sign3A_99 = arith.extui %sign3A_98 : i1 to i32
      %sign3A_100 = arith.subi %sign3A_96, %sign3A_99 : i32
      %ne3A = arith.cmpi ne, %sign3A_93, %sign3A_100 : i32
      %rem3A = arith.remsi %scan3A_85, %jit3A : i32
      %ne3A_101 = arith.constant 0 : i32
      %ne3A_102 = arith.cmpi ne, %rem3A, %ne3A_101 : i32
      %and3A = arith.andi %ne3A, %ne3A_102 : i1
      %sub3A = arith.constant 1 : i32
      %sub3A_103 = arith.subi %div3A, %sub3A : i32
      %select_n3A = arith.select %and3A, %sub3A_103, %div3A : i32
      %jit3A_104 = arith.constant 8 : i32
      %eq3A = arith.constant 0 : i32
      %eq3A_105 = arith.cmpi eq, %jit3A_104, %eq3A : i32
      %jit3A_106 = arith.constant 1 : i32
      %select_n3A_107 = arith.select %eq3A_105, %jit3A_106, %jit3A_104 : i32
      %rem3A_108 = arith.remsi %scan3A_85, %select_n3A_107 : i32
      %ne3A_109 = arith.constant 0 : i32
      %ne3A_110 = arith.cmpi ne, %rem3A_108, %ne3A_109 : i32
      %lt3A = arith.constant 0 : i32
      %lt3A_111 = arith.cmpi slt, %rem3A_108, %lt3A : i32
      %lt3A_112 = arith.constant 0 : i32
      %lt3A_113 = arith.cmpi slt, %select_n3A_107, %lt3A_112 : i32
      %ne3A_114 = arith.xori %lt3A_111, %lt3A_113 : i1
      %and3A_115 = arith.andi %ne3A_114, %ne3A_110 : i1
      %add3A_116 = arith.addi %rem3A_108, %select_n3A_107 : i32
      %select_n3A_117 = arith.select %and3A_115, %add3A_116, %rem3A_108 : i32
      %mul3A_118 = arith.constant 16 : i32
      %mul3A_119 = arith.muli %select_n3A_117, %mul3A_118 : i32
      %swap3A = arith.index_cast %select_n3A : i32 to index
      %swap3A_120 = arith.index_cast %mul3A_119 : i32 to index
      %swap3A_121 = tpu.vector_load %arg10[%swap3A, %swap3A_120] {strides = array<i32>} : memref<80x128xf32, #tpu.memory_space<vmem>>, vector<1x16xf32>,
      %swap3A_122 = vector.shape_cast %swap3A_121 : vector<1x16xf32> to vector<16xf32>
      %swap3A_123 = vector.shape_cast %broadcast_in_dim3A_87 : vector<16xf32> to vector<1x16xf32>
      tpu.vector_store %arg10[%swap3A, %swap3A_120], %swap3A_123 {strides = array<i32>} : memref<80x128xf32, #tpu.memory_space<vmem>>, vector<1x16xf32>,
      %scan3A_124 = arith.constant 0 : i32
      scf.yield %scan3A_124 : i32
    }
    %scan3A_15 = arith.constant 640 : i32
    %mul3A_16 = arith.constant 640 : i32
    %mul3A_17 = arith.muli %arg1, %mul3A_16 : i32
    %add3A_18 = arith.constant 0 : i32
    %add3A_19 = arith.addi %mul3A_17, %add3A_18 : i32
    "tpu.region"() ({
      %run_scoped3A = tpu.sem_alloc : memref<!tpu.dma_semaphore, #tpu.memory_space<semaphore_mem>>
      %dma_start3A_85 = arith.constant 0 : i32
      %dma_start3A_86 = tpu.memref_slice %arg13[%add3A_19, %dma_start3A_85] : memref<10240x128xf32, #tpu.memory_space<vmem_shared>> -> memref<80x128xf32, #tpu.memory_space<vmem_shared>>
      %dma_start3A_87 = arith.constant 0 : i32
      %dma_start3A_88 = tpu.memref_slice %arg13[%add3A_19, %dma_start3A_87] : memref<10240x128xf32, #tpu.memory_space<vmem_shared>> -> memref<80x128xf32, #tpu.memory_space<vmem_shared>>
      tpu.enqueue_dma source(%arg10 : memref<80x128xf32, #tpu.memory_space<vmem>>) target(%dma_start3A_88 : memref<80x128xf32, #tpu.memory_space<vmem_shared>>) target_semaphore(%run_scoped3A : memref<!tpu.dma_semaphore, #tpu.memory_space<semaphore_mem>>)
      %dma_wait3A_89 = arith.constant 0 : i32
      %dma_wait3A_90 = tpu.memref_slice %arg13[%add3A_19, %dma_wait3A_89] : memref<10240x128xf32, #tpu.memory_space<vmem_shared>> -> memref<80x128xf32, #tpu.memory_space<vmem_shared>>
      %dma_wait3A_91 = arith.constant 0 : i32
      %dma_wait3A_92 = tpu.memref_slice %arg13[%add3A_19, %dma_wait3A_91] : memref<10240x128xf32, #tpu.memory_space<vmem_shared>> -> memref<80x128xf32, #tpu.memory_space<vmem_shared>>
      tpu.wait_dma2 semaphore(%run_scoped3A : memref<!tpu.dma_semaphore, #tpu.memory_space<semaphore_mem>>) src(%arg10 : memref<80x128xf32, #tpu.memory_space<vmem>>) dst(%dma_wait3A_92 : memref<80x128xf32, #tpu.memory_space<vmem_shared>>)
      tpu.yield
    }) : () -> ()
    %add3A_20 = arith.constant 80 : i32
    %add3A_21 = arith.addi %mul3A_17, %add3A_20 : i32
    "tpu.region"() ({
      %run_scoped3A = tpu.sem_alloc : memref<!tpu.dma_semaphore, #tpu.memory_space<semaphore_mem>>
      %dma_start3A_85 = arith.constant 0 : i32
      %dma_start3A_86 = tpu.memref_slice %arg13[%add3A_21, %dma_start3A_85] : memref<10240x128xf32, #tpu.memory_space<vmem_shared>> -> memref<80x128xf32, #tpu.memory_space<vmem_shared>>
      %dma_start3A_87 = arith.constant 0 : i32
      %dma_start3A_88 = tpu.memref_slice %arg13[%add3A_21, %dma_start3A_87] : memref<10240x128xf32, #tpu.memory_space<vmem_shared>> -> memref<80x128xf32, #tpu.memory_space<vmem_shared>>
      tpu.enqueue_dma source(%arg10 : memref<80x128xf32, #tpu.memory_space<vmem>>) target(%dma_start3A_88 : memref<80x128xf32, #tpu.memory_space<vmem_shared>>) target_semaphore(%run_scoped3A : memref<!tpu.dma_semaphore, #tpu.memory_space<semaphore_mem>>)
      %dma_wait3A_89 = arith.constant 0 : i32
      %dma_wait3A_90 = tpu.memref_slice %arg13[%add3A_21, %dma_wait3A_89] : memref<10240x128xf32, #tpu.memory_space<vmem_shared>> -> memref<80x128xf32, #tpu.memory_space<vmem_shared>>
      %dma_wait3A_91 = arith.constant 0 : i32
      %dma_wait3A_92 = tpu.memref_slice %arg13[%add3A_21, %dma_wait3A_91] : memref<10240x128xf32, #tpu.memory_space<vmem_shared>> -> memref<80x128xf32, #tpu.memory_space<vmem_shared>>
      tpu.wait_dma2 semaphore(%run_scoped3A : memref<!tpu.dma_semaphore, #tpu.memory_space<semaphore_mem>>) src(%arg10 : memref<80x128xf32, #tpu.memory_space<vmem>>) dst(%dma_wait3A_92 : memref<80x128xf32, #tpu.memory_space<vmem_shared>>)
      tpu.yield
    }) : () -> ()
    %add3A_22 = arith.constant 160 : i32
    %add3A_23 = arith.addi %mul3A_17, %add3A_22 : i32
    "tpu.region"() ({
      %run_scoped3A = tpu.sem_alloc : memref<!tpu.dma_semaphore, #tpu.memory_space<semaphore_mem>>
      %dma_start3A_85 = arith.constant 0 : i32
      %dma_start3A_86 = tpu.memref_slice %arg13[%add3A_23, %dma_start3A_85] : memref<10240x128xf32, #tpu.memory_space<vmem_shared>> -> memref<80x128xf32, #tpu.memory_space<vmem_shared>>
      %dma_start3A_87 = arith.constant 0 : i32
      %dma_start3A_88 = tpu.memref_slice %arg13[%add3A_23, %dma_start3A_87] : memref<10240x128xf32, #tpu.memory_space<vmem_shared>> -> memref<80x128xf32, #tpu.memory_space<vmem_shared>>
      tpu.enqueue_dma source(%arg10 : memref<80x128xf32, #tpu.memory_space<vmem>>) target(%dma_start3A_88 : memref<80x128xf32, #tpu.memory_space<vmem_shared>>) target_semaphore(%run_scoped3A : memref<!tpu.dma_semaphore, #tpu.memory_space<semaphore_mem>>)
      %dma_wait3A_89 = arith.constant 0 : i32
      %dma_wait3A_90 = tpu.memref_slice %arg13[%add3A_23, %dma_wait3A_89] : memref<10240x128xf32, #tpu.memory_space<vmem_shared>> -> memref<80x128xf32, #tpu.memory_space<vmem_shared>>
      %dma_wait3A_91 = arith.constant 0 : i32
      %dma_wait3A_92 = tpu.memref_slice %arg13[%add3A_23, %dma_wait3A_91] : memref<10240x128xf32, #tpu.memory_space<vmem_shared>> -> memref<80x128xf32, #tpu.memory_space<vmem_shared>>
      tpu.wait_dma2 semaphore(%run_scoped3A : memref<!tpu.dma_semaphore, #tpu.memory_space<semaphore_mem>>) src(%arg10 : memref<80x128xf32, #tpu.memory_space<vmem>>) dst(%dma_wait3A_92 : memref<80x128xf32, #tpu.memory_space<vmem_shared>>)
      tpu.yield
    }) : () -> ()
    %add3A_24 = arith.constant 240 : i32
    %add3A_25 = arith.addi %mul3A_17, %add3A_24 : i32
    "tpu.region"() ({
      %run_scoped3A = tpu.sem_alloc : memref<!tpu.dma_semaphore, #tpu.memory_space<semaphore_mem>>
      %dma_start3A_85 = arith.constant 0 : i32
      %dma_start3A_86 = tpu.memref_slice %arg13[%add3A_25, %dma_start3A_85] : memref<10240x128xf32, #tpu.memory_space<vmem_shared>> -> memref<80x128xf32, #tpu.memory_space<vmem_shared>>
      %dma_start3A_87 = arith.constant 0 : i32
      %dma_start3A_88 = tpu.memref_slice %arg13[%add3A_25, %dma_start3A_87] : memref<10240x128xf32, #tpu.memory_space<vmem_shared>> -> memref<80x128xf32, #tpu.memory_space<vmem_shared>>
      tpu.enqueue_dma source(%arg10 : memref<80x128xf32, #tpu.memory_space<vmem>>) target(%dma_start3A_88 : memref<80x128xf32, #tpu.memory_space<vmem_shared>>) target_semaphore(%run_scoped3A : memref<!tpu.dma_semaphore, #tpu.memory_space<semaphore_mem>>)
      %dma_wait3A_89 = arith.constant 0 : i32
      %dma_wait3A_90 = tpu.memref_slice %arg13[%add3A_25, %dma_wait3A_89] : memref<10240x128xf32, #tpu.memory_space<vmem_shared>> -> memref<80x128xf32, #tpu.memory_space<vmem_shared>>
      %dma_wait3A_91 = arith.constant 0 : i32
      %dma_wait3A_92 = tpu.memref_slice %arg13[%add3A_25, %dma_wait3A_91] : memref<10240x128xf32, #tpu.memory_space<vmem_shared>> -> memref<80x128xf32, #tpu.memory_space<vmem_shared>>
      tpu.wait_dma2 semaphore(%run_scoped3A : memref<!tpu.dma_semaphore, #tpu.memory_space<semaphore_mem>>) src(%arg10 : memref<80x128xf32, #tpu.memory_space<vmem>>) dst(%dma_wait3A_92 : memref<80x128xf32, #tpu.memory_space<vmem_shared>>)
      tpu.yield
    }) : () -> ()
    %add3A_26 = arith.constant 320 : i32
    %add3A_27 = arith.addi %mul3A_17, %add3A_26 : i32
    "tpu.region"() ({
      %run_scoped3A = tpu.sem_alloc : memref<!tpu.dma_semaphore, #tpu.memory_space<semaphore_mem>>
      %dma_start3A_85 = arith.constant 0 : i32
      %dma_start3A_86 = tpu.memref_slice %arg13[%add3A_27, %dma_start3A_85] : memref<10240x128xf32, #tpu.memory_space<vmem_shared>> -> memref<80x128xf32, #tpu.memory_space<vmem_shared>>
      %dma_start3A_87 = arith.constant 0 : i32
      %dma_start3A_88 = tpu.memref_slice %arg13[%add3A_27, %dma_start3A_87] : memref<10240x128xf32, #tpu.memory_space<vmem_shared>> -> memref<80x128xf32, #tpu.memory_space<vmem_shared>>
      tpu.enqueue_dma source(%arg10 : memref<80x128xf32, #tpu.memory_space<vmem>>) target(%dma_start3A_88 : memref<80x128xf32, #tpu.memory_space<vmem_shared>>) target_semaphore(%run_scoped3A : memref<!tpu.dma_semaphore, #tpu.memory_space<semaphore_mem>>)
      %dma_wait3A_89 = arith.constant 0 : i32
      %dma_wait3A_90 = tpu.memref_slice %arg13[%add3A_27, %dma_wait3A_89] : memref<10240x128xf32, #tpu.memory_space<vmem_shared>> -> memref<80x128xf32, #tpu.memory_space<vmem_shared>>
      %dma_wait3A_91 = arith.constant 0 : i32
      %dma_wait3A_92 = tpu.memref_slice %arg13[%add3A_27, %dma_wait3A_91] : memref<10240x128xf32, #tpu.memory_space<vmem_shared>> -> memref<80x128xf32, #tpu.memory_space<vmem_shared>>
      tpu.wait_dma2 semaphore(%run_scoped3A : memref<!tpu.dma_semaphore, #tpu.memory_space<semaphore_mem>>) src(%arg10 : memref<80x128xf32, #tpu.memory_space<vmem>>) dst(%dma_wait3A_92 : memref<80x128xf32, #tpu.memory_space<vmem_shared>>)
      tpu.yield
    }) : () -> ()
    %add3A_28 = arith.constant 400 : i32
    %add3A_29 = arith.addi %mul3A_17, %add3A_28 : i32
    "tpu.region"() ({
      %run_scoped3A = tpu.sem_alloc : memref<!tpu.dma_semaphore, #tpu.memory_space<semaphore_mem>>
      %dma_start3A_85 = arith.constant 0 : i32
      %dma_start3A_86 = tpu.memref_slice %arg13[%add3A_29, %dma_start3A_85] : memref<10240x128xf32, #tpu.memory_space<vmem_shared>> -> memref<80x128xf32, #tpu.memory_space<vmem_shared>>
      %dma_start3A_87 = arith.constant 0 : i32
      %dma_start3A_88 = tpu.memref_slice %arg13[%add3A_29, %dma_start3A_87] : memref<10240x128xf32, #tpu.memory_space<vmem_shared>> -> memref<80x128xf32, #tpu.memory_space<vmem_shared>>
      tpu.enqueue_dma source(%arg10 : memref<80x128xf32, #tpu.memory_space<vmem>>) target(%dma_start3A_88 : memref<80x128xf32, #tpu.memory_space<vmem_shared>>) target_semaphore(%run_scoped3A : memref<!tpu.dma_semaphore, #tpu.memory_space<semaphore_mem>>)
      %dma_wait3A_89 = arith.constant 0 : i32
      %dma_wait3A_90 = tpu.memref_slice %arg13[%add3A_29, %dma_wait3A_89] : memref<10240x128xf32, #tpu.memory_space<vmem_shared>> -> memref<80x128xf32, #tpu.memory_space<vmem_shared>>
      %dma_wait3A_91 = arith.constant 0 : i32
      %dma_wait3A_92 = tpu.memref_slice %arg13[%add3A_29, %dma_wait3A_91] : memref<10240x128xf32, #tpu.memory_space<vmem_shared>> -> memref<80x128xf32, #tpu.memory_space<vmem_shared>>
      tpu.wait_dma2 semaphore(%run_scoped3A : memref<!tpu.dma_semaphore, #tpu.memory_space<semaphore_mem>>) src(%arg10 : memref<80x128xf32, #tpu.memory_space<vmem>>) dst(%dma_wait3A_92 : memref<80x128xf32, #tpu.memory_space<vmem_shared>>)
      tpu.yield
    }) : () -> ()
    %add3A_30 = arith.constant 480 : i32
    %add3A_31 = arith.addi %mul3A_17, %add3A_30 : i32
    "tpu.region"() ({
      %run_scoped3A = tpu.sem_alloc : memref<!tpu.dma_semaphore, #tpu.memory_space<semaphore_mem>>
      %dma_start3A_85 = arith.constant 0 : i32
      %dma_start3A_86 = tpu.memref_slice %arg13[%add3A_31, %dma_start3A_85] : memref<10240x128xf32, #tpu.memory_space<vmem_shared>> -> memref<80x128xf32, #tpu.memory_space<vmem_shared>>
      %dma_start3A_87 = arith.constant 0 : i32
      %dma_start3A_88 = tpu.memref_slice %arg13[%add3A_31, %dma_start3A_87] : memref<10240x128xf32, #tpu.memory_space<vmem_shared>> -> memref<80x128xf32, #tpu.memory_space<vmem_shared>>
      tpu.enqueue_dma source(%arg10 : memref<80x128xf32, #tpu.memory_space<vmem>>) target(%dma_start3A_88 : memref<80x128xf32, #tpu.memory_space<vmem_shared>>) target_semaphore(%run_scoped3A : memref<!tpu.dma_semaphore, #tpu.memory_space<semaphore_mem>>)
      %dma_wait3A_89 = arith.constant 0 : i32
      %dma_wait3A_90 = tpu.memref_slice %arg13[%add3A_31, %dma_wait3A_89] : memref<10240x128xf32, #tpu.memory_space<vmem_shared>> -> memref<80x128xf32, #tpu.memory_space<vmem_shared>>
      %dma_wait3A_91 = arith.constant 0 : i32
      %dma_wait3A_92 = tpu.memref_slice %arg13[%add3A_31, %dma_wait3A_91] : memref<10240x128xf32, #tpu.memory_space<vmem_shared>> -> memref<80x128xf32, #tpu.memory_space<vmem_shared>>
      tpu.wait_dma2 semaphore(%run_scoped3A : memref<!tpu.dma_semaphore, #tpu.memory_space<semaphore_mem>>) src(%arg10 : memref<80x128xf32, #tpu.memory_space<vmem>>) dst(%dma_wait3A_92 : memref<80x128xf32, #tpu.memory_space<vmem_shared>>)
      tpu.yield
    }) : () -> ()
    %add3A_32 = arith.constant 560 : i32
    %add3A_33 = arith.addi %mul3A_17, %add3A_32 : i32
    "tpu.region"() ({
      %run_scoped3A = tpu.sem_alloc : memref<!tpu.dma_semaphore, #tpu.memory_space<semaphore_mem>>
      %dma_start3A_85 = arith.constant 0 : i32
      %dma_start3A_86 = tpu.memref_slice %arg13[%add3A_33, %dma_start3A_85] : memref<10240x128xf32, #tpu.memory_space<vmem_shared>> -> memref<80x128xf32, #tpu.memory_space<vmem_shared>>
      %dma_start3A_87 = arith.constant 0 : i32
      %dma_start3A_88 = tpu.memref_slice %arg13[%add3A_33, %dma_start3A_87] : memref<10240x128xf32, #tpu.memory_space<vmem_shared>> -> memref<80x128xf32, #tpu.memory_space<vmem_shared>>
      tpu.enqueue_dma source(%arg10 : memref<80x128xf32, #tpu.memory_space<vmem>>) target(%dma_start3A_88 : memref<80x128xf32, #tpu.memory_space<vmem_shared>>) target_semaphore(%run_scoped3A : memref<!tpu.dma_semaphore, #tpu.memory_space<semaphore_mem>>)
      %dma_wait3A_89 = arith.constant 0 : i32
      %dma_wait3A_90 = tpu.memref_slice %arg13[%add3A_33, %dma_wait3A_89] : memref<10240x128xf32, #tpu.memory_space<vmem_shared>> -> memref<80x128xf32, #tpu.memory_space<vmem_shared>>
      %dma_wait3A_91 = arith.constant 0 : i32
      %dma_wait3A_92 = tpu.memref_slice %arg13[%add3A_33, %dma_wait3A_91] : memref<10240x128xf32, #tpu.memory_space<vmem_shared>> -> memref<80x128xf32, #tpu.memory_space<vmem_shared>>
      tpu.wait_dma2 semaphore(%run_scoped3A : memref<!tpu.dma_semaphore, #tpu.memory_space<semaphore_mem>>) src(%arg10 : memref<80x128xf32, #tpu.memory_space<vmem>>) dst(%dma_wait3A_92 : memref<80x128xf32, #tpu.memory_space<vmem_shared>>)
      tpu.yield
    }) : () -> ()
    %dma_wait3A = arith.constant 0 : i32
    %dma_wait3A_34 = arith.constant 0 : i32
    %dma_wait3A_35 = tpu.memref_slice %arg4[%add3A, %dma_wait3A, %dma_wait3A_34] : memref<32x125x80xi32, #tpu.memory_space<hbm>> -> memref<1x125x80xi32, #tpu.memory_space<hbm>>
    %dma_wait3A_36 = tpu.memref_squeeze %dma_wait3A_35 : memref<1x125x80xi32, #tpu.memory_space<hbm>> -> memref<125x80xi32, #tpu.memory_space<hbm>>
    %dma_wait3A_37 = arith.constant 0 : i32
    %dma_wait3A_38 = arith.constant 0 : i32
    %dma_wait3A_39 = tpu.memref_slice %arg4[%add3A, %dma_wait3A_37, %dma_wait3A_38] : memref<32x125x80xi32, #tpu.memory_space<hbm>> -> memref<1x125x80xi32, #tpu.memory_space<hbm>>
    %dma_wait3A_40 = tpu.memref_squeeze %dma_wait3A_39 : memref<1x125x80xi32, #tpu.memory_space<hbm>> -> memref<125x80xi32, #tpu.memory_space<hbm>>
    tpu.wait_dma2 semaphore(%arg14 : memref<!tpu.dma_semaphore, #tpu.memory_space<semaphore_mem>>) src(%dma_wait3A_40 : memref<125x80xi32, #tpu.memory_space<hbm>>) dst(%arg6 : memref<125x80xi32, #tpu.memory_space<vmem>>)
    %barrier3A = arith.constant 0 : index
    tpu.barrier barrier_id(%barrier3A)
    %add3A_41 = arith.constant 0 : i32
    %add3A_42 = arith.addi %mul3A_2, %add3A_41 : i32
    %dma_start3A_43 = tpu.memref_slice %arg3[%add3A_42] : memref<320000xi32, #tpu.memory_space<hbm>> -> memref<80xi32, #tpu.memory_space<hbm>>
    %dma_start3A_44 = tpu.memref_slice %arg3[%add3A_42] : memref<320000xi32, #tpu.memory_space<hbm>> -> memref<80xi32, #tpu.memory_space<hbm>>
    tpu.enqueue_dma source(%dma_start3A_44 : memref<80xi32, #tpu.memory_space<hbm>>) target(%arg7 : memref<80xi32, #tpu.memory_space<vmem>>) target_semaphore(%arg15 : memref<!tpu.dma_semaphore, #tpu.memory_space<semaphore_mem>>)
    %add3A_45 = arith.constant 80 : i32
    %add3A_46 = arith.addi %mul3A_2, %add3A_45 : i32
    %dma_start3A_47 = tpu.memref_slice %arg3[%add3A_46] : memref<320000xi32, #tpu.memory_space<hbm>> -> memref<80xi32, #tpu.memory_space<hbm>>
    %dma_start3A_48 = tpu.memref_slice %arg3[%add3A_46] : memref<320000xi32, #tpu.memory_space<hbm>> -> memref<80xi32, #tpu.memory_space<hbm>>
    tpu.enqueue_dma source(%dma_start3A_48 : memref<80xi32, #tpu.memory_space<hbm>>) target(%arg8 : memref<80xi32, #tpu.memory_space<vmem>>) target_semaphore(%arg16 : memref<!tpu.dma_semaphore, #tpu.memory_space<semaphore_mem>>)
    %add3A_49 = arith.constant 0 : i32
    %add3A_50 = arith.addi %mul3A_2, %add3A_49 : i32
    %dma_wait3A_51 = tpu.memref_slice %arg3[%add3A_50] : memref<320000xi32, #tpu.memory_space<hbm>> -> memref<80xi32, #tpu.memory_space<hbm>>
    %dma_wait3A_52 = tpu.memref_slice %arg3[%add3A_50] : memref<320000xi32, #tpu.memory_space<hbm>> -> memref<80xi32, #tpu.memory_space<hbm>>
    tpu.wait_dma2 semaphore(%arg15 : memref<!tpu.dma_semaphore, #tpu.memory_space<semaphore_mem>>) src(%dma_wait3A_52 : memref<80xi32, #tpu.memory_space<hbm>>) dst(%arg7 : memref<80xi32, #tpu.memory_space<vmem>>)
    %dma_start3A_53 = arith.constant 0 : i32
    %dma_start3A_54 = arith.constant 0 : i32
    %dma_start3A_55 = tpu.memref_slice %arg2[%dma_start3A_53, %dma_start3A_54] : memref<10000x128xf32, #tpu.memory_space<hbm>> -> memref<10000x128xf32, #tpu.memory_space<hbm>>
    tpu.enqueue_indirect_dma source(%dma_start3A_55 : memref<10000x128xf32, #tpu.memory_space<hbm>>) target(%arg10 : memref<80x128xf32, #tpu.memory_space<vmem>>) offsets(%arg7 : memref<80xi32, #tpu.memory_space<vmem>>) semaphore(%arg18 : memref<!tpu.dma_semaphore, #tpu.memory_space<semaphore_mem>>)
    %scan3A_56 = arith.constant 0 : i32
    %scan3A_57 = arith.constant 0 : i32
    %scan3A_58 = arith.constant 42 : i32
    %scan3A_59 = arith.addi %scan3A_57, %scan3A_58 : i32
    %scan3A_60 = arith.constant 1 : i32
    %scan3A_61 = scf.for %scan3A_85 = %scan3A_57 to %scan3A_59 step %scan3A_60 iter_args(%scan3A_86 = %scan3A_56) -> (i32)  : i32 {
      %mul3A_87 = arith.constant 3 : i32
      %mul3A_88 = arith.muli %scan3A_85, %mul3A_87 : i32
      %add3A_89 = arith.constant 0 : i32
      %add3A_90 = arith.addi %mul3A_88, %add3A_89 : i32
      %add3A_91 = arith.constant 2 : i32
      %add3A_92 = arith.addi %add3A_90, %add3A_91 : i32
      %lt3A = arith.constant 125 : i32
      %lt3A_93 = arith.cmpi slt, %add3A_92, %lt3A : i32
      %ge3A = arith.constant 1 : i32
      %ge3A_94 = arith.cmpi sge, %add3A_90, %ge3A : i32
      %and3A = arith.andi %lt3A_93, %ge3A_94 : i1
      %convert_element_type3A = arith.extui %and3A : i1 to i32
      %cond3A = arith.constant 0 : i32
      %cond3A_95 = arith.cmpi ne, %convert_element_type3A, %cond3A : i32
      scf.if %cond3A_95 {
        %sub3A = arith.constant 1 : i32
        %sub3A_182 = arith.subi %add3A_90, %sub3A : i32
        %dma_wait3A_183 = arith.constant 0 : i32
        %dma_wait3A_184 = tpu.memref_slice %arg6[%sub3A_182, %dma_wait3A_183] : memref<125x80xi32, #tpu.memory_space<vmem>> -> memref<1x80xi32, #tpu.memory_space<vmem>>
        %dma_wait3A_185 = tpu.memref_squeeze %dma_wait3A_184 : memref<1x80xi32, #tpu.memory_space<vmem>> -> memref<80xi32, #tpu.memory_space<vmem>>
        %dma_wait3A_186 = arith.constant 0 : i32
        %dma_wait3A_187 = arith.constant 0 : i32
        %dma_wait3A_188 = tpu.memref_slice %arg13[%dma_wait3A_186, %dma_wait3A_187] : memref<10240x128xf32, #tpu.memory_space<vmem_shared>> -> memref<10240x128xf32, #tpu.memory_space<vmem_shared>>
        tpu.wait_indirect_dma semaphore(%arg23 : memref<!tpu.dma_semaphore, #tpu.memory_space<semaphore_mem>>) src(%arg12 : memref<80x128xf32, #tpu.memory_space<vmem>>) dst(%dma_wait3A_188 : memref<10240x128xf32, #tpu.memory_space<vmem_shared>>)
      } else {
      }
      %add3A_96 = arith.constant 2 : i32
      %add3A_97 = arith.addi %add3A_90, %add3A_96 : i32
      %lt3A_98 = arith.constant 125 : i32
      %lt3A_99 = arith.cmpi slt, %add3A_97, %lt3A_98 : i32
      %convert_element_type3A_100 = arith.extui %lt3A_99 : i1 to i32
      %cond3A_101 = arith.constant 0 : i32
      %cond3A_102 = arith.cmpi ne, %convert_element_type3A_100, %cond3A_101 : i32
      scf.if %cond3A_102 {
        %add3A_182 = arith.constant 2 : i32
        %add3A_183 = arith.addi %add3A_90, %add3A_182 : i32
        %mul3A_184 = arith.constant 80 : i32
        %mul3A_185 = arith.muli %add3A_183, %mul3A_184 : i32
        %add3A_186 = arith.addi %mul3A_2, %mul3A_185 : i32
        %dma_start3A_187 = tpu.memref_slice %arg3[%add3A_186] : memref<320000xi32, #tpu.memory_space<hbm>> -> memref<80xi32, #tpu.memory_space<hbm>>
        %dma_start3A_188 = tpu.memref_slice %arg3[%add3A_186] : memref<320000xi32, #tpu.memory_space<hbm>> -> memref<80xi32, #tpu.memory_space<hbm>>
        tpu.enqueue_dma source(%dma_start3A_188 : memref<80xi32, #tpu.memory_space<hbm>>) target(%arg9 : memref<80xi32, #tpu.memory_space<vmem>>) target_semaphore(%arg17 : memref<!tpu.dma_semaphore, #tpu.memory_space<semaphore_mem>>)
      } else {
      }
      %add3A_103 = arith.constant 1 : i32
      %add3A_104 = arith.addi %add3A_90, %add3A_103 : i32
      %lt3A_105 = arith.constant 125 : i32
      %lt3A_106 = arith.cmpi slt, %add3A_104, %lt3A_105 : i32
      %convert_element_type3A_107 = arith.extui %lt3A_106 : i1 to i32
      %cond3A_108 = arith.constant 0 : i32
      %cond3A_109 = arith.cmpi ne, %convert_element_type3A_107, %cond3A_108 : i32
      scf.if %cond3A_109 {
        %add3A_182 = arith.constant 1 : i32
        %add3A_183 = arith.addi %add3A_90, %add3A_182 : i32
        %mul3A_184 = arith.constant 80 : i32
        %mul3A_185 = arith.muli %add3A_183, %mul3A_184 : i32
        %add3A_186 = arith.addi %mul3A_2, %mul3A_185 : i32
        %dma_wait3A_187 = tpu.memref_slice %arg3[%add3A_186] : memref<320000xi32, #tpu.memory_space<hbm>> -> memref<80xi32, #tpu.memory_space<hbm>>
        %dma_wait3A_188 = tpu.memref_slice %arg3[%add3A_186] : memref<320000xi32, #tpu.memory_space<hbm>> -> memref<80xi32, #tpu.memory_space<hbm>>
        tpu.wait_dma2 semaphore(%arg16 : memref<!tpu.dma_semaphore, #tpu.memory_space<semaphore_mem>>) src(%dma_wait3A_188 : memref<80xi32, #tpu.memory_space<hbm>>) dst(%arg8 : memref<80xi32, #tpu.memory_space<vmem>>)
        %dma_start3A_189 = arith.constant 0 : i32
        %dma_start3A_190 = arith.constant 0 : i32
        %dma_start3A_191 = tpu.memref_slice %arg2[%dma_start3A_189, %dma_start3A_190] : memref<10000x128xf32, #tpu.memory_space<hbm>> -> memref<10000x128xf32, #tpu.memory_space<hbm>>
        tpu.enqueue_indirect_dma source(%dma_start3A_191 : memref<10000x128xf32, #tpu.memory_space<hbm>>) target(%arg11 : memref<80x128xf32, #tpu.memory_space<vmem>>) offsets(%arg8 : memref<80xi32, #tpu.memory_space<vmem>>) semaphore(%arg19 : memref<!tpu.dma_semaphore, #tpu.memory_space<semaphore_mem>>)
      } else {
      }
      %lt3A_110 = arith.constant 125 : i32
      %lt3A_111 = arith.cmpi slt, %add3A_90, %lt3A_110 : i32
      %convert_element_type3A_112 = arith.extui %lt3A_111 : i1 to i32
      %cond3A_113 = arith.constant 0 : i32
      %cond3A_114 = arith.cmpi ne, %convert_element_type3A_112, %cond3A_113 : i32
      scf.if %cond3A_114 {
        %dma_wait3A_182 = arith.constant 0 : i32
        %dma_wait3A_183 = arith.constant 0 : i32
        %dma_wait3A_184 = tpu.memref_slice %arg2[%dma_wait3A_182, %dma_wait3A_183] : memref<10000x128xf32, #tpu.memory_space<hbm>> -> memref<10000x128xf32, #tpu.memory_space<hbm>>
        tpu.wait_indirect_dma semaphore(%arg18 : memref<!tpu.dma_semaphore, #tpu.memory_space<semaphore_mem>>) src(%dma_wait3A_184 : memref<10000x128xf32, #tpu.memory_space<hbm>>) dst(%arg10 : memref<80x128xf32, #tpu.memory_space<vmem>>)
        %dma_start3A_185 = arith.constant 0 : i32
        %dma_start3A_186 = tpu.memref_slice %arg6[%add3A_90, %dma_start3A_185] : memref<125x80xi32, #tpu.memory_space<vmem>> -> memref<1x80xi32, #tpu.memory_space<vmem>>
        %dma_start3A_187 = tpu.memref_squeeze %dma_start3A_186 : memref<1x80xi32, #tpu.memory_space<vmem>> -> memref<80xi32, #tpu.memory_space<vmem>>
        %dma_start3A_188 = arith.constant 0 : i32
        %dma_start3A_189 = arith.constant 0 : i32
        %dma_start3A_190 = tpu.memref_slice %arg13[%dma_start3A_188, %dma_start3A_189] : memref<10240x128xf32, #tpu.memory_space<vmem_shared>> -> memref<10240x128xf32, #tpu.memory_space<vmem_shared>>
        tpu.enqueue_indirect_dma source(%arg10 : memref<80x128xf32, #tpu.memory_space<vmem>>) target(%dma_start3A_190 : memref<10240x128xf32, #tpu.memory_space<vmem_shared>>) offsets(%dma_start3A_187 : memref<80xi32, #tpu.memory_space<vmem>>) semaphore(%arg21 : memref<!tpu.dma_semaphore, #tpu.memory_space<semaphore_mem>>) {add = true}
      } else {
      }
      %mul3A_115 = arith.constant 3 : i32
      %mul3A_116 = arith.muli %scan3A_85, %mul3A_115 : i32
      %add3A_117 = arith.constant 1 : i32
      %add3A_118 = arith.addi %mul3A_116, %add3A_117 : i32
      %add3A_119 = arith.constant 2 : i32
      %add3A_120 = arith.addi %add3A_118, %add3A_119 : i32
      %lt3A_121 = arith.constant 125 : i32
      %lt3A_122 = arith.cmpi slt, %add3A_120, %lt3A_121 : i32
      %ge3A_123 = arith.constant 1 : i32
      %ge3A_124 = arith.cmpi sge, %add3A_118, %ge3A_123 : i32
      %and3A_125 = arith.andi %lt3A_122, %ge3A_124 : i1
      %convert_element_type3A_126 = arith.extui %and3A_125 : i1 to i32
      %cond3A_127 = arith.constant 0 : i32
      %cond3A_128 = arith.cmpi ne, %convert_element_type3A_126, %cond3A_127 : i32
      scf.if %cond3A_128 {
        %sub3A = arith.constant 1 : i32
        %sub3A_182 = arith.subi %add3A_118, %sub3A : i32
        %dma_wait3A_183 = arith.constant 0 : i32
        %dma_wait3A_184 = tpu.memref_slice %arg6[%sub3A_182, %dma_wait3A_183] : memref<125x80xi32, #tpu.memory_space<vmem>> -> memref<1x80xi32, #tpu.memory_space<vmem>>
        %dma_wait3A_185 = tpu.memref_squeeze %dma_wait3A_184 : memref<1x80xi32, #tpu.memory_space<vmem>> -> memref<80xi32, #tpu.memory_space<vmem>>
        %dma_wait3A_186 = arith.constant 0 : i32
        %dma_wait3A_187 = arith.constant 0 : i32
        %dma_wait3A_188 = tpu.memref_slice %arg13[%dma_wait3A_186, %dma_wait3A_187] : memref<10240x128xf32, #tpu.memory_space<vmem_shared>> -> memref<10240x128xf32, #tpu.memory_space<vmem_shared>>
        tpu.wait_indirect_dma semaphore(%arg21 : memref<!tpu.dma_semaphore, #tpu.memory_space<semaphore_mem>>) src(%arg10 : memref<80x128xf32, #tpu.memory_space<vmem>>) dst(%dma_wait3A_188 : memref<10240x128xf32, #tpu.memory_space<vmem_shared>>)
      } else {
      }
      %add3A_129 = arith.constant 2 : i32
      %add3A_130 = arith.addi %add3A_118, %add3A_129 : i32
      %lt3A_131 = arith.constant 125 : i32
      %lt3A_132 = arith.cmpi slt, %add3A_130, %lt3A_131 : i32
      %convert_element_type3A_133 = arith.extui %lt3A_132 : i1 to i32
      %cond3A_134 = arith.constant 0 : i32
      %cond3A_135 = arith.cmpi ne, %convert_element_type3A_133, %cond3A_134 : i32
      scf.if %cond3A_135 {
        %add3A_182 = arith.constant 2 : i32
        %add3A_183 = arith.addi %add3A_118, %add3A_182 : i32
        %mul3A_184 = arith.constant 80 : i32
        %mul3A_185 = arith.muli %add3A_183, %mul3A_184 : i32
        %add3A_186 = arith.addi %mul3A_2, %mul3A_185 : i32
        %dma_start3A_187 = tpu.memref_slice %arg3[%add3A_186] : memref<320000xi32, #tpu.memory_space<hbm>> -> memref<80xi32, #tpu.memory_space<hbm>>
        %dma_start3A_188 = tpu.memref_slice %arg3[%add3A_186] : memref<320000xi32, #tpu.memory_space<hbm>> -> memref<80xi32, #tpu.memory_space<hbm>>
        tpu.enqueue_dma source(%dma_start3A_188 : memref<80xi32, #tpu.memory_space<hbm>>) target(%arg7 : memref<80xi32, #tpu.memory_space<vmem>>) target_semaphore(%arg15 : memref<!tpu.dma_semaphore, #tpu.memory_space<semaphore_mem>>)
      } else {
      }
      %add3A_136 = arith.constant 1 : i32
      %add3A_137 = arith.addi %add3A_118, %add3A_136 : i32
      %lt3A_138 = arith.constant 125 : i32
      %lt3A_139 = arith.cmpi slt, %add3A_137, %lt3A_138 : i32
      %convert_element_type3A_140 = arith.extui %lt3A_139 : i1 to i32
      %cond3A_141 = arith.constant 0 : i32
      %cond3A_142 = arith.cmpi ne, %convert_element_type3A_140, %cond3A_141 : i32
      scf.if %cond3A_142 {
        %add3A_182 = arith.constant 1 : i32
        %add3A_183 = arith.addi %add3A_118, %add3A_182 : i32
        %mul3A_184 = arith.constant 80 : i32
        %mul3A_185 = arith.muli %add3A_183, %mul3A_184 : i32
        %add3A_186 = arith.addi %mul3A_2, %mul3A_185 : i32
        %dma_wait3A_187 = tpu.memref_slice %arg3[%add3A_186] : memref<320000xi32, #tpu.memory_space<hbm>> -> memref<80xi32, #tpu.memory_space<hbm>>
        %dma_wait3A_188 = tpu.memref_slice %arg3[%add3A_186] : memref<320000xi32, #tpu.memory_space<hbm>> -> memref<80xi32, #tpu.memory_space<hbm>>
        tpu.wait_dma2 semaphore(%arg17 : memref<!tpu.dma_semaphore, #tpu.memory_space<semaphore_mem>>) src(%dma_wait3A_188 : memref<80xi32, #tpu.memory_space<hbm>>) dst(%arg9 : memref<80xi32, #tpu.memory_space<vmem>>)
        %dma_start3A_189 = arith.constant 0 : i32
        %dma_start3A_190 = arith.constant 0 : i32
        %dma_start3A_191 = tpu.memref_slice %arg2[%dma_start3A_189, %dma_start3A_190] : memref<10000x128xf32, #tpu.memory_space<hbm>> -> memref<10000x128xf32, #tpu.memory_space<hbm>>
        tpu.enqueue_indirect_dma source(%dma_start3A_191 : memref<10000x128xf32, #tpu.memory_space<hbm>>) target(%arg12 : memref<80x128xf32, #tpu.memory_space<vmem>>) offsets(%arg9 : memref<80xi32, #tpu.memory_space<vmem>>) semaphore(%arg20 : memref<!tpu.dma_semaphore, #tpu.memory_space<semaphore_mem>>)
      } else {
      }
      %lt3A_143 = arith.constant 125 : i32
      %lt3A_144 = arith.cmpi slt, %add3A_118, %lt3A_143 : i32
      %convert_element_type3A_145 = arith.extui %lt3A_144 : i1 to i32
      %cond3A_146 = arith.constant 0 : i32
      %cond3A_147 = arith.cmpi ne, %convert_element_type3A_145, %cond3A_146 : i32
      scf.if %cond3A_147 {
        %dma_wait3A_182 = arith.constant 0 : i32
        %dma_wait3A_183 = arith.constant 0 : i32
        %dma_wait3A_184 = tpu.memref_slice %arg2[%dma_wait3A_182, %dma_wait3A_183] : memref<10000x128xf32, #tpu.memory_space<hbm>> -> memref<10000x128xf32, #tpu.memory_space<hbm>>
        tpu.wait_indirect_dma semaphore(%arg19 : memref<!tpu.dma_semaphore, #tpu.memory_space<semaphore_mem>>) src(%dma_wait3A_184 : memref<10000x128xf32, #tpu.memory_space<hbm>>) dst(%arg11 : memref<80x128xf32, #tpu.memory_space<vmem>>)
        %dma_start3A_185 = arith.constant 0 : i32
        %dma_start3A_186 = tpu.memref_slice %arg6[%add3A_118, %dma_start3A_185] : memref<125x80xi32, #tpu.memory_space<vmem>> -> memref<1x80xi32, #tpu.memory_space<vmem>>
        %dma_start3A_187 = tpu.memref_squeeze %dma_start3A_186 : memref<1x80xi32, #tpu.memory_space<vmem>> -> memref<80xi32, #tpu.memory_space<vmem>>
        %dma_start3A_188 = arith.constant 0 : i32
        %dma_start3A_189 = arith.constant 0 : i32
        %dma_start3A_190 = tpu.memref_slice %arg13[%dma_start3A_188, %dma_start3A_189] : memref<10240x128xf32, #tpu.memory_space<vmem_shared>> -> memref<10240x128xf32, #tpu.memory_space<vmem_shared>>
        tpu.enqueue_indirect_dma source(%arg11 : memref<80x128xf32, #tpu.memory_space<vmem>>) target(%dma_start3A_190 : memref<10240x128xf32, #tpu.memory_space<vmem_shared>>) offsets(%dma_start3A_187 : memref<80xi32, #tpu.memory_space<vmem>>) semaphore(%arg22 : memref<!tpu.dma_semaphore, #tpu.memory_space<semaphore_mem>>) {add = true}
      } else {
      }
      %mul3A_148 = arith.constant 3 : i32
      %mul3A_149 = arith.muli %scan3A_85, %mul3A_148 : i32
      %add3A_150 = arith.constant 2 : i32
      %add3A_151 = arith.addi %mul3A_149, %add3A_150 : i32
      %add3A_152 = arith.constant 2 : i32
      %add3A_153 = arith.addi %add3A_151, %add3A_152 : i32
      %lt3A_154 = arith.constant 125 : i32
      %lt3A_155 = arith.cmpi slt, %add3A_153, %lt3A_154 : i32
      %ge3A_156 = arith.constant 1 : i32
      %ge3A_157 = arith.cmpi sge, %add3A_151, %ge3A_156 : i32
      %and3A_158 = arith.andi %lt3A_155, %ge3A_157 : i1
      %convert_element_type3A_159 = arith.extui %and3A_158 : i1 to i32
      %cond3A_160 = arith.constant 0 : i32
      %cond3A_161 = arith.cmpi ne, %convert_element_type3A_159, %cond3A_160 : i32
      scf.if %cond3A_161 {
        %sub3A = arith.constant 1 : i32
        %sub3A_182 = arith.subi %add3A_151, %sub3A : i32
        %dma_wait3A_183 = arith.constant 0 : i32
        %dma_wait3A_184 = tpu.memref_slice %arg6[%sub3A_182, %dma_wait3A_183] : memref<125x80xi32, #tpu.memory_space<vmem>> -> memref<1x80xi32, #tpu.memory_space<vmem>>
        %dma_wait3A_185 = tpu.memref_squeeze %dma_wait3A_184 : memref<1x80xi32, #tpu.memory_space<vmem>> -> memref<80xi32, #tpu.memory_space<vmem>>
        %dma_wait3A_186 = arith.constant 0 : i32
        %dma_wait3A_187 = arith.constant 0 : i32
        %dma_wait3A_188 = tpu.memref_slice %arg13[%dma_wait3A_186, %dma_wait3A_187] : memref<10240x128xf32, #tpu.memory_space<vmem_shared>> -> memref<10240x128xf32, #tpu.memory_space<vmem_shared>>
        tpu.wait_indirect_dma semaphore(%arg22 : memref<!tpu.dma_semaphore, #tpu.memory_space<semaphore_mem>>) src(%arg11 : memref<80x128xf32, #tpu.memory_space<vmem>>) dst(%dma_wait3A_188 : memref<10240x128xf32, #tpu.memory_space<vmem_shared>>)
      } else {
      }
      %add3A_162 = arith.constant 2 : i32
      %add3A_163 = arith.addi %add3A_151, %add3A_162 : i32
      %lt3A_164 = arith.constant 125 : i32
      %lt3A_165 = arith.cmpi slt, %add3A_163, %lt3A_164 : i32
      %convert_element_type3A_166 = arith.extui %lt3A_165 : i1 to i32
      %cond3A_167 = arith.constant 0 : i32
      %cond3A_168 = arith.cmpi ne, %convert_element_type3A_166, %cond3A_167 : i32
      scf.if %cond3A_168 {
        %add3A_182 = arith.constant 2 : i32
        %add3A_183 = arith.addi %add3A_151, %add3A_182 : i32
        %mul3A_184 = arith.constant 80 : i32
        %mul3A_185 = arith.muli %add3A_183, %mul3A_184 : i32
        %add3A_186 = arith.addi %mul3A_2, %mul3A_185 : i32
        %dma_start3A_187 = tpu.memref_slice %arg3[%add3A_186] : memref<320000xi32, #tpu.memory_space<hbm>> -> memref<80xi32, #tpu.memory_space<hbm>>
        %dma_start3A_188 = tpu.memref_slice %arg3[%add3A_186] : memref<320000xi32, #tpu.memory_space<hbm>> -> memref<80xi32, #tpu.memory_space<hbm>>
        tpu.enqueue_dma source(%dma_start3A_188 : memref<80xi32, #tpu.memory_space<hbm>>) target(%arg8 : memref<80xi32, #tpu.memory_space<vmem>>) target_semaphore(%arg16 : memref<!tpu.dma_semaphore, #tpu.memory_space<semaphore_mem>>)
      } else {
      }
      %add3A_169 = arith.constant 1 : i32
      %add3A_170 = arith.addi %add3A_151, %add3A_169 : i32
      %lt3A_171 = arith.constant 125 : i32
      %lt3A_172 = arith.cmpi slt, %add3A_170, %lt3A_171 : i32
      %convert_element_type3A_173 = arith.extui %lt3A_172 : i1 to i32
      %cond3A_174 = arith.constant 0 : i32
      %cond3A_175 = arith.cmpi ne, %convert_element_type3A_173, %cond3A_174 : i32
      scf.if %cond3A_175 {
        %add3A_182 = arith.constant 1 : i32
        %add3A_183 = arith.addi %add3A_151, %add3A_182 : i32
        %mul3A_184 = arith.constant 80 : i32
        %mul3A_185 = arith.muli %add3A_183, %mul3A_184 : i32
        %add3A_186 = arith.addi %mul3A_2, %mul3A_185 : i32
        %dma_wait3A_187 = tpu.memref_slice %arg3[%add3A_186] : memref<320000xi32, #tpu.memory_space<hbm>> -> memref<80xi32, #tpu.memory_space<hbm>>
        %dma_wait3A_188 = tpu.memref_slice %arg3[%add3A_186] : memref<320000xi32, #tpu.memory_space<hbm>> -> memref<80xi32, #tpu.memory_space<hbm>>
        tpu.wait_dma2 semaphore(%arg15 : memref<!tpu.dma_semaphore, #tpu.memory_space<semaphore_mem>>) src(%dma_wait3A_188 : memref<80xi32, #tpu.memory_space<hbm>>) dst(%arg7 : memref<80xi32, #tpu.memory_space<vmem>>)
        %dma_start3A_189 = arith.constant 0 : i32
        %dma_start3A_190 = arith.constant 0 : i32
        %dma_start3A_191 = tpu.memref_slice %arg2[%dma_start3A_189, %dma_start3A_190] : memref<10000x128xf32, #tpu.memory_space<hbm>> -> memref<10000x128xf32, #tpu.memory_space<hbm>>
        tpu.enqueue_indirect_dma source(%dma_start3A_191 : memref<10000x128xf32, #tpu.memory_space<hbm>>) target(%arg10 : memref<80x128xf32, #tpu.memory_space<vmem>>) offsets(%arg7 : memref<80xi32, #tpu.memory_space<vmem>>) semaphore(%arg18 : memref<!tpu.dma_semaphore, #tpu.memory_space<semaphore_mem>>)
      } else {
      }
      %lt3A_176 = arith.constant 125 : i32
      %lt3A_177 = arith.cmpi slt, %add3A_151, %lt3A_176 : i32
      %convert_element_type3A_178 = arith.extui %lt3A_177 : i1 to i32
      %cond3A_179 = arith.constant 0 : i32
      %cond3A_180 = arith.cmpi ne, %convert_element_type3A_178, %cond3A_179 : i32
      scf.if %cond3A_180 {
        %dma_wait3A_182 = arith.constant 0 : i32
        %dma_wait3A_183 = arith.constant 0 : i32
        %dma_wait3A_184 = tpu.memref_slice %arg2[%dma_wait3A_182, %dma_wait3A_183] : memref<10000x128xf32, #tpu.memory_space<hbm>> -> memref<10000x128xf32, #tpu.memory_space<hbm>>
        tpu.wait_indirect_dma semaphore(%arg20 : memref<!tpu.dma_semaphore, #tpu.memory_space<semaphore_mem>>) src(%dma_wait3A_184 : memref<10000x128xf32, #tpu.memory_space<hbm>>) dst(%arg12 : memref<80x128xf32, #tpu.memory_space<vmem>>)
        %dma_start3A_185 = arith.constant 0 : i32
        %dma_start3A_186 = tpu.memref_slice %arg6[%add3A_151, %dma_start3A_185] : memref<125x80xi32, #tpu.memory_space<vmem>> -> memref<1x80xi32, #tpu.memory_space<vmem>>
        %dma_start3A_187 = tpu.memref_squeeze %dma_start3A_186 : memref<1x80xi32, #tpu.memory_space<vmem>> -> memref<80xi32, #tpu.memory_space<vmem>>
        %dma_start3A_188 = arith.constant 0 : i32
        %dma_start3A_189 = arith.constant 0 : i32
        %dma_start3A_190 = tpu.memref_slice %arg13[%dma_start3A_188, %dma_start3A_189] : memref<10240x128xf32, #tpu.memory_space<vmem_shared>> -> memref<10240x128xf32, #tpu.memory_space<vmem_shared>>
        tpu.enqueue_indirect_dma source(%arg12 : memref<80x128xf32, #tpu.memory_space<vmem>>) target(%dma_start3A_190 : memref<10240x128xf32, #tpu.memory_space<vmem_shared>>) offsets(%dma_start3A_187 : memref<80xi32, #tpu.memory_space<vmem>>) semaphore(%arg23 : memref<!tpu.dma_semaphore, #tpu.memory_space<semaphore_mem>>) {add = true}
      } else {
      }
      %scan3A_181 = arith.constant 0 : i32
      scf.yield %scan3A_181 : i32
    }
    %scan3A_62 = arith.constant 42 : i32
    %dma_wait3A_63 = arith.constant 122 : i32
    %dma_wait3A_64 = arith.constant 0 : i32
    %dma_wait3A_65 = tpu.memref_slice %arg6[%dma_wait3A_63, %dma_wait3A_64] : memref<125x80xi32, #tpu.memory_space<vmem>> -> memref<1x80xi32, #tpu.memory_space<vmem>>
    %dma_wait3A_66 = tpu.memref_squeeze %dma_wait3A_65 : memref<1x80xi32, #tpu.memory_space<vmem>> -> memref<80xi32, #tpu.memory_space<vmem>>
    %dma_wait3A_67 = arith.constant 0 : i32
    %dma_wait3A_68 = arith.constant 0 : i32
    %dma_wait3A_69 = tpu.memref_slice %arg13[%dma_wait3A_67, %dma_wait3A_68] : memref<10240x128xf32, #tpu.memory_space<vmem_shared>> -> memref<10240x128xf32, #tpu.memory_space<vmem_shared>>
    tpu.wait_indirect_dma semaphore(%arg23 : memref<!tpu.dma_semaphore, #tpu.memory_space<semaphore_mem>>) src(%arg12 : memref<80x128xf32, #tpu.memory_space<vmem>>) dst(%dma_wait3A_69 : memref<10240x128xf32, #tpu.memory_space<vmem_shared>>)
    %dma_wait3A_70 = arith.constant 123 : i32
    %dma_wait3A_71 = arith.constant 0 : i32
    %dma_wait3A_72 = tpu.memref_slice %arg6[%dma_wait3A_70, %dma_wait3A_71] : memref<125x80xi32, #tpu.memory_space<vmem>> -> memref<1x80xi32, #tpu.memory_space<vmem>>
    %dma_wait3A_73 = tpu.memref_squeeze %dma_wait3A_72 : memref<1x80xi32, #tpu.memory_space<vmem>> -> memref<80xi32, #tpu.memory_space<vmem>>
    %dma_wait3A_74 = arith.constant 0 : i32
    %dma_wait3A_75 = arith.constant 0 : i32
    %dma_wait3A_76 = tpu.memref_slice %arg13[%dma_wait3A_74, %dma_wait3A_75] : memref<10240x128xf32, #tpu.memory_space<vmem_shared>> -> memref<10240x128xf32, #tpu.memory_space<vmem_shared>>
    tpu.wait_indirect_dma semaphore(%arg21 : memref<!tpu.dma_semaphore, #tpu.memory_space<semaphore_mem>>) src(%arg10 : memref<80x128xf32, #tpu.memory_space<vmem>>) dst(%dma_wait3A_76 : memref<10240x128xf32, #tpu.memory_space<vmem_shared>>)
    %dma_wait3A_77 = arith.constant 124 : i32
    %dma_wait3A_78 = arith.constant 0 : i32
    %dma_wait3A_79 = tpu.memref_slice %arg6[%dma_wait3A_77, %dma_wait3A_78] : memref<125x80xi32, #tpu.memory_space<vmem>> -> memref<1x80xi32, #tpu.memory_space<vmem>>
    %dma_wait3A_80 = tpu.memref_squeeze %dma_wait3A_79 : memref<1x80xi32, #tpu.memory_space<vmem>> -> memref<80xi32, #tpu.memory_space<vmem>>
    %dma_wait3A_81 = arith.constant 0 : i32
    %dma_wait3A_82 = arith.constant 0 : i32
    %dma_wait3A_83 = tpu.memref_slice %arg13[%dma_wait3A_81, %dma_wait3A_82] : memref<10240x128xf32, #tpu.memory_space<vmem_shared>> -> memref<10240x128xf32, #tpu.memory_space<vmem_shared>>
    tpu.wait_indirect_dma semaphore(%arg22 : memref<!tpu.dma_semaphore, #tpu.memory_space<semaphore_mem>>) src(%arg11 : memref<80x128xf32, #tpu.memory_space<vmem>>) dst(%dma_wait3A_83 : memref<10240x128xf32, #tpu.memory_space<vmem_shared>>)
    %barrier3A_84 = arith.constant 0 : index
    tpu.barrier barrier_id(%barrier3A_84)
    "tpu.region"() ({
      %run_scoped3A = tpu.sem_alloc : memref<!tpu.dma_semaphore, #tpu.memory_space<semaphore_mem>>
      %dma_start3A_85 = arith.constant 0 : i32
      %dma_start3A_86 = tpu.memref_slice %arg5[%arg0, %mul3A_17, %dma_start3A_85] : memref<2x10240x128xf32, #tpu.memory_space<hbm>> -> memref<1x640x128xf32, #tpu.memory_space<hbm>>
      %dma_start3A_87 = tpu.memref_squeeze %dma_start3A_86 : memref<1x640x128xf32, #tpu.memory_space<hbm>> -> memref<640x128xf32, #tpu.memory_space<hbm>>
      %dma_start3A_88 = arith.constant 0 : i32
      %dma_start3A_89 = tpu.memref_slice %arg13[%mul3A_17, %dma_start3A_88] : memref<10240x128xf32, #tpu.memory_space<vmem_shared>> -> memref<640x128xf32, #tpu.memory_space<vmem_shared>>
      tpu.enqueue_dma source(%dma_start3A_89 : memref<640x128xf32, #tpu.memory_space<vmem_shared>>) target(%dma_start3A_87 : memref<640x128xf32, #tpu.memory_space<hbm>>) target_semaphore(%run_scoped3A : memref<!tpu.dma_semaphore, #tpu.memory_space<semaphore_mem>>)
      %dma_wait3A_90 = arith.constant 0 : i32
      %dma_wait3A_91 = tpu.memref_slice %arg5[%arg0, %mul3A_17, %dma_wait3A_90] : memref<2x10240x128xf32, #tpu.memory_space<hbm>> -> memref<1x640x128xf32, #tpu.memory_space<hbm>>
      %dma_wait3A_92 = tpu.memref_squeeze %dma_wait3A_91 : memref<1x640x128xf32, #tpu.memory_space<hbm>> -> memref<640x128xf32, #tpu.memory_space<hbm>>
      %dma_wait3A_93 = arith.constant 0 : i32
      %dma_wait3A_94 = tpu.memref_slice %arg13[%mul3A_17, %dma_wait3A_93] : memref<10240x128xf32, #tpu.memory_space<vmem_shared>> -> memref<640x128xf32, #tpu.memory_space<vmem_shared>>
      tpu.wait_dma2 semaphore(%run_scoped3A : memref<!tpu.dma_semaphore, #tpu.memory_space<semaphore_mem>>) src(%dma_wait3A_94 : memref<640x128xf32, #tpu.memory_space<vmem_shared>>) dst(%dma_wait3A_92 : memref<640x128xf32, #tpu.memory_space<hbm>>)
      tpu.yield
    }) : () -> ()
    return
  }
}

module attributes {stable_mosaic.version = 14 : i64} {
  func.func @_layer_body(%arg0: i32, %arg1: memref<2000x128xf32, #tpu.memory_space<vmem>>, %arg2: memref<2x2000x128xf32, #tpu.memory_space<vmem>>, %arg3: memref<2000x1xf32, #tpu.memory_space<vmem>>, %arg4: memref<128x128xf32, #tpu.memory_space<vmem>>, %arg5: memref<128x128xf32, #tpu.memory_space<vmem>>, %arg6: memref<1x128xf32, #tpu.memory_space<vmem>>, %arg7: memref<2000x128xf32, #tpu.memory_space<vmem>>) attributes {dimension_semantics = [#tpu.dimension_semantics<arbitrary>], iteration_bounds = array<i64: 5>, scalar_prefetch = 0 : i64, scratch_operands = 0 : i64, tpu.core_type = #tpu.core_type<tc>, window_params = [{transform_indices = @transform_0, window_bounds = array<i64: 2000, 128>}, {transform_indices = @transform_1, window_bounds = array<i64: 2, 2000, 128>}, {transform_indices = @transform_2, window_bounds = array<i64: 2000, 1>}, {pipeline_mode = #tpu.pipeline_mode<synchronous>, transform_indices = @transform_3, window_bounds = array<i64: 128, 128>}, {pipeline_mode = #tpu.pipeline_mode<synchronous>, transform_indices = @transform_4, window_bounds = array<i64: 128, 128>}, {pipeline_mode = #tpu.pipeline_mode<synchronous>, transform_indices = @transform_5, window_bounds = array<i64: 1, 128>}, {transform_indices = @transform_6, window_bounds = array<i64: 2000, 128>}]} {
    %get3A = arith.constant 0 : index
    %get3A_0 = arith.constant 0 : index
    %get3A_1 = arith.constant 0 : index
    %get3A_2 = vector.load %arg2[%get3A, %get3A_0, %get3A_1] : memref<2x2000x128xf32, #tpu.memory_space<vmem>>, vector<1x2000x128xf32>
    %get3A_3 = vector.shape_cast %get3A_2 : vector<1x2000x128xf32> to vector<2000x128xf32>
    %get3A_4 = arith.constant 1 : index
    %get3A_5 = arith.constant 0 : index
    %get3A_6 = arith.constant 0 : index
    %get3A_7 = vector.load %arg2[%get3A_4, %get3A_5, %get3A_6] : memref<2x2000x128xf32, #tpu.memory_space<vmem>>, vector<1x2000x128xf32>
    %get3A_8 = vector.shape_cast %get3A_7 : vector<1x2000x128xf32> to vector<2000x128xf32>
    %add3A = arith.addf %get3A_3, %get3A_8 : vector<2000x128xf32>
    %get3A_9 = arith.constant 0 : index
    %get3A_10 = arith.constant 0 : index
    %get3A_11 = vector.load %arg3[%get3A_9, %get3A_10] : memref<2000x1xf32, #tpu.memory_space<vmem>>, vector<2000x1xf32>
    %mul3A = vector.broadcast %get3A_11 : vector<2000x1xf32> to vector<2000x128xf32>
    %mul3A_12 = arith.mulf %add3A, %mul3A : vector<2000x128xf32>
    %get3A_13 = arith.constant 0 : index
    %get3A_14 = arith.constant 0 : index
    %get3A_15 = vector.load %arg1[%get3A_13, %get3A_14] : memref<2000x128xf32, #tpu.memory_space<vmem>>, vector<2000x128xf32>
    %get3A_16 = arith.constant 0 : index
    %get3A_17 = arith.constant 0 : index
    %get3A_18 = vector.load %arg4[%get3A_16, %get3A_17] : memref<128x128xf32, #tpu.memory_space<vmem>>, vector<128x128xf32>
    %dot_general3A = arith.constant dense<0.000000e+00> : vector<2000x128xf32>
    %dot_general3A_19 = tpu.matmul %get3A_15, %get3A_18, %dot_general3A {dimension_numbers = #tpu.dot_dimension_numbers<[1], [0], [0], [1], [0, 0, 1, 1], [], []>, transpose_lhs_hint = false} : vector<2000x128xf32>, vector<128x128xf32>, vector<2000x128xf32> -> vector<2000x128xf32>
    %get3A_20 = arith.constant 0 : index
    %get3A_21 = arith.constant 0 : index
    %get3A_22 = vector.load %arg5[%get3A_20, %get3A_21] : memref<128x128xf32, #tpu.memory_space<vmem>>, vector<128x128xf32>
    %dot_general3A_23 = arith.constant dense<0.000000e+00> : vector<2000x128xf32>
    %dot_general3A_24 = tpu.matmul %mul3A_12, %get3A_22, %dot_general3A_23 {dimension_numbers = #tpu.dot_dimension_numbers<[1], [0], [0], [1], [0, 0, 1, 1], [], []>, transpose_lhs_hint = false} : vector<2000x128xf32>, vector<128x128xf32>, vector<2000x128xf32> -> vector<2000x128xf32>
    %add3A_25 = arith.addf %dot_general3A_19, %dot_general3A_24 : vector<2000x128xf32>
    %get3A_26 = arith.constant 0 : index
    %get3A_27 = arith.constant 0 : index
    %get3A_28 = vector.load %arg6[%get3A_26, %get3A_27] : memref<1x128xf32, #tpu.memory_space<vmem>>, vector<1x128xf32>
    %add3A_29 = vector.broadcast %get3A_28 : vector<1x128xf32> to vector<2000x128xf32>
    %add3A_30 = arith.addf %add3A_25, %add3A_29 : vector<2000x128xf32>
    %max3A = arith.constant 0.000000e+00 : f32
    %max3A_31 = vector.broadcast %max3A : f32 to vector<2000x128xf32>
    %max3A_32 = arith.maximumf %add3A_30, %max3A_31 : vector<2000x128xf32>
    %swap3A = arith.constant 0 : index
    %swap3A_33 = arith.constant 0 : index
    %swap3A_34 = vector.load %arg7[%swap3A, %swap3A_33] : memref<2000x128xf32, #tpu.memory_space<vmem>>, vector<2000x128xf32>
    tpu.vector_store %arg7[%swap3A, %swap3A_33], %max3A_32 {strides = array<i32>} : memref<2000x128xf32, #tpu.memory_space<vmem>>, vector<2000x128xf32>,
    return
  }
  func.func @transform_0(%arg0: i32) -> (i32, i32) {
    %c0_i32 = arith.constant 0 : i32
    %c0_i32_0 = arith.constant 0 : i32
    return %arg0, %c0_i32 : i32, i32
  }
  func.func @transform_1(%arg0: i32) -> (i32, i32, i32) {
    %c0_i32 = arith.constant 0 : i32
    %c0_i32_0 = arith.constant 0 : i32
    %c0_i32_1 = arith.constant 0 : i32
    return %c0_i32, %arg0, %c0_i32_0 : i32, i32, i32
  }
  func.func @transform_2(%arg0: i32) -> (i32, i32) {
    %c0_i32 = arith.constant 0 : i32
    %c0_i32_0 = arith.constant 0 : i32
    return %arg0, %c0_i32 : i32, i32
  }
  func.func @transform_3(%arg0: i32) -> (i32, i32) {
    %c0_i32 = arith.constant 0 : i32
    %c0_i32_0 = arith.constant 0 : i32
    %c0_i32_1 = arith.constant 0 : i32
    return %c0_i32, %c0_i32_0 : i32, i32
  }
  func.func @transform_4(%arg0: i32) -> (i32, i32) {
    %c0_i32 = arith.constant 0 : i32
    %c0_i32_0 = arith.constant 0 : i32
    %c0_i32_1 = arith.constant 0 : i32
    return %c0_i32, %c0_i32_0 : i32, i32
  }
  func.func @transform_5(%arg0: i32) -> (i32, i32) {
    %c0_i32 = arith.constant 0 : i32
    %c0_i32_0 = arith.constant 0 : i32
    %c0_i32_1 = arith.constant 0 : i32
    return %c0_i32, %c0_i32_0 : i32, i32
  }
  func.func @transform_6(%arg0: i32) -> (i32, i32) {
    %c0_i32 = arith.constant 0 : i32
    %c0_i32_0 = arith.constant 0 : i32
    return %arg0, %c0_i32 : i32, i32
  }
}

module attributes {stable_mosaic.version = 14 : i64} {
  func.func @_layer_body(%arg0: i32, %arg1: memref<2000x128xf32, #tpu.memory_space<vmem>>, %arg2: memref<2x2000x128xf32, #tpu.memory_space<vmem>>, %arg3: memref<2000x1xf32, #tpu.memory_space<vmem>>, %arg4: memref<128x64xf32, #tpu.memory_space<vmem>>, %arg5: memref<128x64xf32, #tpu.memory_space<vmem>>, %arg6: memref<1x64xf32, #tpu.memory_space<vmem>>, %arg7: memref<2000x64xf32, #tpu.memory_space<vmem>>) attributes {dimension_semantics = [#tpu.dimension_semantics<arbitrary>], iteration_bounds = array<i64: 5>, scalar_prefetch = 0 : i64, scratch_operands = 0 : i64, tpu.core_type = #tpu.core_type<tc>, window_params = [{transform_indices = @transform_0, window_bounds = array<i64: 2000, 128>}, {transform_indices = @transform_1, window_bounds = array<i64: 2, 2000, 128>}, {transform_indices = @transform_2, window_bounds = array<i64: 2000, 1>}, {pipeline_mode = #tpu.pipeline_mode<synchronous>, transform_indices = @transform_3, window_bounds = array<i64: 128, 64>}, {pipeline_mode = #tpu.pipeline_mode<synchronous>, transform_indices = @transform_4, window_bounds = array<i64: 128, 64>}, {pipeline_mode = #tpu.pipeline_mode<synchronous>, transform_indices = @transform_5, window_bounds = array<i64: 1, 64>}, {transform_indices = @transform_6, window_bounds = array<i64: 2000, 64>}]} {
    %get3A = arith.constant 0 : index
    %get3A_0 = arith.constant 0 : index
    %get3A_1 = arith.constant 0 : index
    %get3A_2 = vector.load %arg2[%get3A, %get3A_0, %get3A_1] : memref<2x2000x128xf32, #tpu.memory_space<vmem>>, vector<1x2000x128xf32>
    %get3A_3 = vector.shape_cast %get3A_2 : vector<1x2000x128xf32> to vector<2000x128xf32>
    %get3A_4 = arith.constant 1 : index
    %get3A_5 = arith.constant 0 : index
    %get3A_6 = arith.constant 0 : index
    %get3A_7 = vector.load %arg2[%get3A_4, %get3A_5, %get3A_6] : memref<2x2000x128xf32, #tpu.memory_space<vmem>>, vector<1x2000x128xf32>
    %get3A_8 = vector.shape_cast %get3A_7 : vector<1x2000x128xf32> to vector<2000x128xf32>
    %add3A = arith.addf %get3A_3, %get3A_8 : vector<2000x128xf32>
    %get3A_9 = arith.constant 0 : index
    %get3A_10 = arith.constant 0 : index
    %get3A_11 = vector.load %arg3[%get3A_9, %get3A_10] : memref<2000x1xf32, #tpu.memory_space<vmem>>, vector<2000x1xf32>
    %mul3A = vector.broadcast %get3A_11 : vector<2000x1xf32> to vector<2000x128xf32>
    %mul3A_12 = arith.mulf %add3A, %mul3A : vector<2000x128xf32>
    %get3A_13 = arith.constant 0 : index
    %get3A_14 = arith.constant 0 : index
    %get3A_15 = vector.load %arg1[%get3A_13, %get3A_14] : memref<2000x128xf32, #tpu.memory_space<vmem>>, vector<2000x128xf32>
    %get3A_16 = arith.constant 0 : index
    %get3A_17 = arith.constant 0 : index
    %get3A_18 = vector.load %arg4[%get3A_16, %get3A_17] : memref<128x64xf32, #tpu.memory_space<vmem>>, vector<128x64xf32>
    %dot_general3A = arith.constant dense<0.000000e+00> : vector<2000x64xf32>
    %dot_general3A_19 = tpu.matmul %get3A_15, %get3A_18, %dot_general3A {dimension_numbers = #tpu.dot_dimension_numbers<[1], [0], [0], [1], [0, 0, 1, 1], [], []>, transpose_lhs_hint = false} : vector<2000x128xf32>, vector<128x64xf32>, vector<2000x64xf32> -> vector<2000x64xf32>
    %get3A_20 = arith.constant 0 : index
    %get3A_21 = arith.constant 0 : index
    %get3A_22 = vector.load %arg5[%get3A_20, %get3A_21] : memref<128x64xf32, #tpu.memory_space<vmem>>, vector<128x64xf32>
    %dot_general3A_23 = arith.constant dense<0.000000e+00> : vector<2000x64xf32>
    %dot_general3A_24 = tpu.matmul %mul3A_12, %get3A_22, %dot_general3A_23 {dimension_numbers = #tpu.dot_dimension_numbers<[1], [0], [0], [1], [0, 0, 1, 1], [], []>, transpose_lhs_hint = false} : vector<2000x128xf32>, vector<128x64xf32>, vector<2000x64xf32> -> vector<2000x64xf32>
    %add3A_25 = arith.addf %dot_general3A_19, %dot_general3A_24 : vector<2000x64xf32>
    %get3A_26 = arith.constant 0 : index
    %get3A_27 = arith.constant 0 : index
    %get3A_28 = vector.load %arg6[%get3A_26, %get3A_27] : memref<1x64xf32, #tpu.memory_space<vmem>>, vector<1x64xf32>
    %add3A_29 = vector.broadcast %get3A_28 : vector<1x64xf32> to vector<2000x64xf32>
    %add3A_30 = arith.addf %add3A_25, %add3A_29 : vector<2000x64xf32>
    %swap3A = arith.constant 0 : index
    %swap3A_31 = arith.constant 0 : index
    %swap3A_32 = vector.load %arg7[%swap3A, %swap3A_31] : memref<2000x64xf32, #tpu.memory_space<vmem>>, vector<2000x64xf32>
    tpu.vector_store %arg7[%swap3A, %swap3A_31], %add3A_30 {strides = array<i32>} : memref<2000x64xf32, #tpu.memory_space<vmem>>, vector<2000x64xf32>,
    return
  }
  func.func @transform_0(%arg0: i32) -> (i32, i32) {
    %c0_i32 = arith.constant 0 : i32
    %c0_i32_0 = arith.constant 0 : i32
    return %arg0, %c0_i32 : i32, i32
  }
  func.func @transform_1(%arg0: i32) -> (i32, i32, i32) {
    %c0_i32 = arith.constant 0 : i32
    %c0_i32_0 = arith.constant 0 : i32
    %c0_i32_1 = arith.constant 0 : i32
    return %c0_i32, %arg0, %c0_i32_0 : i32, i32, i32
  }
  func.func @transform_2(%arg0: i32) -> (i32, i32) {
    %c0_i32 = arith.constant 0 : i32
    %c0_i32_0 = arith.constant 0 : i32
    return %arg0, %c0_i32 : i32, i32
  }
  func.func @transform_3(%arg0: i32) -> (i32, i32) {
    %c0_i32 = arith.constant 0 : i32
    %c0_i32_0 = arith.constant 0 : i32
    %c0_i32_1 = arith.constant 0 : i32
    return %c0_i32, %c0_i32_0 : i32, i32
  }
  func.func @transform_4(%arg0: i32) -> (i32, i32) {
    %c0_i32 = arith.constant 0 : i32
    %c0_i32_0 = arith.constant 0 : i32
    %c0_i32_1 = arith.constant 0 : i32
    return %c0_i32, %c0_i32_0 : i32, i32
  }
  func.func @transform_5(%arg0: i32) -> (i32, i32) {
    %c0_i32 = arith.constant 0 : i32
    %c0_i32_0 = arith.constant 0 : i32
    %c0_i32_1 = arith.constant 0 : i32
    return %c0_i32, %c0_i32_0 : i32, i32
  }
  func.func @transform_6(%arg0: i32) -> (i32, i32) {
    %c0_i32 = arith.constant 0 : i32
    %c0_i32_0 = arith.constant 0 : i32
    return %arg0, %c0_i32 : i32, i32
  }
}

</mosaic_0001>

<sc_bundles>
// kernel: kernel.11.cloned.1.call-start
scs
__scs_entry_jumppad:
0x0: {  	(pc) =	sbr.rel $0x88, $3  }
0x1: {  	(tag) =	ssettag $0x0;
	lr =	simm.s32 $0x1  }
0x2: {  	[smem:$0x3F96] =	sst lr;
	_ =	strace $0xD0000000  }
0x3: {  	_ = 	snop  }
0x4: {  	_ = 	snop  }
0x5: {  	_ = 	snop  }
0x6: {  	_ = 	snop  }
0x7: {  	_ = 	snop  }
__scs_overlays_trampoline_lowered:
0x8: {  	[smem:$0x3FA5] =	sst s0  }
0x9: {  	[smem:$0x3FA6] =	sst s1  }
0xa: {  	[smem:$0x3FA7] =	sst s2  }
0xb: {  	[smem:$0x3FA8] =	sst s3  }
0xc: {  	[smem:$0x3FA9] =	sst s4  }
0xd: {  	[smem:$0x3FAA] =	sst s5  }
0xe: {  	[smem:$0x3FAB] =	sst s6  }
0xf: {  	[smem:$0x3FAC] =	sst s7  }
0x10: {  	[smem:$0x3FAD] =	sst s8  }
0x11: {  	[smem:$0x3FAE] =	sst s9;
	s0 =	simm.s32 @!p0 $0x0  }
0x12: {  	s1 =	sld [smem:$0x3F94];
	s0 =	simm.s32 @p0 $0x1  }
0x13: {  	[smem:$0x3FAF] =	sst s0;
	s0 =	simm.s32 @!p1 $0x0  }
0x14: {  	s2 =	sld [smem:$0x3F93];
	s0 =	simm.s32 @p1 $0x1  }
0x15: {  	[smem:$0x3FB0] =	sst s0;
	s0 =	simm.s32 @!p2 $0x0  }
0x16: {  	s3 =	sld [smem:$0x3FDB];
	s0 =	simm.s32 @p2 $0x1  }
0x17: {  	s4 =	simm.s32 $0x1BF5;
	[smem:$0x3FB2] =	sst s0  }
0x18: {  	s0 =	sld [smem:$0x3F95];
	_ =	swait.ge [sflag:s4], $0x0  }
0x19: {  	s7 =	sld [smem:$0x3F96]  }
0x1a: {  	s8 =	sadd.s32 $0xFFFFE003, lr  }
0x1b: {  	s9 =	sadd.s32 $0xFFFFFEF7, lr;
	s5 =	simm.s32 $0xFFFFFFFF;
	p2 =	slt.u32 s8, $0xFFFFF086  }
0x1c: {  	p1 =	slt.u32 s9, $0xF7A;
	s5 =	simm.s32 @!p2 $0x0  }
0x1d: {  	s5 =	simm.s32 @p1 $0x1;
	p0 =	seq.s32 s7, s2  }
0x1e: {  	s7 =	smul.u32 @!p0 $0xF7A, s2;
	p2 =	seq.s32 @!p0 s5, $0x0  }
0x1f: {  	s9 =	smul.u32 $0xF7A, s1;
	s8 =	simm.s32 @!p0 $0x1BF5;
	p2 =	por !p2, p0  }
0x20: {  	[sflag:s8] =	ssyncset.s32 @!p0 $0xFFFFF086;
	s6 =	sadd.s32 @!p0 s3, s7;
	s7 =	simm.s32 @!p0 $0x108  }
0x21: {  	s3 =	sadd.s32 s3, s9;
	s6 =	sadd.s32 @!p0 $0x88, s6;
	s7 =	simm.s32 @p2 $0x1082  }
0x22: {  	[simem:s7], [sflag:s8] =	dma.local @!p0 [hbm:s6], $0xF7A  }
0x23: {  	s9 =	sor.u32 $0xD0000000, s2;
	s6 =	simm.s32 $0x108;
	_ =	swait.ge @!p0 [sflag:s8], $0x0  }
0x24: {  	s3 =	sadd.s32 $0x88, s3;
	s6 =	simm.s32 @!p1 $0x1082;
	[sflag:s4] =	ssyncset.s32 $0xFFFFF086  }
0x25: {  	[simem:s6], [sflag:s4] =	dma.local [hbm:s3], $0xF7A  }
0x26: {  	[smem:$0x3F96] =	sst s1;
	(tag) =	ssettag s2;
	_ =	strace s9  }
0x27: {  	s1 =	sld [smem:$0x3FA6]  }
0x28: {  	s2 =	sld [smem:$0x3FA7]  }
0x29: {  	s4 =	sld [smem:$0x3FA9]  }
0x2a: {  	p0 =	seq.s32 s5, $0x0;
	s5 =	sld [smem:$0x3FAA]  }
0x2b: {  	s6 =	sld [smem:$0x3FAB]  }
0x2c: {  	s7 =	sld [smem:$0x3FAC]  }
0x2d: {  	s3 =	simm.s32 $0x108;
	s8 =	sld [smem:$0x3FAD]  }
0x2e: {  	s3 =	simm.s32 @!p0 $0x1082;
	s9 =	sld [smem:$0x3FAE]  }
0x2f: {  	lr =	sadd.s32 s0, s3;
	s0 =	sld [smem:$0x3FA5]  }
0x30: {  	s3 =	sld [smem:$0x3FA8]  }
0x31: {  	[smem:$0x3FB1] =	sst s10  }
0x32: {  	s10 =	sld [smem:$0x3FAF];
	_ =	sdelay $0x3  }
0x33: {  	p0 =	seq.s32 s10, $0x1;
	s10 =	sld [smem:$0x3FB1];
	_ =	sdelay $0x3  }
0x34: {  	[smem:$0x3FB1] =	sst s10  }
0x35: {  	s10 =	sld [smem:$0x3FB0];
	_ =	sdelay $0x3  }
0x36: {  	p1 =	seq.s32 s10, $0x1;
	s10 =	sld [smem:$0x3FB1];
	_ =	sdelay $0x3  }
0x37: {  	[smem:$0x3FB1] =	sst s10  }
0x38: {  	s10 =	sld [smem:$0x3FB2]  }
0x39: {  	_ = 	snop;
	(pc) =	sbr.ind lr, $3  }
0x3a: {  	_ = 	snop  }
0x3b: {  	_ = 	snop  }
0x3c: {  	p2 =	seq.s32 s10, $0x1;
	s10 =	sld [smem:$0x3FB1]  }
0x3d: {  	_ =	shalt  }
0x3e: {  	_ =	shalt  }
0x3f: {  	_ =	shalt  }
0x40: {  	_ =	shalt  }
0x41: {  	_ =	shalt  }
0x42: {  	_ =	shalt  }
0x43: {  	_ =	shalt  }
0x44: {  	_ =	shalt  }
0x45: {  	_ =	shalt  }
0x46: {  	_ =	shalt  }
0x47: {  	_ =	shalt  }
0x48: {  	_ =	shalt  }
0x49: {  	_ =	shalt  }
0x4a: {  	_ =	shalt  }
0x4b: {  	_ =	shalt  }
0x4c: {  	_ =	shalt  }
0x4d: {  	_ =	shalt  }
0x4e: {  	_ =	shalt  }
0x4f: {  	_ =	shalt  }
0x50: {  	_ =	shalt  }
0x51: {  	_ =	shalt  }
0x52: {  	_ =	shalt  }
0x53: {  	_ =	shalt  }
0x54: {  	_ =	shalt  }
0x55: {  	_ =	shalt  }
0x56: {  	_ =	shalt  }
0x57: {  	_ =	shalt  }
0x58: {  	_ =	shalt  }
0x59: {  	_ =	shalt  }
0x5a: {  	_ =	shalt  }
0x5b: {  	_ =	shalt  }
0x5c: {  	_ =	shalt  }
0x5d: {  	_ =	shalt  }
0x5e: {  	_ =	shalt  }
0x5f: {  	_ =	shalt  }
0x60: {  	_ =	shalt  }
0x61: {  	_ =	shalt  }
0x62: {  	_ =	shalt  }
0x63: {  	_ =	shalt  }
0x64: {  	_ =	shalt  }
0x65: {  	_ =	shalt  }
0x66: {  	_ =	shalt  }
0x67: {  	_ =	shalt  }
0x68: {  	_ =	shalt  }
0x69: {  	_ =	shalt  }
0x6a: {  	_ =	shalt  }
0x6b: {  	_ =	shalt  }
0x6c: {  	_ =	shalt  }
0x6d: {  	_ =	shalt  }
0x6e: {  	_ =	shalt  }
0x6f: {  	_ =	shalt  }
0x70: {  	_ =	shalt  }
0x71: {  	_ =	shalt  }
0x72: {  	_ =	shalt  }
0x73: {  	_ =	shalt  }
0x74: {  	_ =	shalt  }
0x75: {  	_ =	shalt  }
0x76: {  	_ =	shalt  }
0x77: {  	_ =	shalt  }
0x78: {  	_ =	shalt  }
0x79: {  	_ =	shalt  }
0x7a: {  	_ =	shalt  }
0x7b: {  	_ =	shalt  }
0x7c: {  	_ =	shalt  }
0x7d: {  	_ =	shalt  }
0x7e: {  	_ =	shalt  }
0x7f: {  	_ =	shalt  }
0x80: {  	_ =	shalt  }
0x81: {  	_ =	shalt  }
0x82: {  	_ =	shalt  }
0x83: {  	_ =	shalt  }
0x84: {  	_ =	shalt  }
0x85: {  	_ =	shalt  }
0x86: {  	_ =	shalt  }
0x87: {  	_ =	shalt  }
.Lfunc_end0:
.L_simem_size_0:
called_computation.1_lowered:
.L_overlay_start_0:
0x88: {  	s2 =	sld [smem:$0x3FD9]  }
0x89: {  	s3 =	sld [smem:$0x3FFE];
	_ =	sdelay $0x1  }
0x8a: {  	s1 =	srdreg.scid  }
0x8b: {  	s0 =	sand.u32 $0x1, s1  }
0x8c: {  	s17 =	sshll.u32 s0, $0xA;
	s2 =	sadd.s32 s3, s2  }
0x8d: {  	s2 =	sadd.s32 s2, s17  }
0x8e: {  	[smem:$0x3FBD] =	sst s2  }
0x8f: {  	_ = 	snop  }
0x90: {  	s2 =	sld [smem:$0x3FD0];
	(tm) =	ssettm $0x1  }
0x91: {  	s18 =	sld [smem:$0x3FFB];
	_ =	sdelay $0x3  }
0x92: {  	_ =	strace s18  }
0x93: {  	s3 =	sld [smem:$0x3FFC];
	_ =	sdelay $0x3  }
0x94: {  	_ =	strace s3  }
0x95: {  	s3 =	sld [smem:$0x3FFD];
	_ =	sdelay $0x3  }
0x96: {  	_ =	strace s3  }
0x97: {  	_ =	strace $0x8FFFFFFF  }
0x98: {  	s19 =	sld [smem:$0x3FDB];
	_ =	sdelay $0x1  }
0x99: {  	s4 =	simm.s32 $_scs_section_size  }
0x9a: {  	s5 =	simm.s32 $_size__tile_overlayer_lowered;
	s6 =	simm.s32 $_tile_overlayer_lowered  }
0x9b: {  	s22 =	simm.s32 $0x1BFF;
	s21 =	sshll.u32 s6, $0x1;
	s3 =	sadd.s32 s4, s19  }
0x9c: {  	s7 =	simm.s32 $0x0;
	s20 =	sshll.u32 s5, $0x1;
	s5 =	sadd.s32 s21, s3  }
0x9d: {  	[timem:s7], [sflag:s22] =	dma.local [hbm:s5], s20  }
0x9e: {  	_ =	swait.ge [sflag:s22], s20  }
0x9f: {  	s4 =	ssub.s32 $0x0, s20;
	[sflag:s22] =	ssyncset.done $0x0  }
0xa0: {  	[sflag:s22] =	ssyncadd.s32 s4;
	_ =	sdelay $0x1  }
0xa1: {  	s23 =	simm.s32 $0x1B8B  }
0xa2: {  	_ =	swait.ge [sflag:s23], $0x1  }
0xa3: {  	[sflag:s23] =	ssyncset.done $0x0  }
0xa4: {  	s25 =	simm.s32 $0x1B8E;
	s24 =	sld [smem:$0x3FFE];
	[sflag:s23] =	ssyncadd.s32 $0xFFFFFFFF  }
0xa5: {  	s26 =	simm.s32 $execute0_lowered;
	[smem:$0x3FD2] =	sst s25  }
0xa6: {  	s5 =	sshll.u32 s26, $0x1;
	_ =	strace $0x80000049;
	[dreg:$0x1] =	wrdreg $0xFFFFFFFF  }
0xa7: {  	s28 =	simm.s32 $_size_execute0_lowered;
	s3 =	sadd.s32 s3, s5;
	[dreg:$0x0] =	wrdreg $0x0  }
0xa8: {  	s5 =	sshll.u32 s28, $0x1;
	[dreg:$0x2] =	wrdreg s3  }
0xa9: {  	[dreg:$0x3] =	wrdreg s5  }
0xaa: {  	[dreg:$0x4] =	wrdreg $0xC0  }
0xab: {  	_ =	task [dreg:s7], $0x5FFFF  }
0xac: {  	[dreg:$0x1] =	wrdreg $0xFFFFFFFF  }
0xad: {  	[dreg:$0x0] =	wrdreg $0x60  }
0xae: {  	[dreg:$0x2] =	wrdreg s24  }
0xaf: {  	[dreg:$0x3] =	wrdreg s2  }
0xb0: {  	[dreg:$0x4] =	wrdreg $0xB9800  }
0xb1: {  	[dreg:$0x5] =	wrdreg $0x9  }
0xb2: {  	_ =	task.clear_ibuf [dreg:s7], $0x6FFFF;
	_ =	strace $0x90000049  }
0xb3: {  	s29 =	simm.s32 $0x9;
	_ =	strace $0x8000004B  }
0xb4: {  	_ =	swait.ge [sflag:s29], $0x1  }
0xb5: {  	[sflag:s29] =	ssyncadd.s32 $0xFFFFFFFF  }
0xb6: {  	_ =	strace $0x9000004B  }
0xb7: {  	_ =	sfence  }
0xb8: {  	s30 =	sld [smem:$0x0];
	_ =	sdelay $0x2  }
0xb9: {  	s31 =	sshll.u32 s1, $0xD;
	s1 =	sshrl.u32 s1, $0x2  }
0xba: {  	s3 =	sand.u32 $0x4000, s31;
	s1 =	sadd.s32 s1, s30  }
0xbb: {  	s0 =	sor.u32 s3, s0;
	s1 =	sshll.u32 s1, $0x11  }
0xbc: {  	s0 =	sor.u32 s1, s0  }
0xbd: {  	s0 =	sadd.s32 $0x8F2B, s0  }
0xbe: {  	[sflag:s0] =	ssyncadd.remote.s32 $0x1  }
0xbf: {  	_ =	sfence.sel $0xFFFF  }
0xc0: {  	[dreg:$0x0] =	wrdreg $0xFFFFFFFF;
	(pc) =	sbr.abs _section_cstart, $3  }
0xc1: {  	[dreg:$0x1] =	wrdreg $0xFFFFFFFF  }
0xc2: {  	_ =	task.clear_ibuf [dreg:s7], $0x2FFFF;
	_ =	strace $0x9FFFFFFF  }
0xc3: {  	(tm) =	ssettm $0x7FFFFFFF  }
tec
execute0_lowered:
.L_overlay_start_1:
0x0: {  	(tag) =	ssettag $0x1  }
0x1: {  	s0 =	rddreg [dreg:$0x0]  }
0x2: {  	s1 =	rddreg [dreg:$0x1];
	s3 =	srdreg.scid  }
0x3: {  	s2 =	rddreg [dreg:$0x2];
	s12 =	stileid.u32;
	s28 =	simm.s32 $0x2  }
0x4: {  	s29 =	simm.s32 $0x50;
	s30 =	simm.s32 $0x4100;
	s6 =	smul.u32 $0x14000, s12  }
0x5: {  	s31 =	simm.s32 $0x3;
	s7 =	sand.u32 $0x1, s3;
	s8 =	smul.u32 $0x50000, s12  }
0x6: {  	s3 =	simm.s32 $0x0;
	s4 =	sadd.s32 $0xC800, s0;
	s18 =	smul.u32 $0x4E20, s12  }
0x7: {  	s9 =	sshll.u32 s12, $0x1;
	s12 =	simm.s32 $0x7;
	s5 =	smul.u32 $0x140000, s7  }
0x8: {  	[smem:$0x7FF] =	sst s3;
	s13 =	ssub.s32 $0x2, s7;
	s9 =	sor.u32 s7, s9  }
0x9: {  	s7 =	smul.u32 $0x2710, s7;
	_ =	strace $0x8000004A;
	s10 =	sshrl.u32 s13, $0x1  }
0xa: {  	s8 =	sshrl.u32 s8, $0x2;
	s11 =	sshll.u32 s9, $0xB;
	s14 =	smul.u32 $0x2710, s9  }
0xb: {  	s9 =	simm.s32 $0x9180;
	s6 =	sadd.s32 s6, s5;
	s5 =	sadd.s32 $0x2A00, s0  }
0xc: {  	s10 =	ssub.s32 s13, s10;
	s1 =	sadd.s32 s1, s11;
	s11 =	simm.s32 $0x9  }
0xd: {  	s13 =	simm.s32 $0xA;
	s6 =	sshrl.u32 s6, $0x3;
	[dreg:$0x4] =	wrdreg s1  }
0xe: {  	s1 =	sadd.s32 s7, s18;
	s24 =	smax.u32 s10, $0x1;
	s0 =	sadd.s32 s6, s0  }
0xf: {  	s6 =	sadd.s32 s8, s2;
	[dreg:$0xf] =	wrdreg s24;
	s26 =	sadd.s32 $0xF0, s1  }
0x10: {  	s10 =	simm.s32 $0x6;
	s15 =	sadd.s32 $0x2800, s6;
	[dreg:$0x12] =	wrdreg s26  }
0x11: {  	s8 =	sshrl.u32 s14, $0x3;
	s16 =	sadd.s32 $0x5000, s6;
	[dreg:$0x5] =	wrdreg s15  }
0x12: {  	s23 =	sadd.s32 $0xA0, s1;
	s17 =	sadd.s32 $0x7800, s6;
	[dreg:$0x6] =	wrdreg s16  }
0x13: {  	s7 =	sadd.s32 $0x140, s1;
	s19 =	sadd.s32 $0xA000, s6;
	[dreg:$0x7] =	wrdreg s17  }
0x14: {  	s24 =	simm.s32 $0x1;
	s20 =	sadd.s32 $0xC800, s6;
	[dreg:$0x8] =	wrdreg s19  }
0x15: {  	s1 =	simm.s32 $0x5;
	s21 =	sadd.s32 $0xF000, s6;
	[dreg:$0x9] =	wrdreg s20  }
0x16: {  	s8 =	sadd.s32 s5, s8;
	s22 =	sadd.s32 $0x11800, s6;
	[dreg:$0xa] =	wrdreg s21  }
0x17: {  	s0 =	sadd.s32 $0x33A00, s0;
	s7 =	sshrl.u32 s7, $0x3;
	[dreg:$0xc] =	wrdreg s22  }
0x18: {  	s26 =	simm.s32 $0x4080;
	[dreg:$0xb] =	wrdreg s8;
	s8 =	sadd.s32 $0xA, s8  }
.Ltmp0:
0x19: {  	[dreg:$0xe] =	wrdreg s0;
	s0 =	sshrl.u32 s23, $0x3;
	(pc) =	sbr.rel .LBB2_1-.Ltmp0, $4  }
0x1a: {  	s25 =	sadd.s32 s7, s5;
	s22 =	simm.s32 $0x4180;
	s23 =	simm.s32 $0xB  }
0x1b: {  	s7 =	simm.s32 $0x8;
	s15 =	simm.s32 $0x0;
	[dreg:$0xd] =	wrdreg s8  }
0x1c: {  	s0 =	sadd.s32 s0, s5;
	[dreg:$0x11] =	wrdreg s25;
	s25 =	simm.s32 $0x4000  }
0x1d: {  	v0 =	vimm.f32 $0.0e+00;
	s8 =	simm.s32 $0x4;
	[dreg:$0x10] =	wrdreg s0;
	s0 =	simm.s32 $0x6980  }
.LBB2_9:
0x1e: {  	_ =	swait.ge [sflag:s31], $0x50  }
0x1f: {  	[sflag:s31] =	ssyncset.done $0x0  }
0x20: {  	[sflag:s31] =	ssyncadd.s32 $0xFFFFFFB0  }
0x21: {  	[tilespmem:s0], [sflag:$0x6] =	stream.indirect.gather [hbm4b:s4+s29], $0x80, s26, s29, $0xb8;
	[tilespmem:$0x1F980] =	vst v63  }
0x22: {  	_ =	swait.ge [sflag:s1], $0x2800  }
0x23: {  	[sflag:s1] =	ssyncset.done $0x0  }
0x24: {  	s14 =	simm.s32 $0x3D80;
	[sflag:s1] =	ssyncadd.s32 $0xFFFFD800  }
0x25: {  	[spmem:s2] =	stream.indirect.scatter.add.f32 [tilespmem:s22], [sflag:$0x8], $0x80, s14, s29, $0xb8;
	[tilespmem:$0x1F980] =	vst v63  }
0x26: {  	_ =	swait.ge [sflag:s10], $0x2800  }
0x27: {  	[sflag:s10] =	ssyncset.done $0x0  }
0x28: {  	s19 =	simm.s32 $0x3E00;
	[sflag:s10] =	ssyncadd.s32 $0xFFFFD800  }
0x29: {  	[spmem:s2] =	stream.indirect.scatter.add.f32 [tilespmem:s0], [sflag:$0x9], $0x80, s19, s29, $0xb8;
	[tilespmem:$0x1F980] =	vst v63  }
0x2a: {  	_ =	swait.ge [sflag:s13], $0x2800  }
0x2b: {  	[sflag:s13] =	ssyncset.done $0x0  }
0x2c: {  	[sflag:s13] =	ssyncadd.s32 $0xFFFFD800  }
0x2d: {  	_ =	swait.ge [sflag:s7], $0x2800  }
0x2e: {  	[sflag:s7] =	ssyncset.done $0x0  }
0x2f: {  	[sflag:s7] =	ssyncadd.s32 $0xFFFFD800  }
0x30: {  	_ =	swait.ge [sflag:s11], $0x2800  }
0x31: {  	[sflag:s11] =	ssyncset.done $0x0  }
0x32: {  	s20 =	stileid.u32;
	[sflag:s11] =	ssyncadd.s32 $0xFFFFD800  }
0x33: {  	s14 =	sshll.u32 s20, $0x6;
	[bflag:$0x0] =	sbarrier.arrive $0xFFFF  }
0x34: {  	s16 =	sshrl.u32 s6, $0x3;
	s14 =	sor.u32 $0x1C0B, s14;
	s17 =	rddreg [dreg:$0xe]  }
0x35: {  	[hbm:s17], [sflag:s14] =	dma.local [spmem:s16], $0x2800  }
0x36: {  	_ =	swait.ge [sflag:s23], $0x2800  }
0x37: {  	s15 =	sadd.s32 $0x1, s15;
	s21 =	rddreg [dreg:$0xf]  }
0x38: {  	p0 =	sne.s32 s15, s21  }
.Ltmp1:
0x39: {  	_ = 	snop;
	(pc) =	sbr.rel @!p0 .LBB2_10-.Ltmp1, $3  }
0x3a: {  	_ =	sdelay $0x1  }
0x3b: {  	[sflag:s23] =	ssyncset.done $0x0  }
0x3c: {  	[sflag:s23] =	ssyncadd.s32 $0xFFFFD800  }
.LBB2_1:
0x3d: {  	s14 =	rddreg [dreg:$0x4];
	s16 =	sand.u32 $0xFE00, s3  }
0x3e: {  	[tilespmem:s3], [sflag:$0x1] =	stream.linear.gather [hbm4b:s14+s3], $0x3E80, $0x38;
	[tilespmem:$0x1F980] =	vst v63  }
0x3f: {  	s18 =	sand.u32 $0x70, s3;
	s19 =	sshrl.u32 s16, $0x2  }
0x40: {  	s16 =	simm.s32 $0x40;
	s19 =	sor.u32 s18, s19;
	s18 =	simm.s32 $0x0  }
.LBB2_2:
0x41: {  	p0 =	sne.s32 s16, $0x9FC0  }
0x42: {  	[tilespmem:s19+$0x4180] =	vst v0;
	s18 =	sadd.s32 $0x10, s18;
	s19 =	smov.u32 s16;
	s16 =	sadd.s32 $0x40, s16  }
.Ltmp2:
0x43: {  	(pc) =	sbr.rel @p0 .LBB2_2-.Ltmp2, $4  }
0x44: {  	_ = 	snop  }
0x45: {  	s19 =	sand.u32 $0xFE00, s19  }
0x46: {  	s20 =	sand.u32 $0x70, s18;
	s19 =	sshrl.u32 s19, $0x2  }
0x47: {  	s19 =	sor.u32 s20, s19  }
0x48: {  	[tilespmem:s19+$0x4180] =	vst v0  }
0x49: {  	[spmem:s6] =	stream.linear.scatter [tilespmem:s22], [sflag:$0xB], $0x2800, $0x38;
	[tilespmem:$0x1F980] =	vst v63  }
0x4a: {  	_ =	swait.ge [sflag:s23], $0x2800  }
0x4b: {  	[sflag:s23] =	ssyncset.done $0x0  }
0x4c: {  	s14 =	rddreg [dreg:$0x5];
	[sflag:s23] =	ssyncadd.s32 $0xFFFFD800  }
0x4d: {  	[spmem:s14] =	stream.linear.scatter [tilespmem:s22], [sflag:$0xB], $0x2800, $0x38;
	[tilespmem:$0x1F980] =	vst v63  }
0x4e: {  	_ =	swait.ge [sflag:s23], $0x2800  }
0x4f: {  	[sflag:s23] =	ssyncset.done $0x0  }
0x50: {  	s20 =	rddreg [dreg:$0x6];
	[sflag:s23] =	ssyncadd.s32 $0xFFFFD800  }
0x51: {  	[spmem:s20] =	stream.linear.scatter [tilespmem:s22], [sflag:$0xB], $0x2800, $0x38;
	[tilespmem:$0x1F980] =	vst v63  }
0x52: {  	_ =	swait.ge [sflag:s23], $0x2800  }
0x53: {  	[sflag:s23] =	ssyncset.done $0x0  }
0x54: {  	s21 =	rddreg [dreg:$0x7];
	[sflag:s23] =	ssyncadd.s32 $0xFFFFD800  }
0x55: {  	[spmem:s21] =	stream.linear.scatter [tilespmem:s22], [sflag:$0xB], $0x2800, $0x38;
	[tilespmem:$0x1F980] =	vst v63  }
0x56: {  	_ =	swait.ge [sflag:s23], $0x2800  }
0x57: {  	[sflag:s23] =	ssyncset.done $0x0  }
0x58: {  	s16 =	rddreg [dreg:$0x8];
	[sflag:s23] =	ssyncadd.s32 $0xFFFFD800  }
0x59: {  	[spmem:s16] =	stream.linear.scatter [tilespmem:s22], [sflag:$0xB], $0x2800, $0x38;
	[tilespmem:$0x1F980] =	vst v63  }
0x5a: {  	_ =	swait.ge [sflag:s23], $0x2800  }
0x5b: {  	[sflag:s23] =	ssyncset.done $0x0  }
0x5c: {  	s17 =	rddreg [dreg:$0x9];
	[sflag:s23] =	ssyncadd.s32 $0xFFFFD800  }
0x5d: {  	[spmem:s17] =	stream.linear.scatter [tilespmem:s22], [sflag:$0xB], $0x2800, $0x38;
	[tilespmem:$0x1F980] =	vst v63  }
0x5e: {  	_ =	swait.ge [sflag:s23], $0x2800  }
0x5f: {  	[sflag:s23] =	ssyncset.done $0x0  }
0x60: {  	s18 =	rddreg [dreg:$0xa];
	[sflag:s23] =	ssyncadd.s32 $0xFFFFD800  }
0x61: {  	[spmem:s18] =	stream.linear.scatter [tilespmem:s22], [sflag:$0xB], $0x2800, $0x38;
	[tilespmem:$0x1F980] =	vst v63  }
0x62: {  	_ =	swait.ge [sflag:s23], $0x2800  }
0x63: {  	[sflag:s23] =	ssyncset.done $0x0  }
0x64: {  	s19 =	rddreg [dreg:$0xc];
	[sflag:s23] =	ssyncadd.s32 $0xFFFFD800  }
0x65: {  	[spmem:s19] =	stream.linear.scatter [tilespmem:s22], [sflag:$0xB], $0x2800, $0x38;
	[tilespmem:$0x1F980] =	vst v63  }
0x66: {  	_ =	swait.ge [sflag:s23], $0x2800  }
0x67: {  	[sflag:s23] =	ssyncset.done $0x0  }
0x68: {  	[sflag:s23] =	ssyncadd.s32 $0xFFFFD800  }
0x69: {  	_ =	swait.ge [sflag:s24], $0x3E80  }
0x6a: {  	[sflag:s24] =	ssyncset.done $0x0  }
0x6b: {  	[sflag:s24] =	ssyncadd.s32 $0xFFFFC180  }
0x6c: {  	[bflag:$0x0] =	sbarrier.arrive $0xFFFF  }
0x6d: {  	s16 =	simm.s32 $0x0;
	s20 =	rddreg [dreg:$0xb]  }
0x6e: {  	[tilespmem:s25], [sflag:$0x2] =	stream.linear.gather [hbm4b:s20+s16], $0x50, $0x38;
	[tilespmem:$0x1F980] =	vst v63  }
0x6f: {  	s21 =	rddreg [dreg:$0xd]  }
0x70: {  	[tilespmem:s26], [sflag:$0x3] =	stream.linear.gather [hbm4b:s21+s16], $0x50, $0x38;
	[tilespmem:$0x1F980] =	vst v63  }
.Ltmp3:
0x71: {  	_ =	swait.ge [sflag:s28], $0x50;
	(pc) =	sbr.rel .LBB2_4-.Ltmp3, $4  }
0x72: {  	s21 =	rddreg [dreg:$0x12]  }
0x73: {  	[sflag:s28] =	ssyncset.done $0x0;
	s20 =	rddreg [dreg:$0x11]  }
0x74: {  	s18 =	simm.s32 $0x0;
	s19 =	rddreg [dreg:$0x10];
	[sflag:s28] =	ssyncadd.s32 $0xFFFFFFB0  }
0x75: {  	[tilespmem:s22], [sflag:$0x5] =	stream.indirect.gather [hbm4b:s4+s29], $0x80, s25, s29, $0xb8;
	[tilespmem:$0x1F980] =	vst v63  }
.LBB2_7:
0x76: {  	[tilespmem:s30], [sflag:$0x4] =	stream.linear.gather [hbm4b:s19+s3], $0x50, $0x38;
	[tilespmem:$0x1F980] =	vst v63  }
.LBB2_8:
0x77: {  	_ =	swait.ge [sflag:s31], $0x50  }
0x78: {  	[sflag:s31] =	ssyncset.done $0x0  }
0x79: {  	[sflag:s31] =	ssyncadd.s32 $0xFFFFFFB0  }
0x7a: {  	[tilespmem:s0], [sflag:$0x6] =	stream.indirect.gather [hbm4b:s4+s29], $0x80, s26, s29, $0xb8;
	[tilespmem:$0x1F980] =	vst v63  }
0x7b: {  	_ =	swait.ge [sflag:s1], $0x2800  }
0x7c: {  	[sflag:s1] =	ssyncset.done $0x0  }
0x7d: {  	s14 =	sshra.s32 s16, $0x2;
	[sflag:s1] =	ssyncadd.s32 $0xFFFFD800  }
0x7e: {  	[spmem:s2] =	stream.indirect.scatter.add.f32 [tilespmem:s22], [sflag:$0x8], $0x80, s14, s29, $0xb8;
	[tilespmem:$0x1F980] =	vst v63  }
0x7f: {  	_ =	swait.ge [sflag:s7], $0x2800  }
0x80: {  	s17 =	sshrl.u32 s21, $0x3;
	[sflag:s7] =	ssyncset.done $0x0  }
0x81: {  	s17 =	sadd.s32 s5, s17;
	[sflag:s7] =	ssyncadd.s32 $0xFFFFD800  }
0x82: {  	[tilespmem:s25], [sflag:$0x2] =	stream.linear.gather [hbm4b:s17+s3], $0x50, $0x38;
	[tilespmem:$0x1F980] =	vst v63  }
0x83: {  	_ =	swait.ge [sflag:s8], $0x50  }
0x84: {  	[sflag:s8] =	ssyncset.done $0x0  }
0x85: {  	[sflag:s8] =	ssyncadd.s32 $0xFFFFFFB0  }
0x86: {  	[tilespmem:s9], [sflag:$0x7] =	stream.indirect.gather [hbm4b:s4+s29], $0x80, s30, s29, $0xb8;
	[tilespmem:$0x1F980] =	vst v63  }
0x87: {  	_ =	swait.ge [sflag:s10], $0x2800  }
0x88: {  	[sflag:s10] =	ssyncset.done $0x0  }
0x89: {  	s17 =	sadd.s32 $0x80, s14;
	[sflag:s10] =	ssyncadd.s32 $0xFFFFD800  }
0x8a: {  	[spmem:s2] =	stream.indirect.scatter.add.f32 [tilespmem:s0], [sflag:$0x9], $0x80, s17, s29, $0xb8;
	[tilespmem:$0x1F980] =	vst v63  }
0x8b: {  	_ =	swait.ge [sflag:s11], $0x2800  }
0x8c: {  	[sflag:s11] =	ssyncset.done $0x0  }
0x8d: {  	[sflag:s11] =	ssyncadd.s32 $0xFFFFD800  }
0x8e: {  	[tilespmem:s26], [sflag:$0x3] =	stream.linear.gather [hbm4b:s20+s3], $0x50, $0x38;
	[tilespmem:$0x1F980] =	vst v63  }
0x8f: {  	_ =	swait.ge [sflag:s28], $0x50  }
0x90: {  	s16 =	sadd.s32 $0x600, s16;
	[sflag:s28] =	ssyncset.done $0x0  }
0x91: {  	p0 =	sne.s32 s16, $0xF600;
	[sflag:s28] =	ssyncadd.s32 $0xFFFFFFB0  }
0x92: {  	[tilespmem:s22], [sflag:$0x5] =	stream.indirect.gather [hbm4b:s4+s29], $0x80, s25, s29, $0xb8;
	[tilespmem:$0x1F980] =	vst v63  }
.Ltmp4:
0x93: {  	_ = 	snop;
	(pc) =	sbr.rel @!p0 .LBB2_9-.Ltmp4, $4  }
0x94: {  	s18 =	sadd.s32 $0x1, s18;
	_ =	swait.ge [sflag:s12], $0x2800  }
0x95: {  	s19 =	sadd.s32 $0x1E, s19;
	s21 =	sadd.s32 $0xF0, s21;
	[sflag:s12] =	ssyncset.done $0x0  }
0x96: {  	s14 =	sadd.s32 $0x100, s14;
	s20 =	sadd.s32 $0x1E, s20;
	[sflag:s12] =	ssyncadd.s32 $0xFFFFD800  }
0x97: {  	[spmem:s2] =	stream.indirect.scatter.add.f32 [tilespmem:s9], [sflag:$0xA], $0x80, s14, s29, $0xb8;
	[tilespmem:$0x1F980] =	vst v63  }
.LBB2_4:
0x98: {  	p0 =	seq.s32 s18, $0x0  }
.Ltmp5:
0x99: {  	_ = 	snop;
	(pc) =	sbr.rel @p0 .LBB2_7-.Ltmp5, $1  }
0x9a: {  	_ =	sdelay $0x3  }
0x9b: {  	p0 =	seq.s32 s18, $0x29  }
.Ltmp6:
0x9c: {  	_ = 	snop;
	(pc) =	sbr.rel @p0 .LBB2_8-.Ltmp6, $1  }
0x9d: {  	_ =	sdelay $0x3  }
.Ltmp7:
0x9e: {  	(pc) =	sbr.rel .LBB2_7-.Ltmp7, $4  }
0x9f: {  	_ = 	snop  }
0xa0: {  	_ =	swait.ge [sflag:s13], $0x2800  }
0xa1: {  	[sflag:s13] =	ssyncset.done $0x0  }
0xa2: {  	[sflag:s13] =	ssyncadd.s32 $0xFFFFD800  }
.LBB2_10:
0xa3: {  	_ =	sfence.sel $0x180000  }
0xa4: {  	[bflag:$0x0] =	sbarrier.arrive $0xFFFF  }
0xa5: {  	_ =	strace $0x9000004A  }
0xa6: {  	s0 =	stileid.u32;
	[bflag:$0x2] =	sbarrier.arrive $0xFFFF  }
0xa7: {  	p0 =	sne.s32 s0, $0x0;
	s0 =	rddreg [dreg:$0x3]  }
0xa8: {  	s0 =	sadd.s32 @!p0 $0x100000, s0  }
0xa9: {  	[sflag:s0] =	ssyncadd.tile.s32 @!p0 $0x1;
	_ =	shalt  }
.Lfunc_end2:
_tile_overlayer_lowered:
.L_overlay_start_2:
0xaa: {  	(tag) =	ssettag $0x2  }
0xab: {  	s0 =	rddreg [dreg:$0x0];
	s2 =	stileid.u32  }
0xac: {  	s1 =	rddreg [dreg:$0x1];
	p0 =	sne.s32 s2, $0x0  }
0xad: {  	s3 =	rddreg [dreg:$0x2];
	[bflag:$0x3] =	sbarrier.arrive $0xFFFF;
	s2 =	simm.s32 @!p0 $0x1C0B  }
0xae: {  	[timem:s3], [sflag:s2] =	dma.local @!p0 [hbm:s0], s1  }
0xaf: {  	s0 =	simm.s32 @!p0 $0xB  }
0xb0: {  	_ =	swait.ge @!p0 [sflag:s0], s1  }
0xb1: {  	s1 =	ssub.s32 @!p0 $0x0, s1;
	[sflag:s0] =	ssyncset.done @!p0 $0x0  }
0xb2: {  	[sflag:s0] =	ssyncadd.s32 @!p0 s1  }
0xb3: {  	[bflag:$0x3] =	sbarrier.arrive $0xFFFF  }
0xb4: {  	_ =	shalt  }

// kernel: kernel.14.cloned.1.call-start
scs
__scs_entry_jumppad:
0x0: {  	(pc) =	sbr.rel $0x88, $3  }
0x1: {  	(tag) =	ssettag $0x0;
	lr =	simm.s32 $0x1  }
0x2: {  	[smem:$0x3F96] =	sst lr;
	_ =	strace $0xD0000000  }
0x3: {  	_ = 	snop  }
0x4: {  	_ = 	snop  }
0x5: {  	_ = 	snop  }
0x6: {  	_ = 	snop  }
0x7: {  	_ = 	snop  }
__scs_overlays_trampoline_lowered:
0x8: {  	[smem:$0x3FA5] =	sst s0  }
0x9: {  	[smem:$0x3FA6] =	sst s1  }
0xa: {  	[smem:$0x3FA7] =	sst s2  }
0xb: {  	[smem:$0x3FA8] =	sst s3  }
0xc: {  	[smem:$0x3FA9] =	sst s4  }
0xd: {  	[smem:$0x3FAA] =	sst s5  }
0xe: {  	[smem:$0x3FAB] =	sst s6  }
0xf: {  	[smem:$0x3FAC] =	sst s7  }
0x10: {  	[smem:$0x3FAD] =	sst s8  }
0x11: {  	[smem:$0x3FAE] =	sst s9;
	s0 =	simm.s32 @!p0 $0x0  }
0x12: {  	s1 =	sld [smem:$0x3F94];
	s0 =	simm.s32 @p0 $0x1  }
0x13: {  	[smem:$0x3FAF] =	sst s0;
	s0 =	simm.s32 @!p1 $0x0  }
0x14: {  	s2 =	sld [smem:$0x3F93];
	s0 =	simm.s32 @p1 $0x1  }
0x15: {  	[smem:$0x3FB0] =	sst s0;
	s0 =	simm.s32 @!p2 $0x0  }
0x16: {  	s3 =	sld [smem:$0x3FDB];
	s0 =	simm.s32 @p2 $0x1  }
0x17: {  	s4 =	simm.s32 $0x1BF5;
	[smem:$0x3FB2] =	sst s0  }
0x18: {  	s0 =	sld [smem:$0x3F95];
	_ =	swait.ge [sflag:s4], $0x0  }
0x19: {  	s7 =	sld [smem:$0x3F96]  }
0x1a: {  	s8 =	sadd.s32 $0xFFFFE003, lr  }
0x1b: {  	s9 =	sadd.s32 $0xFFFFFEF7, lr;
	s5 =	simm.s32 $0xFFFFFFFF;
	p2 =	slt.u32 s8, $0xFFFFF086  }
0x1c: {  	p1 =	slt.u32 s9, $0xF7A;
	s5 =	simm.s32 @!p2 $0x0  }
0x1d: {  	s5 =	simm.s32 @p1 $0x1;
	p0 =	seq.s32 s7, s2  }
0x1e: {  	s7 =	smul.u32 @!p0 $0xF7A, s2;
	p2 =	seq.s32 @!p0 s5, $0x0  }
0x1f: {  	s9 =	smul.u32 $0xF7A, s1;
	s8 =	simm.s32 @!p0 $0x1BF5;
	p2 =	por !p2, p0  }
0x20: {  	[sflag:s8] =	ssyncset.s32 @!p0 $0xFFFFF086;
	s6 =	sadd.s32 @!p0 s3, s7;
	s7 =	simm.s32 @!p0 $0x108  }
0x21: {  	s3 =	sadd.s32 s3, s9;
	s6 =	sadd.s32 @!p0 $0x88, s6;
	s7 =	simm.s32 @p2 $0x1082  }
0x22: {  	[simem:s7], [sflag:s8] =	dma.local @!p0 [hbm:s6], $0xF7A  }
0x23: {  	s9 =	sor.u32 $0xD0000000, s2;
	s6 =	simm.s32 $0x108;
	_ =	swait.ge @!p0 [sflag:s8], $0x0  }
0x24: {  	s3 =	sadd.s32 $0x88, s3;
	s6 =	simm.s32 @!p1 $0x1082;
	[sflag:s4] =	ssyncset.s32 $0xFFFFF086  }
0x25: {  	[simem:s6], [sflag:s4] =	dma.local [hbm:s3], $0xF7A  }
0x26: {  	[smem:$0x3F96] =	sst s1;
	(tag) =	ssettag s2;
	_ =	strace s9  }
0x27: {  	s1 =	sld [smem:$0x3FA6]  }
0x28: {  	s2 =	sld [smem:$0x3FA7]  }
0x29: {  	s4 =	sld [smem:$0x3FA9]  }
0x2a: {  	p0 =	seq.s32 s5, $0x0;
	s5 =	sld [smem:$0x3FAA]  }
0x2b: {  	s6 =	sld [smem:$0x3FAB]  }
0x2c: {  	s7 =	sld [smem:$0x3FAC]  }
0x2d: {  	s3 =	simm.s32 $0x108;
	s8 =	sld [smem:$0x3FAD]  }
0x2e: {  	s3 =	simm.s32 @!p0 $0x1082;
	s9 =	sld [smem:$0x3FAE]  }
0x2f: {  	lr =	sadd.s32 s0, s3;
	s0 =	sld [smem:$0x3FA5]  }
0x30: {  	s3 =	sld [smem:$0x3FA8]  }
0x31: {  	[smem:$0x3FB1] =	sst s10  }
0x32: {  	s10 =	sld [smem:$0x3FAF];
	_ =	sdelay $0x3  }
0x33: {  	p0 =	seq.s32 s10, $0x1;
	s10 =	sld [smem:$0x3FB1];
	_ =	sdelay $0x3  }
0x34: {  	[smem:$0x3FB1] =	sst s10  }
0x35: {  	s10 =	sld [smem:$0x3FB0];
	_ =	sdelay $0x3  }
0x36: {  	p1 =	seq.s32 s10, $0x1;
	s10 =	sld [smem:$0x3FB1];
	_ =	sdelay $0x3  }
0x37: {  	[smem:$0x3FB1] =	sst s10  }
0x38: {  	s10 =	sld [smem:$0x3FB2]  }
0x39: {  	_ = 	snop;
	(pc) =	sbr.ind lr, $3  }
0x3a: {  	_ = 	snop  }
0x3b: {  	_ = 	snop  }
0x3c: {  	p2 =	seq.s32 s10, $0x1;
	s10 =	sld [smem:$0x3FB1]  }
0x3d: {  	_ =	shalt  }
0x3e: {  	_ =	shalt  }
0x3f: {  	_ =	shalt  }
0x40: {  	_ =	shalt  }
0x41: {  	_ =	shalt  }
0x42: {  	_ =	shalt  }
0x43: {  	_ =	shalt  }
0x44: {  	_ =	shalt  }
0x45: {  	_ =	shalt  }
0x46: {  	_ =	shalt  }
0x47: {  	_ =	shalt  }
0x48: {  	_ =	shalt  }
0x49: {  	_ =	shalt  }
0x4a: {  	_ =	shalt  }
0x4b: {  	_ =	shalt  }
0x4c: {  	_ =	shalt  }
0x4d: {  	_ =	shalt  }
0x4e: {  	_ =	shalt  }
0x4f: {  	_ =	shalt  }
0x50: {  	_ =	shalt  }
0x51: {  	_ =	shalt  }
0x52: {  	_ =	shalt  }
0x53: {  	_ =	shalt  }
0x54: {  	_ =	shalt  }
0x55: {  	_ =	shalt  }
0x56: {  	_ =	shalt  }
0x57: {  	_ =	shalt  }
0x58: {  	_ =	shalt  }
0x59: {  	_ =	shalt  }
0x5a: {  	_ =	shalt  }
0x5b: {  	_ =	shalt  }
0x5c: {  	_ =	shalt  }
0x5d: {  	_ =	shalt  }
0x5e: {  	_ =	shalt  }
0x5f: {  	_ =	shalt  }
0x60: {  	_ =	shalt  }
0x61: {  	_ =	shalt  }
0x62: {  	_ =	shalt  }
0x63: {  	_ =	shalt  }
0x64: {  	_ =	shalt  }
0x65: {  	_ =	shalt  }
0x66: {  	_ =	shalt  }
0x67: {  	_ =	shalt  }
0x68: {  	_ =	shalt  }
0x69: {  	_ =	shalt  }
0x6a: {  	_ =	shalt  }
0x6b: {  	_ =	shalt  }
0x6c: {  	_ =	shalt  }
0x6d: {  	_ =	shalt  }
0x6e: {  	_ =	shalt  }
0x6f: {  	_ =	shalt  }
0x70: {  	_ =	shalt  }
0x71: {  	_ =	shalt  }
0x72: {  	_ =	shalt  }
0x73: {  	_ =	shalt  }
0x74: {  	_ =	shalt  }
0x75: {  	_ =	shalt  }
0x76: {  	_ =	shalt  }
0x77: {  	_ =	shalt  }
0x78: {  	_ =	shalt  }
0x79: {  	_ =	shalt  }
0x7a: {  	_ =	shalt  }
0x7b: {  	_ =	shalt  }
0x7c: {  	_ =	shalt  }
0x7d: {  	_ =	shalt  }
0x7e: {  	_ =	shalt  }
0x7f: {  	_ =	shalt  }
0x80: {  	_ =	shalt  }
0x81: {  	_ =	shalt  }
0x82: {  	_ =	shalt  }
0x83: {  	_ =	shalt  }
0x84: {  	_ =	shalt  }
0x85: {  	_ =	shalt  }
0x86: {  	_ =	shalt  }
0x87: {  	_ =	shalt  }
.Lfunc_end0:
.L_simem_size_0:
called_computation.2_lowered:
.L_overlay_start_0:
0x88: {  	s2 =	sld [smem:$0x3FD9]  }
0x89: {  	s3 =	sld [smem:$0x3FFE];
	_ =	sdelay $0x1  }
0x8a: {  	s1 =	srdreg.scid  }
0x8b: {  	s0 =	sand.u32 $0x1, s1  }
0x8c: {  	s17 =	sshll.u32 s0, $0xA;
	s2 =	sadd.s32 s3, s2  }
0x8d: {  	s2 =	sadd.s32 s2, s17  }
0x8e: {  	[smem:$0x3FBD] =	sst s2  }
0x8f: {  	_ = 	snop  }
0x90: {  	s2 =	sld [smem:$0x3FD0];
	(tm) =	ssettm $0x1  }
0x91: {  	s18 =	sld [smem:$0x3FFB];
	_ =	sdelay $0x3  }
0x92: {  	_ =	strace s18  }
0x93: {  	s3 =	sld [smem:$0x3FFC];
	_ =	sdelay $0x3  }
0x94: {  	_ =	strace s3  }
0x95: {  	s3 =	sld [smem:$0x3FFD];
	_ =	sdelay $0x3  }
0x96: {  	_ =	strace s3  }
0x97: {  	_ =	strace $0x8FFFFFFF  }
0x98: {  	s19 =	sld [smem:$0x3FDB];
	_ =	sdelay $0x1  }
0x99: {  	s4 =	simm.s32 $_scs_section_size  }
0x9a: {  	s5 =	simm.s32 $_size__tile_overlayer_lowered;
	s6 =	simm.s32 $_tile_overlayer_lowered  }
0x9b: {  	s22 =	simm.s32 $0x1BFF;
	s21 =	sshll.u32 s6, $0x1;
	s3 =	sadd.s32 s4, s19  }
0x9c: {  	s7 =	simm.s32 $0x0;
	s20 =	sshll.u32 s5, $0x1;
	s5 =	sadd.s32 s21, s3  }
0x9d: {  	[timem:s7], [sflag:s22] =	dma.local [hbm:s5], s20  }
0x9e: {  	_ =	swait.ge [sflag:s22], s20  }
0x9f: {  	s4 =	ssub.s32 $0x0, s20;
	[sflag:s22] =	ssyncset.done $0x0  }
0xa0: {  	[sflag:s22] =	ssyncadd.s32 s4;
	_ =	sdelay $0x1  }
0xa1: {  	s23 =	simm.s32 $0x1B8B  }
0xa2: {  	_ =	swait.ge [sflag:s23], $0x1  }
0xa3: {  	[sflag:s23] =	ssyncset.done $0x0  }
0xa4: {  	s25 =	simm.s32 $0x1B8E;
	s24 =	sld [smem:$0x3FFE];
	[sflag:s23] =	ssyncadd.s32 $0xFFFFFFFF  }
0xa5: {  	s26 =	simm.s32 $execute0_lowered;
	[smem:$0x3FD2] =	sst s25  }
0xa6: {  	s5 =	sshll.u32 s26, $0x1;
	_ =	strace $0x8000004C;
	[dreg:$0x1] =	wrdreg $0xFFFFFFFF  }
0xa7: {  	s28 =	simm.s32 $_size_execute0_lowered;
	s3 =	sadd.s32 s3, s5;
	[dreg:$0x0] =	wrdreg $0x0  }
0xa8: {  	s5 =	sshll.u32 s28, $0x1;
	[dreg:$0x2] =	wrdreg s3  }
0xa9: {  	[dreg:$0x3] =	wrdreg s5  }
0xaa: {  	[dreg:$0x4] =	wrdreg $0xC0  }
0xab: {  	_ =	task [dreg:s7], $0x5FFFF  }
0xac: {  	[dreg:$0x1] =	wrdreg $0xFFFFFFFF  }
0xad: {  	[dreg:$0x0] =	wrdreg $0x60  }
0xae: {  	[dreg:$0x2] =	wrdreg s24  }
0xaf: {  	[dreg:$0x3] =	wrdreg s2  }
0xb0: {  	[dreg:$0x4] =	wrdreg $0xB9800  }
0xb1: {  	[dreg:$0x5] =	wrdreg $0x9  }
0xb2: {  	_ =	task.clear_ibuf [dreg:s7], $0x6FFFF;
	_ =	strace $0x9000004C  }
0xb3: {  	s29 =	simm.s32 $0x9;
	_ =	strace $0x8000004E  }
0xb4: {  	_ =	swait.ge [sflag:s29], $0x1  }
0xb5: {  	[sflag:s29] =	ssyncadd.s32 $0xFFFFFFFF  }
0xb6: {  	_ =	strace $0x9000004E  }
0xb7: {  	_ =	sfence  }
0xb8: {  	s30 =	sld [smem:$0x0];
	_ =	sdelay $0x2  }
0xb9: {  	s31 =	sshll.u32 s1, $0xD;
	s1 =	sshrl.u32 s1, $0x2  }
0xba: {  	s3 =	sand.u32 $0x4000, s31;
	s1 =	sadd.s32 s1, s30  }
0xbb: {  	s0 =	sor.u32 s3, s0;
	s1 =	sshll.u32 s1, $0x11  }
0xbc: {  	s0 =	sor.u32 s1, s0  }
0xbd: {  	s0 =	sadd.s32 $0x8F2B, s0  }
0xbe: {  	[sflag:s0] =	ssyncadd.remote.s32 $0x1  }
0xbf: {  	_ =	sfence.sel $0xFFFF  }
0xc0: {  	[dreg:$0x0] =	wrdreg $0xFFFFFFFF;
	(pc) =	sbr.abs _section_cstart, $3  }
0xc1: {  	[dreg:$0x1] =	wrdreg $0xFFFFFFFF  }
0xc2: {  	_ =	task.clear_ibuf [dreg:s7], $0x2FFFF;
	_ =	strace $0x9FFFFFFF  }
0xc3: {  	(tm) =	ssettm $0x7FFFFFFF  }
tec
execute0_lowered:
.L_overlay_start_1:
0x0: {  	(tag) =	ssettag $0x1  }
0x1: {  	s0 =	rddreg [dreg:$0x0]  }
0x2: {  	s1 =	rddreg [dreg:$0x1];
	s3 =	srdreg.scid  }
0x3: {  	s2 =	rddreg [dreg:$0x2];
	s12 =	stileid.u32;
	s28 =	simm.s32 $0x2  }
0x4: {  	s29 =	simm.s32 $0x50;
	s30 =	simm.s32 $0x4100;
	s6 =	smul.u32 $0x14000, s12  }
0x5: {  	s31 =	simm.s32 $0x3;
	s7 =	sand.u32 $0x1, s3;
	s8 =	smul.u32 $0x50000, s12  }
0x6: {  	s3 =	simm.s32 $0x0;
	s4 =	sadd.s32 $0xC800, s0;
	s18 =	smul.u32 $0x4E20, s12  }
0x7: {  	s9 =	sshll.u32 s12, $0x1;
	s12 =	simm.s32 $0x7;
	s5 =	smul.u32 $0x140000, s7  }
0x8: {  	[smem:$0x7FF] =	sst s3;
	s13 =	ssub.s32 $0x2, s7;
	s9 =	sor.u32 s7, s9  }
0x9: {  	s7 =	smul.u32 $0x2710, s7;
	_ =	strace $0x8000004D;
	s10 =	sshrl.u32 s13, $0x1  }
0xa: {  	s8 =	sshrl.u32 s8, $0x2;
	s11 =	sshll.u32 s9, $0xB;
	s14 =	smul.u32 $0x2710, s9  }
0xb: {  	s9 =	simm.s32 $0x9180;
	s6 =	sadd.s32 s6, s5;
	s5 =	sadd.s32 $0x2A00, s0  }
0xc: {  	s10 =	ssub.s32 s13, s10;
	s1 =	sadd.s32 s1, s11;
	s11 =	simm.s32 $0x9  }
0xd: {  	s13 =	simm.s32 $0xA;
	s6 =	sshrl.u32 s6, $0x3;
	[dreg:$0x4] =	wrdreg s1  }
0xe: {  	s1 =	sadd.s32 s7, s18;
	s24 =	smax.u32 s10, $0x1;
	s0 =	sadd.s32 s6, s0  }
0xf: {  	s6 =	sadd.s32 s8, s2;
	[dreg:$0xf] =	wrdreg s24;
	s26 =	sadd.s32 $0xF0, s1  }
0x10: {  	s10 =	simm.s32 $0x6;
	s15 =	sadd.s32 $0x2800, s6;
	[dreg:$0x12] =	wrdreg s26  }
0x11: {  	s8 =	sshrl.u32 s14, $0x3;
	s16 =	sadd.s32 $0x5000, s6;
	[dreg:$0x5] =	wrdreg s15  }
0x12: {  	s23 =	sadd.s32 $0xA0, s1;
	s17 =	sadd.s32 $0x7800, s6;
	[dreg:$0x6] =	wrdreg s16  }
0x13: {  	s7 =	sadd.s32 $0x140, s1;
	s19 =	sadd.s32 $0xA000, s6;
	[dreg:$0x7] =	wrdreg s17  }
0x14: {  	s24 =	simm.s32 $0x1;
	s20 =	sadd.s32 $0xC800, s6;
	[dreg:$0x8] =	wrdreg s19  }
0x15: {  	s1 =	simm.s32 $0x5;
	s21 =	sadd.s32 $0xF000, s6;
	[dreg:$0x9] =	wrdreg s20  }
0x16: {  	s8 =	sadd.s32 s5, s8;
	s22 =	sadd.s32 $0x11800, s6;
	[dreg:$0xa] =	wrdreg s21  }
0x17: {  	s0 =	sadd.s32 $0x33A00, s0;
	s7 =	sshrl.u32 s7, $0x3;
	[dreg:$0xc] =	wrdreg s22  }
0x18: {  	s26 =	simm.s32 $0x4080;
	[dreg:$0xb] =	wrdreg s8;
	s8 =	sadd.s32 $0xA, s8  }
.Ltmp0:
0x19: {  	[dreg:$0xe] =	wrdreg s0;
	s0 =	sshrl.u32 s23, $0x3;
	(pc) =	sbr.rel .LBB2_1-.Ltmp0, $4  }
0x1a: {  	s25 =	sadd.s32 s7, s5;
	s22 =	simm.s32 $0x4180;
	s23 =	simm.s32 $0xB  }
0x1b: {  	s7 =	simm.s32 $0x8;
	s15 =	simm.s32 $0x0;
	[dreg:$0xd] =	wrdreg s8  }
0x1c: {  	s0 =	sadd.s32 s0, s5;
	[dreg:$0x11] =	wrdreg s25;
	s25 =	simm.s32 $0x4000  }
0x1d: {  	v0 =	vimm.f32 $0.0e+00;
	s8 =	simm.s32 $0x4;
	[dreg:$0x10] =	wrdreg s0;
	s0 =	simm.s32 $0x6980  }
.LBB2_9:
0x1e: {  	_ =	swait.ge [sflag:s31], $0x50  }
0x1f: {  	[sflag:s31] =	ssyncset.done $0x0  }
0x20: {  	[sflag:s31] =	ssyncadd.s32 $0xFFFFFFB0  }
0x21: {  	[tilespmem:s0], [sflag:$0x6] =	stream.indirect.gather [hbm4b:s4+s29], $0x80, s26, s29, $0xb8;
	[tilespmem:$0x1F980] =	vst v63  }
0x22: {  	_ =	swait.ge [sflag:s1], $0x2800  }
0x23: {  	[sflag:s1] =	ssyncset.done $0x0  }
0x24: {  	s14 =	simm.s32 $0x3D80;
	[sflag:s1] =	ssyncadd.s32 $0xFFFFD800  }
0x25: {  	[spmem:s2] =	stream.indirect.scatter.add.f32 [tilespmem:s22], [sflag:$0x8], $0x80, s14, s29, $0xb8;
	[tilespmem:$0x1F980] =	vst v63  }
0x26: {  	_ =	swait.ge [sflag:s10], $0x2800  }
0x27: {  	[sflag:s10] =	ssyncset.done $0x0  }
0x28: {  	s19 =	simm.s32 $0x3E00;
	[sflag:s10] =	ssyncadd.s32 $0xFFFFD800  }
0x29: {  	[spmem:s2] =	stream.indirect.scatter.add.f32 [tilespmem:s0], [sflag:$0x9], $0x80, s19, s29, $0xb8;
	[tilespmem:$0x1F980] =	vst v63  }
0x2a: {  	_ =	swait.ge [sflag:s13], $0x2800  }
0x2b: {  	[sflag:s13] =	ssyncset.done $0x0  }
0x2c: {  	[sflag:s13] =	ssyncadd.s32 $0xFFFFD800  }
0x2d: {  	_ =	swait.ge [sflag:s7], $0x2800  }
0x2e: {  	[sflag:s7] =	ssyncset.done $0x0  }
0x2f: {  	[sflag:s7] =	ssyncadd.s32 $0xFFFFD800  }
0x30: {  	_ =	swait.ge [sflag:s11], $0x2800  }
0x31: {  	[sflag:s11] =	ssyncset.done $0x0  }
0x32: {  	s20 =	stileid.u32;
	[sflag:s11] =	ssyncadd.s32 $0xFFFFD800  }
0x33: {  	s14 =	sshll.u32 s20, $0x6;
	[bflag:$0x0] =	sbarrier.arrive $0xFFFF  }
0x34: {  	s16 =	sshrl.u32 s6, $0x3;
	s14 =	sor.u32 $0x1C0B, s14;
	s17 =	rddreg [dreg:$0xe]  }
0x35: {  	[hbm:s17], [sflag:s14] =	dma.local [spmem:s16], $0x2800  }
0x36: {  	_ =	swait.ge [sflag:s23], $0x2800  }
0x37: {  	s15 =	sadd.s32 $0x1, s15;
	s21 =	rddreg [dreg:$0xf]  }
0x38: {  	p0 =	sne.s32 s15, s21  }
.Ltmp1:
0x39: {  	_ = 	snop;
	(pc) =	sbr.rel @!p0 .LBB2_10-.Ltmp1, $3  }
0x3a: {  	_ =	sdelay $0x1  }
0x3b: {  	[sflag:s23] =	ssyncset.done $0x0  }
0x3c: {  	[sflag:s23] =	ssyncadd.s32 $0xFFFFD800  }
.LBB2_1:
0x3d: {  	s14 =	rddreg [dreg:$0x4];
	s16 =	sand.u32 $0xFE00, s3  }
0x3e: {  	[tilespmem:s3], [sflag:$0x1] =	stream.linear.gather [hbm4b:s14+s3], $0x3E80, $0x38;
	[tilespmem:$0x1F980] =	vst v63  }
0x3f: {  	s18 =	sand.u32 $0x70, s3;
	s19 =	sshrl.u32 s16, $0x2  }
0x40: {  	s16 =	simm.s32 $0x40;
	s19 =	sor.u32 s18, s19;
	s18 =	simm.s32 $0x0  }
.LBB2_2:
0x41: {  	p0 =	sne.s32 s16, $0x9FC0  }
0x42: {  	[tilespmem:s19+$0x4180] =	vst v0;
	s18 =	sadd.s32 $0x10, s18;
	s19 =	smov.u32 s16;
	s16 =	sadd.s32 $0x40, s16  }
.Ltmp2:
0x43: {  	(pc) =	sbr.rel @p0 .LBB2_2-.Ltmp2, $4  }
0x44: {  	_ = 	snop  }
0x45: {  	s19 =	sand.u32 $0xFE00, s19  }
0x46: {  	s20 =	sand.u32 $0x70, s18;
	s19 =	sshrl.u32 s19, $0x2  }
0x47: {  	s19 =	sor.u32 s20, s19  }
0x48: {  	[tilespmem:s19+$0x4180] =	vst v0  }
0x49: {  	[spmem:s6] =	stream.linear.scatter [tilespmem:s22], [sflag:$0xB], $0x2800, $0x38;
	[tilespmem:$0x1F980] =	vst v63  }
0x4a: {  	_ =	swait.ge [sflag:s23], $0x2800  }
0x4b: {  	[sflag:s23] =	ssyncset.done $0x0  }
0x4c: {  	s14 =	rddreg [dreg:$0x5];
	[sflag:s23] =	ssyncadd.s32 $0xFFFFD800  }
0x4d: {  	[spmem:s14] =	stream.linear.scatter [tilespmem:s22], [sflag:$0xB], $0x2800, $0x38;
	[tilespmem:$0x1F980] =	vst v63  }
0x4e: {  	_ =	swait.ge [sflag:s23], $0x2800  }
0x4f: {  	[sflag:s23] =	ssyncset.done $0x0  }
0x50: {  	s20 =	rddreg [dreg:$0x6];
	[sflag:s23] =	ssyncadd.s32 $0xFFFFD800  }
0x51: {  	[spmem:s20] =	stream.linear.scatter [tilespmem:s22], [sflag:$0xB], $0x2800, $0x38;
	[tilespmem:$0x1F980] =	vst v63  }
0x52: {  	_ =	swait.ge [sflag:s23], $0x2800  }
0x53: {  	[sflag:s23] =	ssyncset.done $0x0  }
0x54: {  	s21 =	rddreg [dreg:$0x7];
	[sflag:s23] =	ssyncadd.s32 $0xFFFFD800  }
0x55: {  	[spmem:s21] =	stream.linear.scatter [tilespmem:s22], [sflag:$0xB], $0x2800, $0x38;
	[tilespmem:$0x1F980] =	vst v63  }
0x56: {  	_ =	swait.ge [sflag:s23], $0x2800  }
0x57: {  	[sflag:s23] =	ssyncset.done $0x0  }
0x58: {  	s16 =	rddreg [dreg:$0x8];
	[sflag:s23] =	ssyncadd.s32 $0xFFFFD800  }
0x59: {  	[spmem:s16] =	stream.linear.scatter [tilespmem:s22], [sflag:$0xB], $0x2800, $0x38;
	[tilespmem:$0x1F980] =	vst v63  }
0x5a: {  	_ =	swait.ge [sflag:s23], $0x2800  }
0x5b: {  	[sflag:s23] =	ssyncset.done $0x0  }
0x5c: {  	s17 =	rddreg [dreg:$0x9];
	[sflag:s23] =	ssyncadd.s32 $0xFFFFD800  }
0x5d: {  	[spmem:s17] =	stream.linear.scatter [tilespmem:s22], [sflag:$0xB], $0x2800, $0x38;
	[tilespmem:$0x1F980] =	vst v63  }
0x5e: {  	_ =	swait.ge [sflag:s23], $0x2800  }
0x5f: {  	[sflag:s23] =	ssyncset.done $0x0  }
0x60: {  	s18 =	rddreg [dreg:$0xa];
	[sflag:s23] =	ssyncadd.s32 $0xFFFFD800  }
0x61: {  	[spmem:s18] =	stream.linear.scatter [tilespmem:s22], [sflag:$0xB], $0x2800, $0x38;
	[tilespmem:$0x1F980] =	vst v63  }
0x62: {  	_ =	swait.ge [sflag:s23], $0x2800  }
0x63: {  	[sflag:s23] =	ssyncset.done $0x0  }
0x64: {  	s19 =	rddreg [dreg:$0xc];
	[sflag:s23] =	ssyncadd.s32 $0xFFFFD800  }
0x65: {  	[spmem:s19] =	stream.linear.scatter [tilespmem:s22], [sflag:$0xB], $0x2800, $0x38;
	[tilespmem:$0x1F980] =	vst v63  }
0x66: {  	_ =	swait.ge [sflag:s23], $0x2800  }
0x67: {  	[sflag:s23] =	ssyncset.done $0x0  }
0x68: {  	[sflag:s23] =	ssyncadd.s32 $0xFFFFD800  }
0x69: {  	_ =	swait.ge [sflag:s24], $0x3E80  }
0x6a: {  	[sflag:s24] =	ssyncset.done $0x0  }
0x6b: {  	[sflag:s24] =	ssyncadd.s32 $0xFFFFC180  }
0x6c: {  	[bflag:$0x0] =	sbarrier.arrive $0xFFFF  }
0x6d: {  	s16 =	simm.s32 $0x0;
	s20 =	rddreg [dreg:$0xb]  }
0x6e: {  	[tilespmem:s25], [sflag:$0x2] =	stream.linear.gather [hbm4b:s20+s16], $0x50, $0x38;
	[tilespmem:$0x1F980] =	vst v63  }
0x6f: {  	s21 =	rddreg [dreg:$0xd]  }
0x70: {  	[tilespmem:s26], [sflag:$0x3] =	stream.linear.gather [hbm4b:s21+s16], $0x50, $0x38;
	[tilespmem:$0x1F980] =	vst v63  }
.Ltmp3:
0x71: {  	_ =	swait.ge [sflag:s28], $0x50;
	(pc) =	sbr.rel .LBB2_4-.Ltmp3, $4  }
0x72: {  	s21 =	rddreg [dreg:$0x12]  }
0x73: {  	[sflag:s28] =	ssyncset.done $0x0;
	s20 =	rddreg [dreg:$0x11]  }
0x74: {  	s18 =	simm.s32 $0x0;
	s19 =	rddreg [dreg:$0x10];
	[sflag:s28] =	ssyncadd.s32 $0xFFFFFFB0  }
0x75: {  	[tilespmem:s22], [sflag:$0x5] =	stream.indirect.gather [hbm4b:s4+s29], $0x80, s25, s29, $0xb8;
	[tilespmem:$0x1F980] =	vst v63  }
.LBB2_7:
0x76: {  	[tilespmem:s30], [sflag:$0x4] =	stream.linear.gather [hbm4b:s19+s3], $0x50, $0x38;
	[tilespmem:$0x1F980] =	vst v63  }
.LBB2_8:
0x77: {  	_ =	swait.ge [sflag:s31], $0x50  }
0x78: {  	[sflag:s31] =	ssyncset.done $0x0  }
0x79: {  	[sflag:s31] =	ssyncadd.s32 $0xFFFFFFB0  }
0x7a: {  	[tilespmem:s0], [sflag:$0x6] =	stream.indirect.gather [hbm4b:s4+s29], $0x80, s26, s29, $0xb8;
	[tilespmem:$0x1F980] =	vst v63  }
0x7b: {  	_ =	swait.ge [sflag:s1], $0x2800  }
0x7c: {  	[sflag:s1] =	ssyncset.done $0x0  }
0x7d: {  	s14 =	sshra.s32 s16, $0x2;
	[sflag:s1] =	ssyncadd.s32 $0xFFFFD800  }
0x7e: {  	[spmem:s2] =	stream.indirect.scatter.add.f32 [tilespmem:s22], [sflag:$0x8], $0x80, s14, s29, $0xb8;
	[tilespmem:$0x1F980] =	vst v63  }
0x7f: {  	_ =	swait.ge [sflag:s7], $0x2800  }
0x80: {  	s17 =	sshrl.u32 s21, $0x3;
	[sflag:s7] =	ssyncset.done $0x0  }
0x81: {  	s17 =	sadd.s32 s5, s17;
	[sflag:s7] =	ssyncadd.s32 $0xFFFFD800  }
0x82: {  	[tilespmem:s25], [sflag:$0x2] =	stream.linear.gather [hbm4b:s17+s3], $0x50, $0x38;
	[tilespmem:$0x1F980] =	vst v63  }
0x83: {  	_ =	swait.ge [sflag:s8], $0x50  }
0x84: {  	[sflag:s8] =	ssyncset.done $0x0  }
0x85: {  	[sflag:s8] =	ssyncadd.s32 $0xFFFFFFB0  }
0x86: {  	[tilespmem:s9], [sflag:$0x7] =	stream.indirect.gather [hbm4b:s4+s29], $0x80, s30, s29, $0xb8;
	[tilespmem:$0x1F980] =	vst v63  }
0x87: {  	_ =	swait.ge [sflag:s10], $0x2800  }
0x88: {  	[sflag:s10] =	ssyncset.done $0x0  }
0x89: {  	s17 =	sadd.s32 $0x80, s14;
	[sflag:s10] =	ssyncadd.s32 $0xFFFFD800  }
0x8a: {  	[spmem:s2] =	stream.indirect.scatter.add.f32 [tilespmem:s0], [sflag:$0x9], $0x80, s17, s29, $0xb8;
	[tilespmem:$0x1F980] =	vst v63  }
0x8b: {  	_ =	swait.ge [sflag:s11], $0x2800  }
0x8c: {  	[sflag:s11] =	ssyncset.done $0x0  }
0x8d: {  	[sflag:s11] =	ssyncadd.s32 $0xFFFFD800  }
0x8e: {  	[tilespmem:s26], [sflag:$0x3] =	stream.linear.gather [hbm4b:s20+s3], $0x50, $0x38;
	[tilespmem:$0x1F980] =	vst v63  }
0x8f: {  	_ =	swait.ge [sflag:s28], $0x50  }
0x90: {  	s16 =	sadd.s32 $0x600, s16;
	[sflag:s28] =	ssyncset.done $0x0  }
0x91: {  	p0 =	sne.s32 s16, $0xF600;
	[sflag:s28] =	ssyncadd.s32 $0xFFFFFFB0  }
0x92: {  	[tilespmem:s22], [sflag:$0x5] =	stream.indirect.gather [hbm4b:s4+s29], $0x80, s25, s29, $0xb8;
	[tilespmem:$0x1F980] =	vst v63  }
.Ltmp4:
0x93: {  	_ = 	snop;
	(pc) =	sbr.rel @!p0 .LBB2_9-.Ltmp4, $4  }
0x94: {  	s18 =	sadd.s32 $0x1, s18;
	_ =	swait.ge [sflag:s12], $0x2800  }
0x95: {  	s19 =	sadd.s32 $0x1E, s19;
	s21 =	sadd.s32 $0xF0, s21;
	[sflag:s12] =	ssyncset.done $0x0  }
0x96: {  	s14 =	sadd.s32 $0x100, s14;
	s20 =	sadd.s32 $0x1E, s20;
	[sflag:s12] =	ssyncadd.s32 $0xFFFFD800  }
0x97: {  	[spmem:s2] =	stream.indirect.scatter.add.f32 [tilespmem:s9], [sflag:$0xA], $0x80, s14, s29, $0xb8;
	[tilespmem:$0x1F980] =	vst v63  }
.LBB2_4:
0x98: {  	p0 =	seq.s32 s18, $0x0  }
.Ltmp5:
0x99: {  	_ = 	snop;
	(pc) =	sbr.rel @p0 .LBB2_7-.Ltmp5, $1  }
0x9a: {  	_ =	sdelay $0x3  }
0x9b: {  	p0 =	seq.s32 s18, $0x29  }
.Ltmp6:
0x9c: {  	_ = 	snop;
	(pc) =	sbr.rel @p0 .LBB2_8-.Ltmp6, $1  }
0x9d: {  	_ =	sdelay $0x3  }
.Ltmp7:
0x9e: {  	(pc) =	sbr.rel .LBB2_7-.Ltmp7, $4  }
0x9f: {  	_ = 	snop  }
0xa0: {  	_ =	swait.ge [sflag:s13], $0x2800  }
0xa1: {  	[sflag:s13] =	ssyncset.done $0x0  }
0xa2: {  	[sflag:s13] =	ssyncadd.s32 $0xFFFFD800  }
.LBB2_10:
0xa3: {  	_ =	sfence.sel $0x180000  }
0xa4: {  	[bflag:$0x0] =	sbarrier.arrive $0xFFFF  }
0xa5: {  	_ =	strace $0x9000004D  }
0xa6: {  	s0 =	stileid.u32;
	[bflag:$0x2] =	sbarrier.arrive $0xFFFF  }
0xa7: {  	p0 =	sne.s32 s0, $0x0;
	s0 =	rddreg [dreg:$0x3]  }
0xa8: {  	s0 =	sadd.s32 @!p0 $0x100000, s0  }
0xa9: {  	[sflag:s0] =	ssyncadd.tile.s32 @!p0 $0x1;
	_ =	shalt  }
.Lfunc_end2:
_tile_overlayer_lowered:
.L_overlay_start_2:
0xaa: {  	(tag) =	ssettag $0x2  }
0xab: {  	s0 =	rddreg [dreg:$0x0];
	s2 =	stileid.u32  }
0xac: {  	s1 =	rddreg [dreg:$0x1];
	p0 =	sne.s32 s2, $0x0  }
0xad: {  	s3 =	rddreg [dreg:$0x2];
	[bflag:$0x3] =	sbarrier.arrive $0xFFFF;
	s2 =	simm.s32 @!p0 $0x1C0B  }
0xae: {  	[timem:s3], [sflag:s2] =	dma.local @!p0 [hbm:s0], s1  }
0xaf: {  	s0 =	simm.s32 @!p0 $0xB  }
0xb0: {  	_ =	swait.ge @!p0 [sflag:s0], s1  }
0xb1: {  	s1 =	ssub.s32 @!p0 $0x0, s1;
	[sflag:s0] =	ssyncset.done @!p0 $0x0  }
0xb2: {  	[sflag:s0] =	ssyncadd.s32 @!p0 s1  }
0xb3: {  	[bflag:$0x3] =	sbarrier.arrive $0xFFFF  }
0xb4: {  	_ =	shalt  }

// kernel: kernel.8.cloned.1.call-start
scs
__scs_entry_jumppad:
0x0: {  	(pc) =	sbr.rel $0x88, $3  }
0x1: {  	(tag) =	ssettag $0x0;
	lr =	simm.s32 $0x1  }
0x2: {  	[smem:$0x3F96] =	sst lr;
	_ =	strace $0xD0000000  }
0x3: {  	_ = 	snop  }
0x4: {  	_ = 	snop  }
0x5: {  	_ = 	snop  }
0x6: {  	_ = 	snop  }
0x7: {  	_ = 	snop  }
__scs_overlays_trampoline_lowered:
0x8: {  	[smem:$0x3FA5] =	sst s0  }
0x9: {  	[smem:$0x3FA6] =	sst s1  }
0xa: {  	[smem:$0x3FA7] =	sst s2  }
0xb: {  	[smem:$0x3FA8] =	sst s3  }
0xc: {  	[smem:$0x3FA9] =	sst s4  }
0xd: {  	[smem:$0x3FAA] =	sst s5  }
0xe: {  	[smem:$0x3FAB] =	sst s6  }
0xf: {  	[smem:$0x3FAC] =	sst s7  }
0x10: {  	[smem:$0x3FAD] =	sst s8  }
0x11: {  	[smem:$0x3FAE] =	sst s9;
	s0 =	simm.s32 @!p0 $0x0  }
0x12: {  	s1 =	sld [smem:$0x3F94];
	s0 =	simm.s32 @p0 $0x1  }
0x13: {  	[smem:$0x3FAF] =	sst s0;
	s0 =	simm.s32 @!p1 $0x0  }
0x14: {  	s2 =	sld [smem:$0x3F93];
	s0 =	simm.s32 @p1 $0x1  }
0x15: {  	[smem:$0x3FB0] =	sst s0;
	s0 =	simm.s32 @!p2 $0x0  }
0x16: {  	s3 =	sld [smem:$0x3FDB];
	s0 =	simm.s32 @p2 $0x1  }
0x17: {  	s4 =	simm.s32 $0x1BF5;
	[smem:$0x3FB2] =	sst s0  }
0x18: {  	s0 =	sld [smem:$0x3F95];
	_ =	swait.ge [sflag:s4], $0x0  }
0x19: {  	s7 =	sld [smem:$0x3F96]  }
0x1a: {  	s8 =	sadd.s32 $0xFFFFE003, lr  }
0x1b: {  	s9 =	sadd.s32 $0xFFFFFEF7, lr;
	s5 =	simm.s32 $0xFFFFFFFF;
	p2 =	slt.u32 s8, $0xFFFFF086  }
0x1c: {  	p1 =	slt.u32 s9, $0xF7A;
	s5 =	simm.s32 @!p2 $0x0  }
0x1d: {  	s5 =	simm.s32 @p1 $0x1;
	p0 =	seq.s32 s7, s2  }
0x1e: {  	s7 =	smul.u32 @!p0 $0xF7A, s2;
	p2 =	seq.s32 @!p0 s5, $0x0  }
0x1f: {  	s9 =	smul.u32 $0xF7A, s1;
	s8 =	simm.s32 @!p0 $0x1BF5;
	p2 =	por !p2, p0  }
0x20: {  	[sflag:s8] =	ssyncset.s32 @!p0 $0xFFFFF086;
	s6 =	sadd.s32 @!p0 s3, s7;
	s7 =	simm.s32 @!p0 $0x108  }
0x21: {  	s3 =	sadd.s32 s3, s9;
	s6 =	sadd.s32 @!p0 $0x88, s6;
	s7 =	simm.s32 @p2 $0x1082  }
0x22: {  	[simem:s7], [sflag:s8] =	dma.local @!p0 [hbm:s6], $0xF7A  }
0x23: {  	s9 =	sor.u32 $0xD0000000, s2;
	s6 =	simm.s32 $0x108;
	_ =	swait.ge @!p0 [sflag:s8], $0x0  }
0x24: {  	s3 =	sadd.s32 $0x88, s3;
	s6 =	simm.s32 @!p1 $0x1082;
	[sflag:s4] =	ssyncset.s32 $0xFFFFF086  }
0x25: {  	[simem:s6], [sflag:s4] =	dma.local [hbm:s3], $0xF7A  }
0x26: {  	[smem:$0x3F96] =	sst s1;
	(tag) =	ssettag s2;
	_ =	strace s9  }
0x27: {  	s1 =	sld [smem:$0x3FA6]  }
0x28: {  	s2 =	sld [smem:$0x3FA7]  }
0x29: {  	s4 =	sld [smem:$0x3FA9]  }
0x2a: {  	p0 =	seq.s32 s5, $0x0;
	s5 =	sld [smem:$0x3FAA]  }
0x2b: {  	s6 =	sld [smem:$0x3FAB]  }
0x2c: {  	s7 =	sld [smem:$0x3FAC]  }
0x2d: {  	s3 =	simm.s32 $0x108;
	s8 =	sld [smem:$0x3FAD]  }
0x2e: {  	s3 =	simm.s32 @!p0 $0x1082;
	s9 =	sld [smem:$0x3FAE]  }
0x2f: {  	lr =	sadd.s32 s0, s3;
	s0 =	sld [smem:$0x3FA5]  }
0x30: {  	s3 =	sld [smem:$0x3FA8]  }
0x31: {  	[smem:$0x3FB1] =	sst s10  }
0x32: {  	s10 =	sld [smem:$0x3FAF];
	_ =	sdelay $0x3  }
0x33: {  	p0 =	seq.s32 s10, $0x1;
	s10 =	sld [smem:$0x3FB1];
	_ =	sdelay $0x3  }
0x34: {  	[smem:$0x3FB1] =	sst s10  }
0x35: {  	s10 =	sld [smem:$0x3FB0];
	_ =	sdelay $0x3  }
0x36: {  	p1 =	seq.s32 s10, $0x1;
	s10 =	sld [smem:$0x3FB1];
	_ =	sdelay $0x3  }
0x37: {  	[smem:$0x3FB1] =	sst s10  }
0x38: {  	s10 =	sld [smem:$0x3FB2]  }
0x39: {  	_ = 	snop;
	(pc) =	sbr.ind lr, $3  }
0x3a: {  	_ = 	snop  }
0x3b: {  	_ = 	snop  }
0x3c: {  	p2 =	seq.s32 s10, $0x1;
	s10 =	sld [smem:$0x3FB1]  }
0x3d: {  	_ =	shalt  }
0x3e: {  	_ =	shalt  }
0x3f: {  	_ =	shalt  }
0x40: {  	_ =	shalt  }
0x41: {  	_ =	shalt  }
0x42: {  	_ =	shalt  }
0x43: {  	_ =	shalt  }
0x44: {  	_ =	shalt  }
0x45: {  	_ =	shalt  }
0x46: {  	_ =	shalt  }
0x47: {  	_ =	shalt  }
0x48: {  	_ =	shalt  }
0x49: {  	_ =	shalt  }
0x4a: {  	_ =	shalt  }
0x4b: {  	_ =	shalt  }
0x4c: {  	_ =	shalt  }
0x4d: {  	_ =	shalt  }
0x4e: {  	_ =	shalt  }
0x4f: {  	_ =	shalt  }
0x50: {  	_ =	shalt  }
0x51: {  	_ =	shalt  }
0x52: {  	_ =	shalt  }
0x53: {  	_ =	shalt  }
0x54: {  	_ =	shalt  }
0x55: {  	_ =	shalt  }
0x56: {  	_ =	shalt  }
0x57: {  	_ =	shalt  }
0x58: {  	_ =	shalt  }
0x59: {  	_ =	shalt  }
0x5a: {  	_ =	shalt  }
0x5b: {  	_ =	shalt  }
0x5c: {  	_ =	shalt  }
0x5d: {  	_ =	shalt  }
0x5e: {  	_ =	shalt  }
0x5f: {  	_ =	shalt  }
0x60: {  	_ =	shalt  }
0x61: {  	_ =	shalt  }
0x62: {  	_ =	shalt  }
0x63: {  	_ =	shalt  }
0x64: {  	_ =	shalt  }
0x65: {  	_ =	shalt  }
0x66: {  	_ =	shalt  }
0x67: {  	_ =	shalt  }
0x68: {  	_ =	shalt  }
0x69: {  	_ =	shalt  }
0x6a: {  	_ =	shalt  }
0x6b: {  	_ =	shalt  }
0x6c: {  	_ =	shalt  }
0x6d: {  	_ =	shalt  }
0x6e: {  	_ =	shalt  }
0x6f: {  	_ =	shalt  }
0x70: {  	_ =	shalt  }
0x71: {  	_ =	shalt  }
0x72: {  	_ =	shalt  }
0x73: {  	_ =	shalt  }
0x74: {  	_ =	shalt  }
0x75: {  	_ =	shalt  }
0x76: {  	_ =	shalt  }
0x77: {  	_ =	shalt  }
0x78: {  	_ =	shalt  }
0x79: {  	_ =	shalt  }
0x7a: {  	_ =	shalt  }
0x7b: {  	_ =	shalt  }
0x7c: {  	_ =	shalt  }
0x7d: {  	_ =	shalt  }
0x7e: {  	_ =	shalt  }
0x7f: {  	_ =	shalt  }
0x80: {  	_ =	shalt  }
0x81: {  	_ =	shalt  }
0x82: {  	_ =	shalt  }
0x83: {  	_ =	shalt  }
0x84: {  	_ =	shalt  }
0x85: {  	_ =	shalt  }
0x86: {  	_ =	shalt  }
0x87: {  	_ =	shalt  }
.Lfunc_end0:
.L_simem_size_0:
called_computation_lowered:
.L_overlay_start_0:
0x88: {  	s2 =	sld [smem:$0x3FD9]  }
0x89: {  	s3 =	sld [smem:$0x3FFE];
	_ =	sdelay $0x1  }
0x8a: {  	s1 =	srdreg.scid  }
0x8b: {  	s0 =	sand.u32 $0x1, s1  }
0x8c: {  	s17 =	sshll.u32 s0, $0xA;
	s2 =	sadd.s32 s3, s2  }
0x8d: {  	s2 =	sadd.s32 s2, s17  }
0x8e: {  	[smem:$0x3FBD] =	sst s2  }
0x8f: {  	_ = 	snop  }
0x90: {  	s2 =	sld [smem:$0x3FC9]  }
0x91: {  	s18 =	sld [smem:$0x3FD0];
	(tm) =	ssettm $0x1  }
0x92: {  	s4 =	sld [smem:$0x3FFB];
	_ =	sdelay $0x3  }
0x93: {  	_ =	strace s4  }
0x94: {  	s4 =	sld [smem:$0x3FFC];
	_ =	sdelay $0x3  }
0x95: {  	_ =	strace s4  }
0x96: {  	s4 =	sld [smem:$0x3FFD];
	_ =	sdelay $0x3  }
0x97: {  	_ =	strace s4  }
0x98: {  	_ =	strace $0x8FFFFFFF  }
0x99: {  	s19 =	sld [smem:$0x3FDB];
	_ =	sdelay $0x1  }
0x9a: {  	s5 =	simm.s32 $_scs_section_size  }
0x9b: {  	s6 =	simm.s32 $_size__tile_overlayer_lowered;
	s7 =	simm.s32 $_tile_overlayer_lowered  }
0x9c: {  	s22 =	simm.s32 $0x1BFF;
	s21 =	sshll.u32 s7, $0x1;
	s4 =	sadd.s32 s5, s19  }
0x9d: {  	s8 =	simm.s32 $0x0;
	s20 =	sshll.u32 s6, $0x1;
	s6 =	sadd.s32 s21, s4  }
0x9e: {  	[timem:s8], [sflag:s22] =	dma.local [hbm:s6], s20  }
0x9f: {  	_ =	swait.ge [sflag:s22], s20  }
0xa0: {  	s5 =	ssub.s32 $0x0, s20;
	[sflag:s22] =	ssyncset.done $0x0  }
0xa1: {  	[sflag:s22] =	ssyncadd.s32 s5;
	_ =	sdelay $0x1  }
0xa2: {  	s23 =	simm.s32 $0x1B8B  }
0xa3: {  	_ =	swait.ge [sflag:s23], $0x1  }
0xa4: {  	[sflag:s23] =	ssyncset.done $0x0  }
0xa5: {  	s25 =	simm.s32 $0x1B8E;
	s24 =	sld [smem:$0x3FFE];
	[sflag:s23] =	ssyncadd.s32 $0xFFFFFFFF  }
0xa6: {  	s26 =	simm.s32 $execute0_lowered;
	[smem:$0x3FD2] =	sst s25  }
0xa7: {  	s6 =	sshll.u32 s26, $0x1;
	_ =	strace $0x80000046;
	[dreg:$0x1] =	wrdreg $0xFFFFFFFF  }
0xa8: {  	s28 =	simm.s32 $_size_execute0_lowered;
	s4 =	sadd.s32 s4, s6;
	[dreg:$0x0] =	wrdreg $0x0  }
0xa9: {  	s6 =	sshll.u32 s28, $0x1;
	[dreg:$0x2] =	wrdreg s4  }
0xaa: {  	[dreg:$0x3] =	wrdreg s6  }
0xab: {  	[dreg:$0x4] =	wrdreg $0xC0  }
0xac: {  	_ =	task [dreg:s8], $0x5FFFF  }
0xad: {  	[dreg:$0x1] =	wrdreg $0xFFFFFFFF  }
0xae: {  	[dreg:$0x0] =	wrdreg $0x60  }
0xaf: {  	[dreg:$0x2] =	wrdreg s2  }
0xb0: {  	[dreg:$0x3] =	wrdreg s24  }
0xb1: {  	[dreg:$0x4] =	wrdreg s18  }
0xb2: {  	[dreg:$0x5] =	wrdreg $0xBC800  }
0xb3: {  	[dreg:$0x6] =	wrdreg $0x1FC800  }
0xb4: {  	[dreg:$0x7] =	wrdreg $0x9  }
0xb5: {  	_ =	task.clear_ibuf [dreg:s8], $0x8FFFF;
	_ =	strace $0x90000046  }
0xb6: {  	s29 =	simm.s32 $0x9;
	_ =	strace $0x80000048  }
0xb7: {  	_ =	swait.ge [sflag:s29], $0x1  }
0xb8: {  	[sflag:s29] =	ssyncadd.s32 $0xFFFFFFFF  }
0xb9: {  	_ =	strace $0x90000048  }
0xba: {  	_ =	sfence  }
0xbb: {  	s30 =	sld [smem:$0x0];
	_ =	sdelay $0x2  }
0xbc: {  	s31 =	sshll.u32 s1, $0xD;
	s1 =	sshrl.u32 s1, $0x2  }
0xbd: {  	s3 =	sand.u32 $0x4000, s31;
	s1 =	sadd.s32 s1, s30  }
0xbe: {  	s0 =	sor.u32 s3, s0;
	s1 =	sshll.u32 s1, $0x11  }
0xbf: {  	s0 =	sor.u32 s1, s0  }
0xc0: {  	s0 =	sadd.s32 $0x8F2B, s0  }
0xc1: {  	[sflag:s0] =	ssyncadd.remote.s32 $0x1  }
0xc2: {  	_ =	sfence.sel $0xFFFF  }
0xc3: {  	[dreg:$0x0] =	wrdreg $0xFFFFFFFF;
	(pc) =	sbr.abs _section_cstart, $3  }
0xc4: {  	[dreg:$0x1] =	wrdreg $0xFFFFFFFF  }
0xc5: {  	_ =	task.clear_ibuf [dreg:s8], $0x2FFFF;
	_ =	strace $0x9FFFFFFF  }
0xc6: {  	(tm) =	ssettm $0x7FFFFFFF  }
0xc7: {  	_ =	shalt  }
tec
execute0_lowered:
.L_overlay_start_1:
0x0: {  	(tag) =	ssettag $0x1  }
0x1: {  	s0 =	rddreg [dreg:$0x0]  }
0x2: {  	s1 =	rddreg [dreg:$0x1]  }
0x3: {  	s2 =	rddreg [dreg:$0x2]  }
0x4: {  	s3 =	rddreg [dreg:$0x3];
	s13 =	stileid.u32  }
0x5: {  	s5 =	srdreg.scid;
	s8 =	smul.u32 $0x14000, s13  }
0x6: {  	s4 =	rddreg [dreg:$0x4];
	s29 =	simm.s32 $0x1;
	s9 =	smul.u32 $0x500, s13  }
0x7: {  	s30 =	simm.s32 $0x4000;
	s31 =	simm.s32 $0x4080;
	s17 =	smul.u32 $0x50000, s13  }
0x8: {  	s28 =	simm.s32 $0x50;
	s7 =	sand.u32 $0x1, s5;
	s25 =	smul.u32 $0xA00, s13  }
0x9: {  	s5 =	simm.s32 $0x0;
	s11 =	sshll.u32 s13, $0x1;
	s14 =	smul.u32 $0x4E20, s13  }
0xa: {  	s13 =	simm.s32 $0xA;
	s6 =	smul.u32 $0x140000, s7;
	[smem:$0x7FF] =	sst s5  }
0xb: {  	s10 =	sshll.u32 s7, $0x7;
	s18 =	ssub.s32 $0x2, s7;
	s11 =	sor.u32 s7, s11  }
0xc: {  	s7 =	smul.u32 $0x2710, s7;
	_ =	strace $0x80000047;
	s9 =	sor.u32 s10, s9  }
0xd: {  	s12 =	sshrl.u32 s18, $0x1;
	s10 =	sshrl.u32 s17, $0x2;
	s19 =	sshll.u32 s11, $0xB  }
0xe: {  	s20 =	smul.u32 $0x2710, s11;
	s11 =	simm.s32 $0xB980;
	s8 =	sadd.s32 s8, s6  }
0xf: {  	s6 =	sadd.s32 $0x2A00, s1;
	s9 =	sshrl.u32 s9, $0x3;
	s2 =	sadd.s32 s2, s19  }
0x10: {  	s22 =	sadd.s32 s10, s3;
	s8 =	sshrl.u32 s8, $0x3;
	[dreg:$0x7] =	wrdreg s2  }
0x11: {  	s21 =	sadd.s32 $0x2800, s22;
	s23 =	sadd.s32 $0x5000, s22;
	[dreg:$0x6] =	wrdreg s22  }
0x12: {  	s24 =	sadd.s32 $0x7800, s22;
	s26 =	sadd.s32 $0xA000, s22;
	[dreg:$0x8] =	wrdreg s21  }
0x13: {  	s15 =	sadd.s32 $0xF000, s22;
	s10 =	sshrl.u32 s20, $0x3;
	[dreg:$0x9] =	wrdreg s23  }
0x14: {  	s16 =	sadd.s32 $0x11800, s22;
	s2 =	sshrl.u32 s25, $0x2;
	[dreg:$0xa] =	wrdreg s24  }
0x15: {  	s8 =	sadd.s32 s8, s1;
	s1 =	sadd.s32 s9, s1;
	[dreg:$0xb] =	wrdreg s26  }
0x16: {  	s9 =	ssub.s32 s18, s12;
	s12 =	sadd.s32 $0xC800, s22;
	[dreg:$0xd] =	wrdreg s15  }
0x17: {  	[dreg:$0xe] =	wrdreg s16;
	s10 =	sadd.s32 s6, s10;
	s23 =	sadd.s32 s2, s4  }
0x18: {  	s18 =	sadd.s32 s7, s14;
	s2 =	simm.s32 $0x4100;
	s14 =	simm.s32 $0x8  }
0x19: {  	s15 =	simm.s32 $0x9;
	s16 =	simm.s32 $0x0;
	[dreg:$0xc] =	wrdreg s12  }
0x1a: {  	[dreg:$0xf] =	wrdreg s10;
	s17 =	sadd.s32 $0xA, s10;
	s19 =	sadd.s32 $0xD200, s8  }
0x1b: {  	s1 =	sadd.s32 $0xC800, s1;
	s20 =	sadd.s32 $0x140, s18;
	[dreg:$0x10] =	wrdreg s23  }
0x1c: {  	s21 =	smax.u32 s9, $0x1;
	s24 =	sadd.s32 $0xA0, s18;
	[dreg:$0x11] =	wrdreg s17  }
0x1d: {  	s25 =	sadd.s32 $0xF0, s18;
	s8 =	simm.s32 $0x3;
	[dreg:$0x12] =	wrdreg s19  }
0x1e: {  	s9 =	simm.s32 $0x6980;
	s10 =	simm.s32 $0x5;
	[dreg:$0x13] =	wrdreg s1  }
0x1f: {  	s12 =	simm.s32 $0x6;
	s18 =	simm.s32 $0x4;
	[dreg:$0x14] =	wrdreg s21  }
0x20: {  	s1 =	sshrl.u32 s20, $0x3;
	[dreg:$0x16] =	wrdreg s25;
	s26 =	sshrl.u32 s24, $0x3  }
0x21: {  	s25 =	simm.s32 $0x4180;
	s24 =	simm.s32 $0xB;
	s1 =	sadd.s32 s1, s6  }
0x22: {  	s19 =	simm.s32 $0x9180;
	[dreg:$0x15] =	wrdreg s1;
	s1 =	sadd.s32 s26, s6  }
0x23: {  	v0 =	vimm.f32 $0.0e+00;
	v1 =	vimm.f32 $1.000000000e+00;
	s20 =	simm.s32 $0x7;
	[dreg:$0x17] =	wrdreg s1;
	s1 =	simm.s32 $0x2  }
.LBB2_1:
0x24: {  	s7 =	rddreg [dreg:$0x7];
	s21 =	sand.u32 $0xFE00, s5  }
0x25: {  	[tilespmem:s5], [sflag:$0x1] =	stream.linear.gather [hbm4b:s7+s5], $0x3E80, $0x38;
	[tilespmem:$0x1FF00] =	vst v63  }
0x26: {  	[dreg:$0x18] =	wrdreg s16;
	s26 =	sand.u32 $0x70, s5;
	s17 =	sshrl.u32 s21, $0x2  }
0x27: {  	s16 =	simm.s32 $0x0;
	s7 =	simm.s32 $0x40;
	s17 =	sor.u32 s26, s17  }
.LBB2_2:
0x28: {  	p0 =	sne.s32 s7, $0x9FC0  }
0x29: {  	[tilespmem:s17+$0x4180] =	vst v0;
	s16 =	sadd.s32 $0x10, s16;
	s17 =	smov.u32 s7;
	s7 =	sadd.s32 $0x40, s7  }
.Ltmp0:
0x2a: {  	(pc) =	sbr.rel @p0 .LBB2_2-.Ltmp0, $4  }
0x2b: {  	_ = 	snop  }
0x2c: {  	s17 =	sand.u32 $0xFE00, s17  }
0x2d: {  	s21 =	sand.u32 $0x70, s16;
	s17 =	sshrl.u32 s17, $0x2  }
0x2e: {  	s17 =	sor.u32 s21, s17  }
0x2f: {  	[tilespmem:s17+$0x4180] =	vst v0  }
0x30: {  	[spmem:s22] =	stream.linear.scatter [tilespmem:s25], [sflag:$0xB], $0x2800, $0x38;
	[tilespmem:$0x1FF00] =	vst v63  }
0x31: {  	_ =	swait.ge [sflag:s24], $0x2800  }
0x32: {  	[sflag:s24] =	ssyncset.done $0x0  }
0x33: {  	s7 =	rddreg [dreg:$0x8];
	[sflag:s24] =	ssyncadd.s32 $0xFFFFD800  }
0x34: {  	[spmem:s7] =	stream.linear.scatter [tilespmem:s25], [sflag:$0xB], $0x2800, $0x38;
	[tilespmem:$0x1FF00] =	vst v63  }
0x35: {  	_ =	swait.ge [sflag:s24], $0x2800  }
0x36: {  	[sflag:s24] =	ssyncset.done $0x0  }
0x37: {  	s21 =	rddreg [dreg:$0x9];
	[sflag:s24] =	ssyncadd.s32 $0xFFFFD800  }
0x38: {  	[spmem:s21] =	stream.linear.scatter [tilespmem:s25], [sflag:$0xB], $0x2800, $0x38;
	[tilespmem:$0x1FF00] =	vst v63  }
0x39: {  	_ =	swait.ge [sflag:s24], $0x2800  }
0x3a: {  	[sflag:s24] =	ssyncset.done $0x0  }
0x3b: {  	s22 =	rddreg [dreg:$0xa];
	[sflag:s24] =	ssyncadd.s32 $0xFFFFD800  }
0x3c: {  	[spmem:s22] =	stream.linear.scatter [tilespmem:s25], [sflag:$0xB], $0x2800, $0x38;
	[tilespmem:$0x1FF00] =	vst v63  }
0x3d: {  	_ =	swait.ge [sflag:s24], $0x2800  }
0x3e: {  	[sflag:s24] =	ssyncset.done $0x0  }
0x3f: {  	s26 =	rddreg [dreg:$0xb];
	[sflag:s24] =	ssyncadd.s32 $0xFFFFD800  }
0x40: {  	[spmem:s26] =	stream.linear.scatter [tilespmem:s25], [sflag:$0xB], $0x2800, $0x38;
	[tilespmem:$0x1FF00] =	vst v63  }
0x41: {  	_ =	swait.ge [sflag:s24], $0x2800  }
0x42: {  	[sflag:s24] =	ssyncset.done $0x0  }
0x43: {  	s16 =	rddreg [dreg:$0xc];
	[sflag:s24] =	ssyncadd.s32 $0xFFFFD800  }
0x44: {  	[spmem:s16] =	stream.linear.scatter [tilespmem:s25], [sflag:$0xB], $0x2800, $0x38;
	[tilespmem:$0x1FF00] =	vst v63  }
0x45: {  	_ =	swait.ge [sflag:s24], $0x2800  }
0x46: {  	[sflag:s24] =	ssyncset.done $0x0  }
0x47: {  	s17 =	rddreg [dreg:$0xd];
	[sflag:s24] =	ssyncadd.s32 $0xFFFFD800  }
0x48: {  	[spmem:s17] =	stream.linear.scatter [tilespmem:s25], [sflag:$0xB], $0x2800, $0x38;
	[tilespmem:$0x1FF00] =	vst v63  }
0x49: {  	_ =	swait.ge [sflag:s24], $0x2800  }
0x4a: {  	[sflag:s24] =	ssyncset.done $0x0  }
0x4b: {  	s21 =	rddreg [dreg:$0xe];
	[sflag:s24] =	ssyncadd.s32 $0xFFFFD800  }
0x4c: {  	[spmem:s21] =	stream.linear.scatter [tilespmem:s25], [sflag:$0xB], $0x2800, $0x38;
	[tilespmem:$0x1FF00] =	vst v63  }
0x4d: {  	_ =	swait.ge [sflag:s24], $0x2800  }
0x4e: {  	[sflag:s24] =	ssyncset.done $0x0  }
0x4f: {  	[sflag:s24] =	ssyncadd.s32 $0xFFFFD800  }
0x50: {  	[tilespmem:$0xB980] =	vst v1  }
0x51: {  	[tilespmem:$0xB990] =	vst v1  }
0x52: {  	[tilespmem:$0xB9A0] =	vst v1  }
0x53: {  	[tilespmem:$0xB9B0] =	vst v1  }
0x54: {  	[tilespmem:$0xB9C0] =	vst v1  }
0x55: {  	[tilespmem:$0xBA00] =	vst v0  }
0x56: {  	[tilespmem:$0xBA10] =	vst v0  }
0x57: {  	[tilespmem:$0xBA20] =	vst v0  }
0x58: {  	[tilespmem:$0xBA30] =	vst v0  }
0x59: {  	[tilespmem:$0xBA40] =	vst v0  }
0x5a: {  	[tilespmem:$0xBA50] =	vst v0  }
0x5b: {  	[tilespmem:$0xBA60] =	vst v0  }
0x5c: {  	[tilespmem:$0xBA70] =	vst v0  }
0x5d: {  	[tilespmem:$0xBA80] =	vst v0  }
0x5e: {  	[tilespmem:$0xBA90] =	vst v0  }
0x5f: {  	[tilespmem:$0xBAA0] =	vst v0  }
0x60: {  	[tilespmem:$0xBAB0] =	vst v0  }
0x61: {  	[tilespmem:$0xBAC0] =	vst v0  }
0x62: {  	[tilespmem:$0xBAD0] =	vst v0  }
0x63: {  	[tilespmem:$0xBAE0] =	vst v0  }
0x64: {  	[tilespmem:$0xBAF0] =	vst v0  }
0x65: {  	[tilespmem:$0xBB00] =	vst v0  }
0x66: {  	[tilespmem:$0xBB10] =	vst v0  }
0x67: {  	[tilespmem:$0xBB20] =	vst v0  }
0x68: {  	[tilespmem:$0xBB30] =	vst v0  }
0x69: {  	[tilespmem:$0xBB40] =	vst v0  }
0x6a: {  	[tilespmem:$0xBB50] =	vst v0  }
0x6b: {  	[tilespmem:$0xBB60] =	vst v0  }
0x6c: {  	[tilespmem:$0xBB70] =	vst v0  }
0x6d: {  	[tilespmem:$0xBB80] =	vst v0  }
0x6e: {  	[tilespmem:$0xBB90] =	vst v0  }
0x6f: {  	[tilespmem:$0xBBA0] =	vst v0  }
0x70: {  	[tilespmem:$0xBBB0] =	vst v0  }
0x71: {  	[tilespmem:$0xBBC0] =	vst v0  }
0x72: {  	[tilespmem:$0xBBD0] =	vst v0  }
0x73: {  	[tilespmem:$0xBBE0] =	vst v0  }
0x74: {  	[tilespmem:$0xBBF0] =	vst v0  }
0x75: {  	[tilespmem:$0xBC00] =	vst v0  }
0x76: {  	[tilespmem:$0xBC10] =	vst v0  }
0x77: {  	[tilespmem:$0xBC20] =	vst v0  }
0x78: {  	[tilespmem:$0xBC30] =	vst v0  }
0x79: {  	[tilespmem:$0xBC40] =	vst v0  }
0x7a: {  	[tilespmem:$0xBC50] =	vst v0  }
0x7b: {  	[tilespmem:$0xBC60] =	vst v0  }
0x7c: {  	s22 =	simm.s32 $0xBA00;
	[tilespmem:$0xBC70] =	vst v0  }
0x7d: {  	[spmem:s23] =	stream.linear.scatter [tilespmem:s22], [sflag:$0xB], $0x280, $0x38;
	[tilespmem:$0x1FF00] =	vst v63  }
0x7e: {  	_ =	swait.ge [sflag:s24], $0x280  }
0x7f: {  	[sflag:s24] =	ssyncset.done $0x0  }
0x80: {  	[sflag:s24] =	ssyncadd.s32 $0xFFFFFD80  }
0x81: {  	_ =	swait.ge [sflag:s29], $0x3E80  }
0x82: {  	[sflag:s29] =	ssyncset.done $0x0  }
0x83: {  	[sflag:s29] =	ssyncadd.s32 $0xFFFFC180  }
0x84: {  	[bflag:$0x0] =	sbarrier.arrive $0xFFFF  }
0x85: {  	s16 =	simm.s32 $0x0;
	s24 =	rddreg [dreg:$0xf]  }
0x86: {  	[tilespmem:s30], [sflag:$0x2] =	stream.linear.gather [hbm4b:s24+s16], $0x50, $0x38;
	[tilespmem:$0x1FF00] =	vst v63  }
0x87: {  	s26 =	rddreg [dreg:$0x11]  }
0x88: {  	[tilespmem:s31], [sflag:$0x3] =	stream.linear.gather [hbm4b:s26+s16], $0x50, $0x38;
	[tilespmem:$0x1FF00] =	vst v63  }
0x89: {  	_ =	swait.ge [sflag:s1], $0x50  }
0x8a: {  	s24 =	rddreg [dreg:$0x17]  }
0x8b: {  	[sflag:s1] =	ssyncset.done $0x0;
	s23 =	rddreg [dreg:$0x16]  }
0x8c: {  	s17 =	simm.s32 $0x0;
	s22 =	rddreg [dreg:$0x15];
	[sflag:s1] =	ssyncadd.s32 $0xFFFFFFB0  }
0x8d: {  	[tilespmem:s25], [sflag:$0x5] =	stream.indirect.gather [hbm4b:s0+s28], $0x80, s30, s28, $0xb8;
	[tilespmem:$0x1FF00] =	vst v63  }
.LBB2_4:
0x8e: {  	p0 =	seq.s32 s17, $0x0  }
.Ltmp1:
0x8f: {  	_ = 	snop;
	(pc) =	sbr.rel @p0 .LBB2_7-.Ltmp1, $1  }
0x90: {  	_ =	sdelay $0x3  }
0x91: {  	p0 =	seq.s32 s17, $0x29  }
.Ltmp2:
0x92: {  	_ = 	snop;
	(pc) =	sbr.rel @p0 .LBB2_8-.Ltmp2, $1  }
0x93: {  	_ =	sdelay $0x3  }
0x94: {  	_ =	swait.ge [sflag:s13], $0x2800  }
0x95: {  	[sflag:s13] =	ssyncset.done $0x0  }
0x96: {  	[sflag:s13] =	ssyncadd.s32 $0xFFFFD800  }
.LBB2_7:
0x97: {  	[tilespmem:s2], [sflag:$0x4] =	stream.linear.gather [hbm4b:s24+s5], $0x50, $0x38;
	[tilespmem:$0x1FF00] =	vst v63  }
.LBB2_8:
0x98: {  	_ =	swait.ge [sflag:s8], $0x50  }
0x99: {  	[sflag:s8] =	ssyncset.done $0x0  }
0x9a: {  	[sflag:s8] =	ssyncadd.s32 $0xFFFFFFB0  }
0x9b: {  	[tilespmem:s9], [sflag:$0x6] =	stream.indirect.gather [hbm4b:s0+s28], $0x80, s31, s28, $0xb8;
	[tilespmem:$0x1FF00] =	vst v63  }
0x9c: {  	p0 =	seq.s32 s16, $0xF600;
	_ =	swait.ge [sflag:s10], $0x2800  }
.Ltmp3:
0x9d: {  	[sflag:s10] =	ssyncset.done $0x0;
	(pc) =	sbr.rel @p0 .LBB2_10-.Ltmp3, $4  }
0x9e: {  	s7 =	sshra.s32 s16, $0x2;
	[sflag:s10] =	ssyncadd.s32 $0xFFFFD800  }
0x9f: {  	[spmem:s3] =	stream.indirect.scatter.add.f32 [tilespmem:s25], [sflag:$0x8], $0x80, s7, s28, $0xb8;
	[tilespmem:$0x1FF00] =	vst v63  }
0xa0: {  	s21 =	sadd.s32 $0x80, s7  }
0xa1: {  	[spmem:s4] =	stream.indirect.scatter.add.f32 [tilespmem:s11], [sflag:$0x1], $0x1, s7, s28, $0xb8;
	[tilespmem:$0x1FF00] =	vst v63  }
0xa2: {  	_ =	swait.ge [sflag:s14], $0x2800  }
0xa3: {  	s26 =	sshrl.u32 s23, $0x3;
	[sflag:s14] =	ssyncset.done $0x0  }
0xa4: {  	s26 =	sadd.s32 s6, s26;
	[sflag:s14] =	ssyncadd.s32 $0xFFFFD800  }
0xa5: {  	[tilespmem:s30], [sflag:$0x2] =	stream.linear.gather [hbm4b:s26+s5], $0x50, $0x38;
	[tilespmem:$0x1FF00] =	vst v63  }
0xa6: {  	_ =	swait.ge [sflag:s18], $0x50  }
0xa7: {  	[sflag:s18] =	ssyncset.done $0x0  }
0xa8: {  	[sflag:s18] =	ssyncadd.s32 $0xFFFFFFB0  }
0xa9: {  	[tilespmem:s19], [sflag:$0x7] =	stream.indirect.gather [hbm4b:s0+s28], $0x80, s2, s28, $0xb8;
	[tilespmem:$0x1FF00] =	vst v63  }
0xaa: {  	_ =	swait.ge [sflag:s12], $0x2800  }
0xab: {  	[sflag:s12] =	ssyncset.done $0x0  }
0xac: {  	[sflag:s12] =	ssyncadd.s32 $0xFFFFD800  }
0xad: {  	[spmem:s3] =	stream.indirect.scatter.add.f32 [tilespmem:s9], [sflag:$0x9], $0x80, s21, s28, $0xb8;
	[tilespmem:$0x1FF00] =	vst v63  }
0xae: {  	_ = 	snop  }
0xaf: {  	[spmem:s4] =	stream.indirect.scatter.add.f32 [tilespmem:s11], [sflag:$0x1], $0x1, s21, s28, $0xb8;
	[tilespmem:$0x1FF00] =	vst v63  }
0xb0: {  	_ =	swait.ge [sflag:s15], $0x2800  }
0xb1: {  	[sflag:s15] =	ssyncset.done $0x0  }
0xb2: {  	[sflag:s15] =	ssyncadd.s32 $0xFFFFD800  }
0xb3: {  	[tilespmem:s31], [sflag:$0x3] =	stream.linear.gather [hbm4b:s22+s5], $0x50, $0x38;
	[tilespmem:$0x1FF00] =	vst v63  }
0xb4: {  	_ =	swait.ge [sflag:s1], $0x50  }
0xb5: {  	[sflag:s1] =	ssyncset.done $0x0  }
0xb6: {  	[sflag:s1] =	ssyncadd.s32 $0xFFFFFFB0  }
0xb7: {  	[tilespmem:s25], [sflag:$0x5] =	stream.indirect.gather [hbm4b:s0+s28], $0x80, s30, s28, $0xb8;
	[tilespmem:$0x1FF00] =	vst v63  }
0xb8: {  	_ =	swait.ge [sflag:s20], $0x2800  }
.Ltmp4:
0xb9: {  	s7 =	sadd.s32 $0x100, s7;
	[sflag:s20] =	ssyncset.done $0x0;
	(pc) =	sbr.rel .LBB2_4-.Ltmp4, $4  }
0xba: {  	s17 =	sadd.s32 $0x1, s17;
	s23 =	sadd.s32 $0xF0, s23;
	[sflag:s20] =	ssyncadd.s32 $0xFFFFD800  }
0xbb: {  	[spmem:s3] =	stream.indirect.scatter.add.f32 [tilespmem:s19], [sflag:$0xA], $0x80, s7, s28, $0xb8;
	[tilespmem:$0x1FF00] =	vst v63  }
0xbc: {  	s16 =	sadd.s32 $0x600, s16;
	s24 =	sadd.s32 $0x1E, s24;
	s22 =	sadd.s32 $0x1E, s22  }
0xbd: {  	[spmem:s4] =	stream.indirect.scatter.add.f32 [tilespmem:s11], [sflag:$0x1], $0x1, s7, s28, $0xb8;
	[tilespmem:$0x1FF00] =	vst v63  }
.LBB2_10:
0xbe: {  	_ =	swait.ge [sflag:s12], $0x2800  }
0xbf: {  	[sflag:s12] =	ssyncset.done $0x0  }
0xc0: {  	[sflag:s12] =	ssyncadd.s32 $0xFFFFD800  }
0xc1: {  	[spmem:s3] =	stream.indirect.scatter.add.f32 [tilespmem:s9], [sflag:$0x9], $0x80, s21, s28, $0xb8;
	[tilespmem:$0x1FF00] =	vst v63  }
0xc2: {  	_ = 	snop  }
0xc3: {  	[spmem:s4] =	stream.indirect.scatter.add.f32 [tilespmem:s11], [sflag:$0x1], $0x1, s21, s28, $0xb8;
	[tilespmem:$0x1FF00] =	vst v63  }
0xc4: {  	_ =	swait.ge [sflag:s13], $0x2800  }
0xc5: {  	[sflag:s13] =	ssyncset.done $0x0  }
0xc6: {  	[sflag:s13] =	ssyncadd.s32 $0xFFFFD800  }
0xc7: {  	_ =	swait.ge [sflag:s14], $0x2800  }
0xc8: {  	[sflag:s14] =	ssyncset.done $0x0  }
0xc9: {  	[sflag:s14] =	ssyncadd.s32 $0xFFFFD800  }
0xca: {  	_ =	swait.ge [sflag:s15], $0x2800  }
0xcb: {  	[sflag:s15] =	ssyncset.done $0x0  }
0xcc: {  	[sflag:s15] =	ssyncadd.s32 $0xFFFFD800  }
0xcd: {  	_ =	swait.ge [sflag:s29], $0x50  }
0xce: {  	s7 =	simm.s32 $0x7C;
	[sflag:s29] =	ssyncset.done $0x0  }
.LBB2_11:
0xcf: {  	p0 =	sne.s32 s7, $0x1;
	s7 =	sadd.s32 $0xFFFFFFFF, s7;
	[sflag:s29] =	ssyncadd.s32 $0xFFFFFFB0  }
.Ltmp5:
0xd0: {  	(pc) =	sbr.rel @p0 .LBB2_11-.Ltmp5, $3  }
0xd1: {  	_ =	sdelay $0x1  }
0xd2: {  	_ =	swait.ge [sflag:s29], $0x50  }
0xd3: {  	[sflag:s29] =	ssyncset.done $0x0  }
0xd4: {  	[sflag:s29] =	ssyncadd.s32 $0xFFFFFFB0  }
0xd5: {  	s7 =	stileid.u32;
	[bflag:$0x0] =	sbarrier.arrive $0xFFFF  }
0xd6: {  	s24 =	simm.s32 $0xB;
	s7 =	sshll.u32 s7, $0x6;
	s22 =	rddreg [dreg:$0x6]  }
0xd7: {  	s7 =	sor.u32 $0x1C0B, s7;
	s17 =	rddreg [dreg:$0x12];
	s16 =	sshrl.u32 s22, $0x3  }
0xd8: {  	[hbm:s17], [sflag:s7] =	dma.local [spmem:s16], $0x2800  }
0xd9: {  	s21 =	simm.s32 $0x20;
	_ =	swait.ge [sflag:s24], $0x2800  }
0xda: {  	s26 =	simm.s32 $0x10;
	[sflag:s24] =	ssyncset.done $0x0;
	s23 =	rddreg [dreg:$0x10]  }
0xdb: {  	s17 =	rddreg [dreg:$0x13];
	[sflag:s24] =	ssyncadd.s32 $0xFFFFD800;
	s16 =	sshrl.u32 s23, $0x3  }
0xdc: {  	[hbm:s17@s21], [sflag:s7] =	dma.strided [spmem:s16@s26], $0x50, s29, $0x10   }
0xdd: {  	_ =	swait.ge [sflag:s24], $0x50  }
0xde: {  	s21 =	rddreg [dreg:$0x18]  }
0xdf: {  	s26 =	rddreg [dreg:$0x14];
	s16 =	sadd.s32 $0x1, s21  }
0xe0: {  	p0 =	sne.s32 s16, s26  }
.Ltmp6:
0xe1: {  	_ = 	snop;
	(pc) =	sbr.rel @p0 .LBB2_1-.Ltmp6, $3  }
0xe2: {  	_ =	sdelay $0x1  }
0xe3: {  	[sflag:s24] =	ssyncset.done $0x0  }
0xe4: {  	[sflag:s24] =	ssyncadd.s32 $0xFFFFFFB0  }
0xe5: {  	_ =	sfence.sel $0x180000  }
0xe6: {  	[bflag:$0x0] =	sbarrier.arrive $0xFFFF  }
0xe7: {  	_ =	strace $0x90000047  }
0xe8: {  	s0 =	stileid.u32;
	[bflag:$0x2] =	sbarrier.arrive $0xFFFF  }
0xe9: {  	p0 =	sne.s32 s0, $0x0;
	s0 =	rddreg [dreg:$0x5]  }
0xea: {  	s0 =	sadd.s32 @!p0 $0x100000, s0  }
0xeb: {  	[sflag:s0] =	ssyncadd.tile.s32 @!p0 $0x1;
	_ =	shalt  }
.Lfunc_end2:
_tile_overlayer_lowered:
.L_overlay_start_2:
0xec: {  	(tag) =	ssettag $0x2  }
0xed: {  	s0 =	rddreg [dreg:$0x0];
	s2 =	stileid.u32  }
0xee: {  	s1 =	rddreg [dreg:$0x1];
	p0 =	sne.s32 s2, $0x0  }
0xef: {  	s3 =	rddreg [dreg:$0x2];
	[bflag:$0x3] =	sbarrier.arrive $0xFFFF;
	s2 =	simm.s32 @!p0 $0x1C0B  }
0xf0: {  	[timem:s3], [sflag:s2] =	dma.local @!p0 [hbm:s0], s1  }
0xf1: {  	s0 =	simm.s32 @!p0 $0xB  }
0xf2: {  	_ =	swait.ge @!p0 [sflag:s0], s1  }
0xf3: {  	s1 =	ssub.s32 @!p0 $0x0, s1;
	[sflag:s0] =	ssyncset.done @!p0 $0x0  }
0xf4: {  	[sflag:s0] =	ssyncadd.s32 @!p0 s1  }
0xf5: {  	[bflag:$0x3] =	sbarrier.arrive $0xFFFF  }
0xf6: {  	_ =	shalt  }

</sc_bundles>
